<compile_context>
chip_gen: v7x
topology: tpu7x:2x2x1
jax: 0.10.2.dev20260603
libtpu: 0.0.44.dev20260713+nightly
codegen_flags: <defaults>
</compile_context>

<pallas_src>
import jax
import jax.numpy as jnp
import numpy as np
from jax import lax
from jax.experimental import pallas as pl
from jax.experimental.pallas import tpu as pltpu
from jax.experimental.pallas import tpu_sc as plsc

_RES = 72
_LUTPAD = 96
_DIFLEN = 80
_N, _C, _H, _W = 32, 3, 512, 512
_HW = _H * _W
_LANES = 16
_CHUNK = 8192
_NCHUNK = _HW // _CHUNK
_NSLOT = 2
_NGROUP = _NCHUNK // _NSLOT

_SCL = float(_RES - 1)
_A1 = float(_SCL * np.sqrt(2.0) / 3.0)
_A2 = float(_SCL / (3.0 * np.sqrt(2.0)))
_A3 = float(_SCL / np.sqrt(6.0))
_HALF_SCL = float(0.5 * _SCL)
_SQRT2 = float(np.sqrt(2.0))
_SQRT32 = float(np.sqrt(1.5))
_XLO, _XHI = -0.5 * _SQRT2, 0.5 * _SQRT2
_YLO, _YHI = -0.5 * _SQRT32, 0.5 * _SQRT32


def _sc_body(imgs_hbm, lut_hbm, out_hbm, *rest):
    ins = tuple(rest[3 * s:3 * s + 3] for s in range(_NSLOT))
    outs = tuple(rest[3 * _NSLOT + 3 * s:3 * _NSLOT + 3 * s + 3]
                 for s in range(_NSLOT))
    lut0, lut1, lut2, dif0, dif1, dif2 = rest[6 * _NSLOT:6 * _NSLOT + 6]
    isems = rest[6 * _NSLOT + 6:6 * _NSLOT + 6 + _NSLOT]
    osems = rest[6 * _NSLOT + 6 + _NSLOT:]
    nc = 2
    wid = lax.axis_index("s") * nc + lax.axis_index("c")
    img_base = wid * (_C * _HW)
    lut_base = wid * (_C * _LUTPAD)

    luts = (lut0, lut1, lut2)
    difs = (dif0, dif1, dif2)
    for ch in range(_C):
        pltpu.sync_copy(lut_hbm.at[pl.ds(lut_base + ch * _LUTPAD, _LUTPAD)],
                        luts[ch])
    for ch, scale in ((1, _SQRT2), (2, _SQRT32)):
        for t in range(_LUTPAD // _LANES):
            v = luts[ch][pl.ds(t * _LANES, _LANES)]
            luts[ch][pl.ds(t * _LANES, _LANES)] = (v - 0.5) * scale
    for ch in range(_C):
        for t in range(_DIFLEN // _LANES):
            a = luts[ch][pl.ds(t * _LANES, _LANES)]
            b = luts[ch][pl.ds(t * _LANES + 1, _LANES)]
            d = b - a
            difs[ch][pl.ds(t * _LANES, _LANES)] = d
            kf = (lax.iota(jnp.int32, _LANES) + t * _LANES).astype(
                jnp.float32)
            luts[ch][pl.ds(t * _LANES, _LANES)] = a - kf * d

    def in_copies(c, slot):
        base = img_base + c * _CHUNK
        return [pltpu.make_async_copy(
                    imgs_hbm.at[pl.ds(base + ch * _HW, _CHUNK)],
                    ins[slot][ch], isems[slot])
                for ch in range(_C)]

    def out_copies(c, slot):
        base = img_base + c * _CHUNK
        return [pltpu.make_async_copy(
                    outs[slot][ch],
                    out_hbm.at[pl.ds(base + ch * _HW, _CHUNK)], osems[slot])
                for ch in range(_C)]

    def start(copies):
        for cp in copies:
            cp.start()

    def wait(copies):
        for cp in copies:
            cp.wait()

    def compute(slot):
        i0, i1, i2 = ins[slot]
        o0, o1, o2 = outs[slot]

        @plsc.parallel_loop(0, _CHUNK, _LANES, unroll=6)
        def px_body(off):
            r = i0[pl.ds(off, _LANES)]
            g = i1[pl.ds(off, _LANES)]
            b = i2[pl.ds(off, _LANES)]
            sz = jnp.maximum(jnp.maximum(r, g), b) * _SCL
            sx = r * _A1 - (g + b) * _A2 + _HALF_SCL
            sy = (g - b) * _A3 + _HALF_SCL
            vals = []
            for s, lref, dref, lo, hi in (
                    (sz, lut0, dif0, 0.0, 1.0),
                    (sx, lut1, dif1, _XLO, _XHI),
                    (sy, lut2, dif2, _YLO, _YHI)):
                i = s.astype(jnp.int32)
                e = plsc.load_gather(lref, [i])
                d = plsc.load_gather(dref, [i])
                vals.append(jnp.clip(e + s * d, lo, hi))
            z2, rp, t2 = vals
            t1 = rp * -0.5
            gp = t1 + t2
            bp = t1 - t2
            delta = z2 - jnp.maximum(rp, jnp.maximum(gp, bp))
            o0[pl.ds(off, _LANES)] = jnp.clip(rp + delta, 0.0, 1.0)
            o1[pl.ds(off, _LANES)] = jnp.clip(gp + delta, 0.0, 1.0)
            o2[pl.ds(off, _LANES)] = jnp.clip(bp + delta, 0.0, 1.0)

    for s in range(_NSLOT):
        start(in_copies(s, s))

    def group_body(q, carry):
        c0 = q * _NSLOT
        for s in range(_NSLOT):
            c = c0 + s
            wait(in_copies(c, s))

            @pl.when(q > 0)
            def _():
                wait(out_copies(c - _NSLOT, s))

            compute(s)
            start(out_copies(c, s))

            @pl.when(q < _NGROUP - 1)
            def _():
                start(in_copies(c + _NSLOT, s))

        return carry

    lax.fori_loop(0, _NGROUP, group_body, None)
    for s in range(_NSLOT):
        wait(out_copies(_NCHUNK - _NSLOT + s, s))


@jax.jit
def kernel(imgs, xform_params):
    imgs_flat = imgs.reshape(-1)
    lut = jnp.transpose(xform_params, (0, 2, 1))
    lut = jnp.pad(lut, ((0, 0), (0, 0), (0, _LUTPAD - _RES)), mode="edge")
    lut_flat = lut.reshape(-1)

    mesh = plsc.VectorSubcoreMesh(core_axis_name="c", subcore_axis_name="s")
    run = pl.kernel(
        _sc_body,
        out_type=jax.ShapeDtypeStruct((_N * _C * _HW,), jnp.float32),
        mesh=mesh,
        compiler_params=pltpu.CompilerParams(needs_layout_passes=False),
        scratch_types=(
            [pltpu.VMEM((_CHUNK,), jnp.float32)] * (6 * _NSLOT)
            + [pltpu.VMEM((_LUTPAD,), jnp.float32)] * 3
            + [pltpu.VMEM((_DIFLEN,), jnp.float32)] * 3
            + [pltpu.SemaphoreType.DMA] * (2 * _NSLOT)
        ),
    )
    out_flat = run(imgs_flat, lut_flat)
    return out_flat.reshape(_N, _C, _H, _W)

# --- scband reference (transcript-rebuilt; emitter-appended) ---
"""Pipeline reference for scband-color-transforms-hsv-1297080123785 (READ-ONLY COPY).

The authoritative reference and input builder live on the scoring server;
editing this copy changes nothing except your own understanding.
"""

import jax, jax.numpy as jnp
import numpy as np

RESOLUTION = 72


def from_rgb(imgs):
    r, g, b = imgs[:, 0], imgs[:, 1], imgs[:, 2]
    x = r * np.sqrt(2) / 3 - g / (np.sqrt(2) * 3) - b / (np.sqrt(2) * 3)
    y = g / np.sqrt(6) - b / np.sqrt(6)
    z = jnp.max(imgs, axis=1)
    return jnp.stack([z, x + 0.5, y + 0.5], axis=1)


def to_rgb(imgs):
    z, xp, yp = imgs[:, 0], imgs[:, 1], imgs[:, 2]
    x = xp - 0.5
    y = yp - 0.5
    rp = float(np.sqrt(2)) * x
    gp = -x / np.sqrt(2) + y * np.sqrt(3.0 / 2.0)
    bp = -x / np.sqrt(2) - y * np.sqrt(3.0 / 2.0)
    delta = z - jnp.max(jnp.stack([rp, gp, bp], axis=1), axis=1)
    r, g, b = rp + delta, gp + delta, bp + delta
    return jnp.clip(jnp.stack([r, g, b], axis=1), 0.0, 1.0)


def adversary(imgs, xform_params, resolution=RESOLUTION):
    N, C, H, W = imgs.shape
    x = jnp.transpose(imgs, (0, 2, 3, 1))  # NHWC
    scale = jnp.array([resolution - 1] * C, dtype=jnp.float32)[None, None, None, :]
    imgs_scaled = x * scale
    integer_part = jnp.floor(imgs_scaled).astype(jnp.int32)
    float_part = jnp.mod(imgs_scaled, 1.0)
    transformed_channels = []
    for ch in range(3):
        endpoints = []
        for delta_x in [0, 1]:
            color_index = jnp.clip(integer_part[:, :, :, ch] + delta_x, 0, resolution - 1).reshape(N, -1)
            param_index = jnp.take_along_axis(xform_params[:, :, ch], color_index, axis=1).reshape(N, H, W, 1)
            endpoints.append(param_index)
        fpc = float_part[:, :, :, ch][..., None]
        interp = jnp.clip(endpoints[0] * (1.0 - fpc) + endpoints[1] * fpc, 0.0, 1.0)
        transformed_channels.append(jnp.transpose(interp, (0, 3, 1, 2)))
    return jnp.clip(jnp.concatenate(transformed_channels, axis=1), 0.0, 1.0)


def setup_inputs(seed: int = 0) -> dict:
    key = jax.random.key(seed)
    k1, k2 = jax.random.split(key)
    N, C, H, W = 32, 3, 512, 512
    imgs = jax.random.uniform(k1, (N, C, H, W), dtype=jnp.float32)
    # identity-initialized per-image color transform params [N, resolution, 3]
    identity = (jnp.arange(RESOLUTION, dtype=jnp.float32) / (RESOLUTION - 1))[None, :, None]
    xform_params = jnp.broadcast_to(identity, (N, RESOLUTION, 3)).astype(jnp.float32)
    return {"imgs": imgs, "xform_params": xform_params}


def reference(imgs, xform_params):
    hsv = from_rgb(imgs)
    adv = adversary(hsv, xform_params)
    return jnp.clip(to_rgb(adv), 0.0, 1.0)

if __name__ == "__main__":
    import jax
    _d = setup_inputs()
    print(jax.jit(kernel)(*tuple(_d.values())))

</pallas_src>

<mosaic_0001>
#map = affine_map<(d0, d1) -> (0)>
module attributes {stable_mosaic.version = 14 : i64} {
  func.func @_sc_body(%arg0: i32, %arg1: i32, %arg2: memref<25165824xf32, #tpu.memory_space<hbm>>, %arg3: memref<9216xf32, #tpu.memory_space<hbm>>, %arg4: memref<25165824xf32, #tpu.memory_space<hbm>>, %arg5: memref<8192xf32, #tpu.memory_space<vmem>>, %arg6: memref<8192xf32, #tpu.memory_space<vmem>>, %arg7: memref<8192xf32, #tpu.memory_space<vmem>>, %arg8: memref<8192xf32, #tpu.memory_space<vmem>>, %arg9: memref<8192xf32, #tpu.memory_space<vmem>>, %arg10: memref<8192xf32, #tpu.memory_space<vmem>>, %arg11: memref<8192xf32, #tpu.memory_space<vmem>>, %arg12: memref<8192xf32, #tpu.memory_space<vmem>>, %arg13: memref<8192xf32, #tpu.memory_space<vmem>>, %arg14: memref<8192xf32, #tpu.memory_space<vmem>>, %arg15: memref<8192xf32, #tpu.memory_space<vmem>>, %arg16: memref<8192xf32, #tpu.memory_space<vmem>>, %arg17: memref<96xf32, #tpu.memory_space<vmem>>, %arg18: memref<96xf32, #tpu.memory_space<vmem>>, %arg19: memref<96xf32, #tpu.memory_space<vmem>>, %arg20: memref<80xf32, #tpu.memory_space<vmem>>, %arg21: memref<80xf32, #tpu.memory_space<vmem>>, %arg22: memref<80xf32, #tpu.memory_space<vmem>>, %arg23: memref<!tpu.dma_semaphore, #tpu.memory_space<semaphore_mem>>, %arg24: memref<!tpu.dma_semaphore, #tpu.memory_space<semaphore_mem>>, %arg25: memref<!tpu.dma_semaphore, #tpu.memory_space<semaphore_mem>>, %arg26: memref<!tpu.dma_semaphore, #tpu.memory_space<semaphore_mem>>) attributes {dimension_semantics = [#tpu.dimension_semantics<core_parallel>, #tpu.dimension_semantics<subcore_parallel>], iteration_bounds = array<i64: 2, 16>, scalar_prefetch = 0 : i64, scratch_operands = 22 : i64, tpu.core_type = #tpu.core_type<sc_vector_subcore>, window_params = [{transform_indices = #map}, {transform_indices = #map}, {transform_indices = #map}]} {
    %mul3A = arith.constant 2 : i32
    %mul3A_0 = arith.muli %arg1, %mul3A : i32
    %add3A = arith.addi %mul3A_0, %arg0 : i32
    %mul3A_1 = arith.constant 786432 : i32
    %mul3A_2 = arith.muli %add3A, %mul3A_1 : i32
    %mul3A_3 = arith.constant 288 : i32
    %mul3A_4 = arith.muli %add3A, %mul3A_3 : i32
    %add3A_5 = arith.constant 0 : i32
    %add3A_6 = arith.addi %mul3A_4, %add3A_5 : i32
    "tpu.region"() ({
      %run_scoped3A = tpu.sem_alloc : memref<!tpu.dma_semaphore, #tpu.memory_space<semaphore_mem>>
      %dma_start3A_424 = tpu.memref_slice %arg3[%add3A_6] : memref<9216xf32, #tpu.memory_space<hbm>> -> memref<96xf32, #tpu.memory_space<hbm>>
      %dma_start3A_425 = tpu.memref_slice %arg3[%add3A_6] : memref<9216xf32, #tpu.memory_space<hbm>> -> memref<96xf32, #tpu.memory_space<hbm>>
      tpu.enqueue_dma source(%dma_start3A_425 : memref<96xf32, #tpu.memory_space<hbm>>) target(%arg17 : memref<96xf32, #tpu.memory_space<vmem>>) target_semaphore(%run_scoped3A : memref<!tpu.dma_semaphore, #tpu.memory_space<semaphore_mem>>)
      %dma_wait3A_426 = tpu.memref_slice %arg3[%add3A_6] : memref<9216xf32, #tpu.memory_space<hbm>> -> memref<96xf32, #tpu.memory_space<hbm>>
      %dma_wait3A_427 = tpu.memref_slice %arg3[%add3A_6] : memref<9216xf32, #tpu.memory_space<hbm>> -> memref<96xf32, #tpu.memory_space<hbm>>
      tpu.wait_dma2 semaphore(%run_scoped3A : memref<!tpu.dma_semaphore, #tpu.memory_space<semaphore_mem>>) src(%dma_wait3A_427 : memref<96xf32, #tpu.memory_space<hbm>>) dst(%arg17 : memref<96xf32, #tpu.memory_space<vmem>>)
      tpu.yield
    }) : () -> ()
    %add3A_7 = arith.constant 96 : i32
    %add3A_8 = arith.addi %mul3A_4, %add3A_7 : i32
    "tpu.region"() ({
      %run_scoped3A = tpu.sem_alloc : memref<!tpu.dma_semaphore, #tpu.memory_space<semaphore_mem>>
      %dma_start3A_424 = tpu.memref_slice %arg3[%add3A_8] : memref<9216xf32, #tpu.memory_space<hbm>> -> memref<96xf32, #tpu.memory_space<hbm>>
      %dma_start3A_425 = tpu.memref_slice %arg3[%add3A_8] : memref<9216xf32, #tpu.memory_space<hbm>> -> memref<96xf32, #tpu.memory_space<hbm>>
      tpu.enqueue_dma source(%dma_start3A_425 : memref<96xf32, #tpu.memory_space<hbm>>) target(%arg18 : memref<96xf32, #tpu.memory_space<vmem>>) target_semaphore(%run_scoped3A : memref<!tpu.dma_semaphore, #tpu.memory_space<semaphore_mem>>)
      %dma_wait3A_426 = tpu.memref_slice %arg3[%add3A_8] : memref<9216xf32, #tpu.memory_space<hbm>> -> memref<96xf32, #tpu.memory_space<hbm>>
      %dma_wait3A_427 = tpu.memref_slice %arg3[%add3A_8] : memref<9216xf32, #tpu.memory_space<hbm>> -> memref<96xf32, #tpu.memory_space<hbm>>
      tpu.wait_dma2 semaphore(%run_scoped3A : memref<!tpu.dma_semaphore, #tpu.memory_space<semaphore_mem>>) src(%dma_wait3A_427 : memref<96xf32, #tpu.memory_space<hbm>>) dst(%arg18 : memref<96xf32, #tpu.memory_space<vmem>>)
      tpu.yield
    }) : () -> ()
    %add3A_9 = arith.constant 192 : i32
    %add3A_10 = arith.addi %mul3A_4, %add3A_9 : i32
    "tpu.region"() ({
      %run_scoped3A = tpu.sem_alloc : memref<!tpu.dma_semaphore, #tpu.memory_space<semaphore_mem>>
      %dma_start3A_424 = tpu.memref_slice %arg3[%add3A_10] : memref<9216xf32, #tpu.memory_space<hbm>> -> memref<96xf32, #tpu.memory_space<hbm>>
      %dma_start3A_425 = tpu.memref_slice %arg3[%add3A_10] : memref<9216xf32, #tpu.memory_space<hbm>> -> memref<96xf32, #tpu.memory_space<hbm>>
      tpu.enqueue_dma source(%dma_start3A_425 : memref<96xf32, #tpu.memory_space<hbm>>) target(%arg19 : memref<96xf32, #tpu.memory_space<vmem>>) target_semaphore(%run_scoped3A : memref<!tpu.dma_semaphore, #tpu.memory_space<semaphore_mem>>)
      %dma_wait3A_426 = tpu.memref_slice %arg3[%add3A_10] : memref<9216xf32, #tpu.memory_space<hbm>> -> memref<96xf32, #tpu.memory_space<hbm>>
      %dma_wait3A_427 = tpu.memref_slice %arg3[%add3A_10] : memref<9216xf32, #tpu.memory_space<hbm>> -> memref<96xf32, #tpu.memory_space<hbm>>
      tpu.wait_dma2 semaphore(%run_scoped3A : memref<!tpu.dma_semaphore, #tpu.memory_space<semaphore_mem>>) src(%dma_wait3A_427 : memref<96xf32, #tpu.memory_space<hbm>>) dst(%arg19 : memref<96xf32, #tpu.memory_space<vmem>>)
      tpu.yield
    }) : () -> ()
    %get3A = arith.constant 0 : index
    %get3A_11 = tpu.vector_load %arg18[%get3A] {strides = array<i32>} : memref<96xf32, #tpu.memory_space<vmem>>, vector<16xf32>,
    %sub3A = arith.constant 5.000000e-01 : f32
    %sub3A_12 = vector.broadcast %sub3A : f32 to vector<16xf32>
    %sub3A_13 = arith.subf %get3A_11, %sub3A_12 : vector<16xf32>
    %mul3A_14 = arith.constant 1.41421354 : f32
    %mul3A_15 = vector.broadcast %mul3A_14 : f32 to vector<16xf32>
    %mul3A_16 = arith.mulf %sub3A_13, %mul3A_15 : vector<16xf32>
    %swap3A = arith.constant 0 : index
    %swap3A_17 = tpu.vector_load %arg18[%swap3A] {strides = array<i32>} : memref<96xf32, #tpu.memory_space<vmem>>, vector<16xf32>,
    tpu.vector_store %arg18[%swap3A], %mul3A_16 {strides = array<i32>} : memref<96xf32, #tpu.memory_space<vmem>>, vector<16xf32>,
    %get3A_18 = arith.constant 16 : index
    %get3A_19 = tpu.vector_load %arg18[%get3A_18] {strides = array<i32>} : memref<96xf32, #tpu.memory_space<vmem>>, vector<16xf32>,
    %sub3A_20 = arith.constant 5.000000e-01 : f32
    %sub3A_21 = vector.broadcast %sub3A_20 : f32 to vector<16xf32>
    %sub3A_22 = arith.subf %get3A_19, %sub3A_21 : vector<16xf32>
    %mul3A_23 = arith.constant 1.41421354 : f32
    %mul3A_24 = vector.broadcast %mul3A_23 : f32 to vector<16xf32>
    %mul3A_25 = arith.mulf %sub3A_22, %mul3A_24 : vector<16xf32>
    %swap3A_26 = arith.constant 16 : index
    %swap3A_27 = tpu.vector_load %arg18[%swap3A_26] {strides = array<i32>} : memref<96xf32, #tpu.memory_space<vmem>>, vector<16xf32>,
    tpu.vector_store %arg18[%swap3A_26], %mul3A_25 {strides = array<i32>} : memref<96xf32, #tpu.memory_space<vmem>>, vector<16xf32>,
    %get3A_28 = arith.constant 32 : index
    %get3A_29 = tpu.vector_load %arg18[%get3A_28] {strides = array<i32>} : memref<96xf32, #tpu.memory_space<vmem>>, vector<16xf32>,
    %sub3A_30 = arith.constant 5.000000e-01 : f32
    %sub3A_31 = vector.broadcast %sub3A_30 : f32 to vector<16xf32>
    %sub3A_32 = arith.subf %get3A_29, %sub3A_31 : vector<16xf32>
    %mul3A_33 = arith.constant 1.41421354 : f32
    %mul3A_34 = vector.broadcast %mul3A_33 : f32 to vector<16xf32>
    %mul3A_35 = arith.mulf %sub3A_32, %mul3A_34 : vector<16xf32>
    %swap3A_36 = arith.constant 32 : index
    %swap3A_37 = tpu.vector_load %arg18[%swap3A_36] {strides = array<i32>} : memref<96xf32, #tpu.memory_space<vmem>>, vector<16xf32>,
    tpu.vector_store %arg18[%swap3A_36], %mul3A_35 {strides = array<i32>} : memref<96xf32, #tpu.memory_space<vmem>>, vector<16xf32>,
    %get3A_38 = arith.constant 48 : index
    %get3A_39 = tpu.vector_load %arg18[%get3A_38] {strides = array<i32>} : memref<96xf32, #tpu.memory_space<vmem>>, vector<16xf32>,
    %sub3A_40 = arith.constant 5.000000e-01 : f32
    %sub3A_41 = vector.broadcast %sub3A_40 : f32 to vector<16xf32>
    %sub3A_42 = arith.subf %get3A_39, %sub3A_41 : vector<16xf32>
    %mul3A_43 = arith.constant 1.41421354 : f32
    %mul3A_44 = vector.broadcast %mul3A_43 : f32 to vector<16xf32>
    %mul3A_45 = arith.mulf %sub3A_42, %mul3A_44 : vector<16xf32>
    %swap3A_46 = arith.constant 48 : index
    %swap3A_47 = tpu.vector_load %arg18[%swap3A_46] {strides = array<i32>} : memref<96xf32, #tpu.memory_space<vmem>>, vector<16xf32>,
    tpu.vector_store %arg18[%swap3A_46], %mul3A_45 {strides = array<i32>} : memref<96xf32, #tpu.memory_space<vmem>>, vector<16xf32>,
    %get3A_48 = arith.constant 64 : index
    %get3A_49 = tpu.vector_load %arg18[%get3A_48] {strides = array<i32>} : memref<96xf32, #tpu.memory_space<vmem>>, vector<16xf32>,
    %sub3A_50 = arith.constant 5.000000e-01 : f32
    %sub3A_51 = vector.broadcast %sub3A_50 : f32 to vector<16xf32>
    %sub3A_52 = arith.subf %get3A_49, %sub3A_51 : vector<16xf32>
    %mul3A_53 = arith.constant 1.41421354 : f32
    %mul3A_54 = vector.broadcast %mul3A_53 : f32 to vector<16xf32>
    %mul3A_55 = arith.mulf %sub3A_52, %mul3A_54 : vector<16xf32>
    %swap3A_56 = arith.constant 64 : index
    %swap3A_57 = tpu.vector_load %arg18[%swap3A_56] {strides = array<i32>} : memref<96xf32, #tpu.memory_space<vmem>>, vector<16xf32>,
    tpu.vector_store %arg18[%swap3A_56], %mul3A_55 {strides = array<i32>} : memref<96xf32, #tpu.memory_space<vmem>>, vector<16xf32>,
    %get3A_58 = arith.constant 80 : index
    %get3A_59 = tpu.vector_load %arg18[%get3A_58] {strides = array<i32>} : memref<96xf32, #tpu.memory_space<vmem>>, vector<16xf32>,
    %sub3A_60 = arith.constant 5.000000e-01 : f32
    %sub3A_61 = vector.broadcast %sub3A_60 : f32 to vector<16xf32>
    %sub3A_62 = arith.subf %get3A_59, %sub3A_61 : vector<16xf32>
    %mul3A_63 = arith.constant 1.41421354 : f32
    %mul3A_64 = vector.broadcast %mul3A_63 : f32 to vector<16xf32>
    %mul3A_65 = arith.mulf %sub3A_62, %mul3A_64 : vector<16xf32>
    %swap3A_66 = arith.constant 80 : index
    %swap3A_67 = tpu.vector_load %arg18[%swap3A_66] {strides = array<i32>} : memref<96xf32, #tpu.memory_space<vmem>>, vector<16xf32>,
    tpu.vector_store %arg18[%swap3A_66], %mul3A_65 {strides = array<i32>} : memref<96xf32, #tpu.memory_space<vmem>>, vector<16xf32>,
    %get3A_68 = arith.constant 0 : index
    %get3A_69 = tpu.vector_load %arg19[%get3A_68] {strides = array<i32>} : memref<96xf32, #tpu.memory_space<vmem>>, vector<16xf32>,
    %sub3A_70 = arith.constant 5.000000e-01 : f32
    %sub3A_71 = vector.broadcast %sub3A_70 : f32 to vector<16xf32>
    %sub3A_72 = arith.subf %get3A_69, %sub3A_71 : vector<16xf32>
    %mul3A_73 = arith.constant 1.22474492 : f32
    %mul3A_74 = vector.broadcast %mul3A_73 : f32 to vector<16xf32>
    %mul3A_75 = arith.mulf %sub3A_72, %mul3A_74 : vector<16xf32>
    %swap3A_76 = arith.constant 0 : index
    %swap3A_77 = tpu.vector_load %arg19[%swap3A_76] {strides = array<i32>} : memref<96xf32, #tpu.memory_space<vmem>>, vector<16xf32>,
    tpu.vector_store %arg19[%swap3A_76], %mul3A_75 {strides = array<i32>} : memref<96xf32, #tpu.memory_space<vmem>>, vector<16xf32>,
    %get3A_78 = arith.constant 16 : index
    %get3A_79 = tpu.vector_load %arg19[%get3A_78] {strides = array<i32>} : memref<96xf32, #tpu.memory_space<vmem>>, vector<16xf32>,
    %sub3A_80 = arith.constant 5.000000e-01 : f32
    %sub3A_81 = vector.broadcast %sub3A_80 : f32 to vector<16xf32>
    %sub3A_82 = arith.subf %get3A_79, %sub3A_81 : vector<16xf32>
    %mul3A_83 = arith.constant 1.22474492 : f32
    %mul3A_84 = vector.broadcast %mul3A_83 : f32 to vector<16xf32>
    %mul3A_85 = arith.mulf %sub3A_82, %mul3A_84 : vector<16xf32>
    %swap3A_86 = arith.constant 16 : index
    %swap3A_87 = tpu.vector_load %arg19[%swap3A_86] {strides = array<i32>} : memref<96xf32, #tpu.memory_space<vmem>>, vector<16xf32>,
    tpu.vector_store %arg19[%swap3A_86], %mul3A_85 {strides = array<i32>} : memref<96xf32, #tpu.memory_space<vmem>>, vector<16xf32>,
    %get3A_88 = arith.constant 32 : index
    %get3A_89 = tpu.vector_load %arg19[%get3A_88] {strides = array<i32>} : memref<96xf32, #tpu.memory_space<vmem>>, vector<16xf32>,
    %sub3A_90 = arith.constant 5.000000e-01 : f32
    %sub3A_91 = vector.broadcast %sub3A_90 : f32 to vector<16xf32>
    %sub3A_92 = arith.subf %get3A_89, %sub3A_91 : vector<16xf32>
    %mul3A_93 = arith.constant 1.22474492 : f32
    %mul3A_94 = vector.broadcast %mul3A_93 : f32 to vector<16xf32>
    %mul3A_95 = arith.mulf %sub3A_92, %mul3A_94 : vector<16xf32>
    %swap3A_96 = arith.constant 32 : index
    %swap3A_97 = tpu.vector_load %arg19[%swap3A_96] {strides = array<i32>} : memref<96xf32, #tpu.memory_space<vmem>>, vector<16xf32>,
    tpu.vector_store %arg19[%swap3A_96], %mul3A_95 {strides = array<i32>} : memref<96xf32, #tpu.memory_space<vmem>>, vector<16xf32>,
    %get3A_98 = arith.constant 48 : index
    %get3A_99 = tpu.vector_load %arg19[%get3A_98] {strides = array<i32>} : memref<96xf32, #tpu.memory_space<vmem>>, vector<16xf32>,
    %sub3A_100 = arith.constant 5.000000e-01 : f32
    %sub3A_101 = vector.broadcast %sub3A_100 : f32 to vector<16xf32>
    %sub3A_102 = arith.subf %get3A_99, %sub3A_101 : vector<16xf32>
    %mul3A_103 = arith.constant 1.22474492 : f32
    %mul3A_104 = vector.broadcast %mul3A_103 : f32 to vector<16xf32>
    %mul3A_105 = arith.mulf %sub3A_102, %mul3A_104 : vector<16xf32>
    %swap3A_106 = arith.constant 48 : index
    %swap3A_107 = tpu.vector_load %arg19[%swap3A_106] {strides = array<i32>} : memref<96xf32, #tpu.memory_space<vmem>>, vector<16xf32>,
    tpu.vector_store %arg19[%swap3A_106], %mul3A_105 {strides = array<i32>} : memref<96xf32, #tpu.memory_space<vmem>>, vector<16xf32>,
    %get3A_108 = arith.constant 64 : index
    %get3A_109 = tpu.vector_load %arg19[%get3A_108] {strides = array<i32>} : memref<96xf32, #tpu.memory_space<vmem>>, vector<16xf32>,
    %sub3A_110 = arith.constant 5.000000e-01 : f32
    %sub3A_111 = vector.broadcast %sub3A_110 : f32 to vector<16xf32>
    %sub3A_112 = arith.subf %get3A_109, %sub3A_111 : vector<16xf32>
    %mul3A_113 = arith.constant 1.22474492 : f32
    %mul3A_114 = vector.broadcast %mul3A_113 : f32 to vector<16xf32>
    %mul3A_115 = arith.mulf %sub3A_112, %mul3A_114 : vector<16xf32>
    %swap3A_116 = arith.constant 64 : index
    %swap3A_117 = tpu.vector_load %arg19[%swap3A_116] {strides = array<i32>} : memref<96xf32, #tpu.memory_space<vmem>>, vector<16xf32>,
    tpu.vector_store %arg19[%swap3A_116], %mul3A_115 {strides = array<i32>} : memref<96xf32, #tpu.memory_space<vmem>>, vector<16xf32>,
    %get3A_118 = arith.constant 80 : index
    %get3A_119 = tpu.vector_load %arg19[%get3A_118] {strides = array<i32>} : memref<96xf32, #tpu.memory_space<vmem>>, vector<16xf32>,
    %sub3A_120 = arith.constant 5.000000e-01 : f32
    %sub3A_121 = vector.broadcast %sub3A_120 : f32 to vector<16xf32>
    %sub3A_122 = arith.subf %get3A_119, %sub3A_121 : vector<16xf32>
    %mul3A_123 = arith.constant 1.22474492 : f32
    %mul3A_124 = vector.broadcast %mul3A_123 : f32 to vector<16xf32>
    %mul3A_125 = arith.mulf %sub3A_122, %mul3A_124 : vector<16xf32>
    %swap3A_126 = arith.constant 80 : index
    %swap3A_127 = tpu.vector_load %arg19[%swap3A_126] {strides = array<i32>} : memref<96xf32, #tpu.memory_space<vmem>>, vector<16xf32>,
    tpu.vector_store %arg19[%swap3A_126], %mul3A_125 {strides = array<i32>} : memref<96xf32, #tpu.memory_space<vmem>>, vector<16xf32>,
    %get3A_128 = arith.constant 0 : index
    %get3A_129 = tpu.vector_load %arg17[%get3A_128] {strides = array<i32>} : memref<96xf32, #tpu.memory_space<vmem>>, vector<16xf32>,
    %get3A_130 = arith.constant 1 : index
    %get3A_131 = tpu.vector_load %arg17[%get3A_130] {strides = array<i32>} : memref<96xf32, #tpu.memory_space<vmem>>, vector<16xf32>,
    %sub3A_132 = arith.subf %get3A_131, %get3A_129 : vector<16xf32>
    %swap3A_133 = arith.constant 0 : index
    %swap3A_134 = tpu.vector_load %arg20[%swap3A_133] {strides = array<i32>} : memref<80xf32, #tpu.memory_space<vmem>>, vector<16xf32>,
    tpu.vector_store %arg20[%swap3A_133], %sub3A_132 {strides = array<i32>} : memref<80xf32, #tpu.memory_space<vmem>>, vector<16xf32>,
    %iota3A = tpu.iota {dimensions = array<i32: 0>} : vector<16xi32>
    %add3A_135 = arith.constant 0 : i32
    %add3A_136 = vector.broadcast %add3A_135 : i32 to vector<16xi32>
    %add3A_137 = arith.addi %iota3A, %add3A_136 : vector<16xi32>
    %convert_element_type3A = arith.sitofp %add3A_137 : vector<16xi32> to vector<16xf32>
    %mul3A_138 = arith.mulf %convert_element_type3A, %sub3A_132 : vector<16xf32>
    %sub3A_139 = arith.subf %get3A_129, %mul3A_138 : vector<16xf32>
    %swap3A_140 = arith.constant 0 : index
    %swap3A_141 = tpu.vector_load %arg17[%swap3A_140] {strides = array<i32>} : memref<96xf32, #tpu.memory_space<vmem>>, vector<16xf32>,
    tpu.vector_store %arg17[%swap3A_140], %sub3A_139 {strides = array<i32>} : memref<96xf32, #tpu.memory_space<vmem>>, vector<16xf32>,
    %get3A_142 = arith.constant 16 : index
    %get3A_143 = tpu.vector_load %arg17[%get3A_142] {strides = array<i32>} : memref<96xf32, #tpu.memory_space<vmem>>, vector<16xf32>,
    %get3A_144 = arith.constant 17 : index
    %get3A_145 = tpu.vector_load %arg17[%get3A_144] {strides = array<i32>} : memref<96xf32, #tpu.memory_space<vmem>>, vector<16xf32>,
    %sub3A_146 = arith.subf %get3A_145, %get3A_143 : vector<16xf32>
    %swap3A_147 = arith.constant 16 : index
    %swap3A_148 = tpu.vector_load %arg20[%swap3A_147] {strides = array<i32>} : memref<80xf32, #tpu.memory_space<vmem>>, vector<16xf32>,
    tpu.vector_store %arg20[%swap3A_147], %sub3A_146 {strides = array<i32>} : memref<80xf32, #tpu.memory_space<vmem>>, vector<16xf32>,
    %iota3A_149 = tpu.iota {dimensions = array<i32: 0>} : vector<16xi32>
    %add3A_150 = arith.constant 16 : i32
    %add3A_151 = vector.broadcast %add3A_150 : i32 to vector<16xi32>
    %add3A_152 = arith.addi %iota3A_149, %add3A_151 : vector<16xi32>
    %convert_element_type3A_153 = arith.sitofp %add3A_152 : vector<16xi32> to vector<16xf32>
    %mul3A_154 = arith.mulf %convert_element_type3A_153, %sub3A_146 : vector<16xf32>
    %sub3A_155 = arith.subf %get3A_143, %mul3A_154 : vector<16xf32>
    %swap3A_156 = arith.constant 16 : index
    %swap3A_157 = tpu.vector_load %arg17[%swap3A_156] {strides = array<i32>} : memref<96xf32, #tpu.memory_space<vmem>>, vector<16xf32>,
    tpu.vector_store %arg17[%swap3A_156], %sub3A_155 {strides = array<i32>} : memref<96xf32, #tpu.memory_space<vmem>>, vector<16xf32>,
    %get3A_158 = arith.constant 32 : index
    %get3A_159 = tpu.vector_load %arg17[%get3A_158] {strides = array<i32>} : memref<96xf32, #tpu.memory_space<vmem>>, vector<16xf32>,
    %get3A_160 = arith.constant 33 : index
    %get3A_161 = tpu.vector_load %arg17[%get3A_160] {strides = array<i32>} : memref<96xf32, #tpu.memory_space<vmem>>, vector<16xf32>,
    %sub3A_162 = arith.subf %get3A_161, %get3A_159 : vector<16xf32>
    %swap3A_163 = arith.constant 32 : index
    %swap3A_164 = tpu.vector_load %arg20[%swap3A_163] {strides = array<i32>} : memref<80xf32, #tpu.memory_space<vmem>>, vector<16xf32>,
    tpu.vector_store %arg20[%swap3A_163], %sub3A_162 {strides = array<i32>} : memref<80xf32, #tpu.memory_space<vmem>>, vector<16xf32>,
    %iota3A_165 = tpu.iota {dimensions = array<i32: 0>} : vector<16xi32>
    %add3A_166 = arith.constant 32 : i32
    %add3A_167 = vector.broadcast %add3A_166 : i32 to vector<16xi32>
    %add3A_168 = arith.addi %iota3A_165, %add3A_167 : vector<16xi32>
    %convert_element_type3A_169 = arith.sitofp %add3A_168 : vector<16xi32> to vector<16xf32>
    %mul3A_170 = arith.mulf %convert_element_type3A_169, %sub3A_162 : vector<16xf32>
    %sub3A_171 = arith.subf %get3A_159, %mul3A_170 : vector<16xf32>
    %swap3A_172 = arith.constant 32 : index
    %swap3A_173 = tpu.vector_load %arg17[%swap3A_172] {strides = array<i32>} : memref<96xf32, #tpu.memory_space<vmem>>, vector<16xf32>,
    tpu.vector_store %arg17[%swap3A_172], %sub3A_171 {strides = array<i32>} : memref<96xf32, #tpu.memory_space<vmem>>, vector<16xf32>,
    %get3A_174 = arith.constant 48 : index
    %get3A_175 = tpu.vector_load %arg17[%get3A_174] {strides = array<i32>} : memref<96xf32, #tpu.memory_space<vmem>>, vector<16xf32>,
    %get3A_176 = arith.constant 49 : index
    %get3A_177 = tpu.vector_load %arg17[%get3A_176] {strides = array<i32>} : memref<96xf32, #tpu.memory_space<vmem>>, vector<16xf32>,
    %sub3A_178 = arith.subf %get3A_177, %get3A_175 : vector<16xf32>
    %swap3A_179 = arith.constant 48 : index
    %swap3A_180 = tpu.vector_load %arg20[%swap3A_179] {strides = array<i32>} : memref<80xf32, #tpu.memory_space<vmem>>, vector<16xf32>,
    tpu.vector_store %arg20[%swap3A_179], %sub3A_178 {strides = array<i32>} : memref<80xf32, #tpu.memory_space<vmem>>, vector<16xf32>,
    %iota3A_181 = tpu.iota {dimensions = array<i32: 0>} : vector<16xi32>
    %add3A_182 = arith.constant 48 : i32
    %add3A_183 = vector.broadcast %add3A_182 : i32 to vector<16xi32>
    %add3A_184 = arith.addi %iota3A_181, %add3A_183 : vector<16xi32>
    %convert_element_type3A_185 = arith.sitofp %add3A_184 : vector<16xi32> to vector<16xf32>
    %mul3A_186 = arith.mulf %convert_element_type3A_185, %sub3A_178 : vector<16xf32>
    %sub3A_187 = arith.subf %get3A_175, %mul3A_186 : vector<16xf32>
    %swap3A_188 = arith.constant 48 : index
    %swap3A_189 = tpu.vector_load %arg17[%swap3A_188] {strides = array<i32>} : memref<96xf32, #tpu.memory_space<vmem>>, vector<16xf32>,
    tpu.vector_store %arg17[%swap3A_188], %sub3A_187 {strides = array<i32>} : memref<96xf32, #tpu.memory_space<vmem>>, vector<16xf32>,
    %get3A_190 = arith.constant 64 : index
    %get3A_191 = tpu.vector_load %arg17[%get3A_190] {strides = array<i32>} : memref<96xf32, #tpu.memory_space<vmem>>, vector<16xf32>,
    %get3A_192 = arith.constant 65 : index
    %get3A_193 = tpu.vector_load %arg17[%get3A_192] {strides = array<i32>} : memref<96xf32, #tpu.memory_space<vmem>>, vector<16xf32>,
    %sub3A_194 = arith.subf %get3A_193, %get3A_191 : vector<16xf32>
    %swap3A_195 = arith.constant 64 : index
    %swap3A_196 = tpu.vector_load %arg20[%swap3A_195] {strides = array<i32>} : memref<80xf32, #tpu.memory_space<vmem>>, vector<16xf32>,
    tpu.vector_store %arg20[%swap3A_195], %sub3A_194 {strides = array<i32>} : memref<80xf32, #tpu.memory_space<vmem>>, vector<16xf32>,
    %iota3A_197 = tpu.iota {dimensions = array<i32: 0>} : vector<16xi32>
    %add3A_198 = arith.constant 64 : i32
    %add3A_199 = vector.broadcast %add3A_198 : i32 to vector<16xi32>
    %add3A_200 = arith.addi %iota3A_197, %add3A_199 : vector<16xi32>
    %convert_element_type3A_201 = arith.sitofp %add3A_200 : vector<16xi32> to vector<16xf32>
    %mul3A_202 = arith.mulf %convert_element_type3A_201, %sub3A_194 : vector<16xf32>
    %sub3A_203 = arith.subf %get3A_191, %mul3A_202 : vector<16xf32>
    %swap3A_204 = arith.constant 64 : index
    %swap3A_205 = tpu.vector_load %arg17[%swap3A_204] {strides = array<i32>} : memref<96xf32, #tpu.memory_space<vmem>>, vector<16xf32>,
    tpu.vector_store %arg17[%swap3A_204], %sub3A_203 {strides = array<i32>} : memref<96xf32, #tpu.memory_space<vmem>>, vector<16xf32>,
    %get3A_206 = arith.constant 0 : index
    %get3A_207 = tpu.vector_load %arg18[%get3A_206] {strides = array<i32>} : memref<96xf32, #tpu.memory_space<vmem>>, vector<16xf32>,
    %get3A_208 = arith.constant 1 : index
    %get3A_209 = tpu.vector_load %arg18[%get3A_208] {strides = array<i32>} : memref<96xf32, #tpu.memory_space<vmem>>, vector<16xf32>,
    %sub3A_210 = arith.subf %get3A_209, %get3A_207 : vector<16xf32>
    %swap3A_211 = arith.constant 0 : index
    %swap3A_212 = tpu.vector_load %arg21[%swap3A_211] {strides = array<i32>} : memref<80xf32, #tpu.memory_space<vmem>>, vector<16xf32>,
    tpu.vector_store %arg21[%swap3A_211], %sub3A_210 {strides = array<i32>} : memref<80xf32, #tpu.memory_space<vmem>>, vector<16xf32>,
    %iota3A_213 = tpu.iota {dimensions = array<i32: 0>} : vector<16xi32>
    %add3A_214 = arith.constant 0 : i32
    %add3A_215 = vector.broadcast %add3A_214 : i32 to vector<16xi32>
    %add3A_216 = arith.addi %iota3A_213, %add3A_215 : vector<16xi32>
    %convert_element_type3A_217 = arith.sitofp %add3A_216 : vector<16xi32> to vector<16xf32>
    %mul3A_218 = arith.mulf %convert_element_type3A_217, %sub3A_210 : vector<16xf32>
    %sub3A_219 = arith.subf %get3A_207, %mul3A_218 : vector<16xf32>
    %swap3A_220 = arith.constant 0 : index
    %swap3A_221 = tpu.vector_load %arg18[%swap3A_220] {strides = array<i32>} : memref<96xf32, #tpu.memory_space<vmem>>, vector<16xf32>,
    tpu.vector_store %arg18[%swap3A_220], %sub3A_219 {strides = array<i32>} : memref<96xf32, #tpu.memory_space<vmem>>, vector<16xf32>,
    %get3A_222 = arith.constant 16 : index
    %get3A_223 = tpu.vector_load %arg18[%get3A_222] {strides = array<i32>} : memref<96xf32, #tpu.memory_space<vmem>>, vector<16xf32>,
    %get3A_224 = arith.constant 17 : index
    %get3A_225 = tpu.vector_load %arg18[%get3A_224] {strides = array<i32>} : memref<96xf32, #tpu.memory_space<vmem>>, vector<16xf32>,
    %sub3A_226 = arith.subf %get3A_225, %get3A_223 : vector<16xf32>
    %swap3A_227 = arith.constant 16 : index
    %swap3A_228 = tpu.vector_load %arg21[%swap3A_227] {strides = array<i32>} : memref<80xf32, #tpu.memory_space<vmem>>, vector<16xf32>,
    tpu.vector_store %arg21[%swap3A_227], %sub3A_226 {strides = array<i32>} : memref<80xf32, #tpu.memory_space<vmem>>, vector<16xf32>,
    %iota3A_229 = tpu.iota {dimensions = array<i32: 0>} : vector<16xi32>
    %add3A_230 = arith.constant 16 : i32
    %add3A_231 = vector.broadcast %add3A_230 : i32 to vector<16xi32>
    %add3A_232 = arith.addi %iota3A_229, %add3A_231 : vector<16xi32>
    %convert_element_type3A_233 = arith.sitofp %add3A_232 : vector<16xi32> to vector<16xf32>
    %mul3A_234 = arith.mulf %convert_element_type3A_233, %sub3A_226 : vector<16xf32>
    %sub3A_235 = arith.subf %get3A_223, %mul3A_234 : vector<16xf32>
    %swap3A_236 = arith.constant 16 : index
    %swap3A_237 = tpu.vector_load %arg18[%swap3A_236] {strides = array<i32>} : memref<96xf32, #tpu.memory_space<vmem>>, vector<16xf32>,
    tpu.vector_store %arg18[%swap3A_236], %sub3A_235 {strides = array<i32>} : memref<96xf32, #tpu.memory_space<vmem>>, vector<16xf32>,
    %get3A_238 = arith.constant 32 : index
    %get3A_239 = tpu.vector_load %arg18[%get3A_238] {strides = array<i32>} : memref<96xf32, #tpu.memory_space<vmem>>, vector<16xf32>,
    %get3A_240 = arith.constant 33 : index
    %get3A_241 = tpu.vector_load %arg18[%get3A_240] {strides = array<i32>} : memref<96xf32, #tpu.memory_space<vmem>>, vector<16xf32>,
    %sub3A_242 = arith.subf %get3A_241, %get3A_239 : vector<16xf32>
    %swap3A_243 = arith.constant 32 : index
    %swap3A_244 = tpu.vector_load %arg21[%swap3A_243] {strides = array<i32>} : memref<80xf32, #tpu.memory_space<vmem>>, vector<16xf32>,
    tpu.vector_store %arg21[%swap3A_243], %sub3A_242 {strides = array<i32>} : memref<80xf32, #tpu.memory_space<vmem>>, vector<16xf32>,
    %iota3A_245 = tpu.iota {dimensions = array<i32: 0>} : vector<16xi32>
    %add3A_246 = arith.constant 32 : i32
    %add3A_247 = vector.broadcast %add3A_246 : i32 to vector<16xi32>
    %add3A_248 = arith.addi %iota3A_245, %add3A_247 : vector<16xi32>
    %convert_element_type3A_249 = arith.sitofp %add3A_248 : vector<16xi32> to vector<16xf32>
    %mul3A_250 = arith.mulf %convert_element_type3A_249, %sub3A_242 : vector<16xf32>
    %sub3A_251 = arith.subf %get3A_239, %mul3A_250 : vector<16xf32>
    %swap3A_252 = arith.constant 32 : index
    %swap3A_253 = tpu.vector_load %arg18[%swap3A_252] {strides = array<i32>} : memref<96xf32, #tpu.memory_space<vmem>>, vector<16xf32>,
    tpu.vector_store %arg18[%swap3A_252], %sub3A_251 {strides = array<i32>} : memref<96xf32, #tpu.memory_space<vmem>>, vector<16xf32>,
    %get3A_254 = arith.constant 48 : index
    %get3A_255 = tpu.vector_load %arg18[%get3A_254] {strides = array<i32>} : memref<96xf32, #tpu.memory_space<vmem>>, vector<16xf32>,
    %get3A_256 = arith.constant 49 : index
    %get3A_257 = tpu.vector_load %arg18[%get3A_256] {strides = array<i32>} : memref<96xf32, #tpu.memory_space<vmem>>, vector<16xf32>,
    %sub3A_258 = arith.subf %get3A_257, %get3A_255 : vector<16xf32>
    %swap3A_259 = arith.constant 48 : index
    %swap3A_260 = tpu.vector_load %arg21[%swap3A_259] {strides = array<i32>} : memref<80xf32, #tpu.memory_space<vmem>>, vector<16xf32>,
    tpu.vector_store %arg21[%swap3A_259], %sub3A_258 {strides = array<i32>} : memref<80xf32, #tpu.memory_space<vmem>>, vector<16xf32>,
    %iota3A_261 = tpu.iota {dimensions = array<i32: 0>} : vector<16xi32>
    %add3A_262 = arith.constant 48 : i32
    %add3A_263 = vector.broadcast %add3A_262 : i32 to vector<16xi32>
    %add3A_264 = arith.addi %iota3A_261, %add3A_263 : vector<16xi32>
    %convert_element_type3A_265 = arith.sitofp %add3A_264 : vector<16xi32> to vector<16xf32>
    %mul3A_266 = arith.mulf %convert_element_type3A_265, %sub3A_258 : vector<16xf32>
    %sub3A_267 = arith.subf %get3A_255, %mul3A_266 : vector<16xf32>
    %swap3A_268 = arith.constant 48 : index
    %swap3A_269 = tpu.vector_load %arg18[%swap3A_268] {strides = array<i32>} : memref<96xf32, #tpu.memory_space<vmem>>, vector<16xf32>,
    tpu.vector_store %arg18[%swap3A_268], %sub3A_267 {strides = array<i32>} : memref<96xf32, #tpu.memory_space<vmem>>, vector<16xf32>,
    %get3A_270 = arith.constant 64 : index
    %get3A_271 = tpu.vector_load %arg18[%get3A_270] {strides = array<i32>} : memref<96xf32, #tpu.memory_space<vmem>>, vector<16xf32>,
    %get3A_272 = arith.constant 65 : index
    %get3A_273 = tpu.vector_load %arg18[%get3A_272] {strides = array<i32>} : memref<96xf32, #tpu.memory_space<vmem>>, vector<16xf32>,
    %sub3A_274 = arith.subf %get3A_273, %get3A_271 : vector<16xf32>
    %swap3A_275 = arith.constant 64 : index
    %swap3A_276 = tpu.vector_load %arg21[%swap3A_275] {strides = array<i32>} : memref<80xf32, #tpu.memory_space<vmem>>, vector<16xf32>,
    tpu.vector_store %arg21[%swap3A_275], %sub3A_274 {strides = array<i32>} : memref<80xf32, #tpu.memory_space<vmem>>, vector<16xf32>,
    %iota3A_277 = tpu.iota {dimensions = array<i32: 0>} : vector<16xi32>
    %add3A_278 = arith.constant 64 : i32
    %add3A_279 = vector.broadcast %add3A_278 : i32 to vector<16xi32>
    %add3A_280 = arith.addi %iota3A_277, %add3A_279 : vector<16xi32>
    %convert_element_type3A_281 = arith.sitofp %add3A_280 : vector<16xi32> to vector<16xf32>
    %mul3A_282 = arith.mulf %convert_element_type3A_281, %sub3A_274 : vector<16xf32>
    %sub3A_283 = arith.subf %get3A_271, %mul3A_282 : vector<16xf32>
    %swap3A_284 = arith.constant 64 : index
    %swap3A_285 = tpu.vector_load %arg18[%swap3A_284] {strides = array<i32>} : memref<96xf32, #tpu.memory_space<vmem>>, vector<16xf32>,
    tpu.vector_store %arg18[%swap3A_284], %sub3A_283 {strides = array<i32>} : memref<96xf32, #tpu.memory_space<vmem>>, vector<16xf32>,
    %get3A_286 = arith.constant 0 : index
    %get3A_287 = tpu.vector_load %arg19[%get3A_286] {strides = array<i32>} : memref<96xf32, #tpu.memory_space<vmem>>, vector<16xf32>,
    %get3A_288 = arith.constant 1 : index
    %get3A_289 = tpu.vector_load %arg19[%get3A_288] {strides = array<i32>} : memref<96xf32, #tpu.memory_space<vmem>>, vector<16xf32>,
    %sub3A_290 = arith.subf %get3A_289, %get3A_287 : vector<16xf32>
    %swap3A_291 = arith.constant 0 : index
    %swap3A_292 = tpu.vector_load %arg22[%swap3A_291] {strides = array<i32>} : memref<80xf32, #tpu.memory_space<vmem>>, vector<16xf32>,
    tpu.vector_store %arg22[%swap3A_291], %sub3A_290 {strides = array<i32>} : memref<80xf32, #tpu.memory_space<vmem>>, vector<16xf32>,
    %iota3A_293 = tpu.iota {dimensions = array<i32: 0>} : vector<16xi32>
    %add3A_294 = arith.constant 0 : i32
    %add3A_295 = vector.broadcast %add3A_294 : i32 to vector<16xi32>
    %add3A_296 = arith.addi %iota3A_293, %add3A_295 : vector<16xi32>
    %convert_element_type3A_297 = arith.sitofp %add3A_296 : vector<16xi32> to vector<16xf32>
    %mul3A_298 = arith.mulf %convert_element_type3A_297, %sub3A_290 : vector<16xf32>
    %sub3A_299 = arith.subf %get3A_287, %mul3A_298 : vector<16xf32>
    %swap3A_300 = arith.constant 0 : index
    %swap3A_301 = tpu.vector_load %arg19[%swap3A_300] {strides = array<i32>} : memref<96xf32, #tpu.memory_space<vmem>>, vector<16xf32>,
    tpu.vector_store %arg19[%swap3A_300], %sub3A_299 {strides = array<i32>} : memref<96xf32, #tpu.memory_space<vmem>>, vector<16xf32>,
    %get3A_302 = arith.constant 16 : index
    %get3A_303 = tpu.vector_load %arg19[%get3A_302] {strides = array<i32>} : memref<96xf32, #tpu.memory_space<vmem>>, vector<16xf32>,
    %get3A_304 = arith.constant 17 : index
    %get3A_305 = tpu.vector_load %arg19[%get3A_304] {strides = array<i32>} : memref<96xf32, #tpu.memory_space<vmem>>, vector<16xf32>,
    %sub3A_306 = arith.subf %get3A_305, %get3A_303 : vector<16xf32>
    %swap3A_307 = arith.constant 16 : index
    %swap3A_308 = tpu.vector_load %arg22[%swap3A_307] {strides = array<i32>} : memref<80xf32, #tpu.memory_space<vmem>>, vector<16xf32>,
    tpu.vector_store %arg22[%swap3A_307], %sub3A_306 {strides = array<i32>} : memref<80xf32, #tpu.memory_space<vmem>>, vector<16xf32>,
    %iota3A_309 = tpu.iota {dimensions = array<i32: 0>} : vector<16xi32>
    %add3A_310 = arith.constant 16 : i32
    %add3A_311 = vector.broadcast %add3A_310 : i32 to vector<16xi32>
    %add3A_312 = arith.addi %iota3A_309, %add3A_311 : vector<16xi32>
    %convert_element_type3A_313 = arith.sitofp %add3A_312 : vector<16xi32> to vector<16xf32>
    %mul3A_314 = arith.mulf %convert_element_type3A_313, %sub3A_306 : vector<16xf32>
    %sub3A_315 = arith.subf %get3A_303, %mul3A_314 : vector<16xf32>
    %swap3A_316 = arith.constant 16 : index
    %swap3A_317 = tpu.vector_load %arg19[%swap3A_316] {strides = array<i32>} : memref<96xf32, #tpu.memory_space<vmem>>, vector<16xf32>,
    tpu.vector_store %arg19[%swap3A_316], %sub3A_315 {strides = array<i32>} : memref<96xf32, #tpu.memory_space<vmem>>, vector<16xf32>,
    %get3A_318 = arith.constant 32 : index
    %get3A_319 = tpu.vector_load %arg19[%get3A_318] {strides = array<i32>} : memref<96xf32, #tpu.memory_space<vmem>>, vector<16xf32>,
    %get3A_320 = arith.constant 33 : index
    %get3A_321 = tpu.vector_load %arg19[%get3A_320] {strides = array<i32>} : memref<96xf32, #tpu.memory_space<vmem>>, vector<16xf32>,
    %sub3A_322 = arith.subf %get3A_321, %get3A_319 : vector<16xf32>
    %swap3A_323 = arith.constant 32 : index
    %swap3A_324 = tpu.vector_load %arg22[%swap3A_323] {strides = array<i32>} : memref<80xf32, #tpu.memory_space<vmem>>, vector<16xf32>,
    tpu.vector_store %arg22[%swap3A_323], %sub3A_322 {strides = array<i32>} : memref<80xf32, #tpu.memory_space<vmem>>, vector<16xf32>,
    %iota3A_325 = tpu.iota {dimensions = array<i32: 0>} : vector<16xi32>
    %add3A_326 = arith.constant 32 : i32
    %add3A_327 = vector.broadcast %add3A_326 : i32 to vector<16xi32>
    %add3A_328 = arith.addi %iota3A_325, %add3A_327 : vector<16xi32>
    %convert_element_type3A_329 = arith.sitofp %add3A_328 : vector<16xi32> to vector<16xf32>
    %mul3A_330 = arith.mulf %convert_element_type3A_329, %sub3A_322 : vector<16xf32>
    %sub3A_331 = arith.subf %get3A_319, %mul3A_330 : vector<16xf32>
    %swap3A_332 = arith.constant 32 : index
    %swap3A_333 = tpu.vector_load %arg19[%swap3A_332] {strides = array<i32>} : memref<96xf32, #tpu.memory_space<vmem>>, vector<16xf32>,
    tpu.vector_store %arg19[%swap3A_332], %sub3A_331 {strides = array<i32>} : memref<96xf32, #tpu.memory_space<vmem>>, vector<16xf32>,
    %get3A_334 = arith.constant 48 : index
    %get3A_335 = tpu.vector_load %arg19[%get3A_334] {strides = array<i32>} : memref<96xf32, #tpu.memory_space<vmem>>, vector<16xf32>,
    %get3A_336 = arith.constant 49 : index
    %get3A_337 = tpu.vector_load %arg19[%get3A_336] {strides = array<i32>} : memref<96xf32, #tpu.memory_space<vmem>>, vector<16xf32>,
    %sub3A_338 = arith.subf %get3A_337, %get3A_335 : vector<16xf32>
    %swap3A_339 = arith.constant 48 : index
    %swap3A_340 = tpu.vector_load %arg22[%swap3A_339] {strides = array<i32>} : memref<80xf32, #tpu.memory_space<vmem>>, vector<16xf32>,
    tpu.vector_store %arg22[%swap3A_339], %sub3A_338 {strides = array<i32>} : memref<80xf32, #tpu.memory_space<vmem>>, vector<16xf32>,
    %iota3A_341 = tpu.iota {dimensions = array<i32: 0>} : vector<16xi32>
    %add3A_342 = arith.constant 48 : i32
    %add3A_343 = vector.broadcast %add3A_342 : i32 to vector<16xi32>
    %add3A_344 = arith.addi %iota3A_341, %add3A_343 : vector<16xi32>
    %convert_element_type3A_345 = arith.sitofp %add3A_344 : vector<16xi32> to vector<16xf32>
    %mul3A_346 = arith.mulf %convert_element_type3A_345, %sub3A_338 : vector<16xf32>
    %sub3A_347 = arith.subf %get3A_335, %mul3A_346 : vector<16xf32>
    %swap3A_348 = arith.constant 48 : index
    %swap3A_349 = tpu.vector_load %arg19[%swap3A_348] {strides = array<i32>} : memref<96xf32, #tpu.memory_space<vmem>>, vector<16xf32>,
    tpu.vector_store %arg19[%swap3A_348], %sub3A_347 {strides = array<i32>} : memref<96xf32, #tpu.memory_space<vmem>>, vector<16xf32>,
    %get3A_350 = arith.constant 64 : index
    %get3A_351 = tpu.vector_load %arg19[%get3A_350] {strides = array<i32>} : memref<96xf32, #tpu.memory_space<vmem>>, vector<16xf32>,
    %get3A_352 = arith.constant 65 : index
    %get3A_353 = tpu.vector_load %arg19[%get3A_352] {strides = array<i32>} : memref<96xf32, #tpu.memory_space<vmem>>, vector<16xf32>,
    %sub3A_354 = arith.subf %get3A_353, %get3A_351 : vector<16xf32>
    %swap3A_355 = arith.constant 64 : index
    %swap3A_356 = tpu.vector_load %arg22[%swap3A_355] {strides = array<i32>} : memref<80xf32, #tpu.memory_space<vmem>>, vector<16xf32>,
    tpu.vector_store %arg22[%swap3A_355], %sub3A_354 {strides = array<i32>} : memref<80xf32, #tpu.memory_space<vmem>>, vector<16xf32>,
    %iota3A_357 = tpu.iota {dimensions = array<i32: 0>} : vector<16xi32>
    %add3A_358 = arith.constant 64 : i32
    %add3A_359 = vector.broadcast %add3A_358 : i32 to vector<16xi32>
    %add3A_360 = arith.addi %iota3A_357, %add3A_359 : vector<16xi32>
    %convert_element_type3A_361 = arith.sitofp %add3A_360 : vector<16xi32> to vector<16xf32>
    %mul3A_362 = arith.mulf %convert_element_type3A_361, %sub3A_354 : vector<16xf32>
    %sub3A_363 = arith.subf %get3A_351, %mul3A_362 : vector<16xf32>
    %swap3A_364 = arith.constant 64 : index
    %swap3A_365 = tpu.vector_load %arg19[%swap3A_364] {strides = array<i32>} : memref<96xf32, #tpu.memory_space<vmem>>, vector<16xf32>,
    tpu.vector_store %arg19[%swap3A_364], %sub3A_363 {strides = array<i32>} : memref<96xf32, #tpu.memory_space<vmem>>, vector<16xf32>,
    %add3A_366 = arith.constant 0 : i32
    %add3A_367 = arith.addi %mul3A_2, %add3A_366 : i32
    %add3A_368 = arith.constant 0 : i32
    %add3A_369 = arith.addi %add3A_367, %add3A_368 : i32
    %add3A_370 = arith.constant 262144 : i32
    %add3A_371 = arith.addi %add3A_367, %add3A_370 : i32
    %add3A_372 = arith.constant 524288 : i32
    %add3A_373 = arith.addi %add3A_367, %add3A_372 : i32
    %dma_start3A = tpu.memref_slice %arg2[%add3A_369] : memref<25165824xf32, #tpu.memory_space<hbm>> -> memref<8192xf32, #tpu.memory_space<hbm>>
    %dma_start3A_374 = tpu.memref_slice %arg2[%add3A_369] : memref<25165824xf32, #tpu.memory_space<hbm>> -> memref<8192xf32, #tpu.memory_space<hbm>>
    tpu.enqueue_dma source(%dma_start3A_374 : memref<8192xf32, #tpu.memory_space<hbm>>) target(%arg5 : memref<8192xf32, #tpu.memory_space<vmem>>) target_semaphore(%arg23 : memref<!tpu.dma_semaphore, #tpu.memory_space<semaphore_mem>>)
    %dma_start3A_375 = tpu.memref_slice %arg2[%add3A_371] : memref<25165824xf32, #tpu.memory_space<hbm>> -> memref<8192xf32, #tpu.memory_space<hbm>>
    %dma_start3A_376 = tpu.memref_slice %arg2[%add3A_371] : memref<25165824xf32, #tpu.memory_space<hbm>> -> memref<8192xf32, #tpu.memory_space<hbm>>
    tpu.enqueue_dma source(%dma_start3A_376 : memref<8192xf32, #tpu.memory_space<hbm>>) target(%arg6 : memref<8192xf32, #tpu.memory_space<vmem>>) target_semaphore(%arg23 : memref<!tpu.dma_semaphore, #tpu.memory_space<semaphore_mem>>)
    %dma_start3A_377 = tpu.memref_slice %arg2[%add3A_373] : memref<25165824xf32, #tpu.memory_space<hbm>> -> memref<8192xf32, #tpu.memory_space<hbm>>
    %dma_start3A_378 = tpu.memref_slice %arg2[%add3A_373] : memref<25165824xf32, #tpu.memory_space<hbm>> -> memref<8192xf32, #tpu.memory_space<hbm>>
    tpu.enqueue_dma source(%dma_start3A_378 : memref<8192xf32, #tpu.memory_space<hbm>>) target(%arg7 : memref<8192xf32, #tpu.memory_space<vmem>>) target_semaphore(%arg23 : memref<!tpu.dma_semaphore, #tpu.memory_space<semaphore_mem>>)
    %add3A_379 = arith.constant 8192 : i32
    %add3A_380 = arith.addi %mul3A_2, %add3A_379 : i32
    %add3A_381 = arith.constant 0 : i32
    %add3A_382 = arith.addi %add3A_380, %add3A_381 : i32
    %add3A_383 = arith.constant 262144 : i32
    %add3A_384 = arith.addi %add3A_380, %add3A_383 : i32
    %add3A_385 = arith.constant 524288 : i32
    %add3A_386 = arith.addi %add3A_380, %add3A_385 : i32
    %dma_start3A_387 = tpu.memref_slice %arg2[%add3A_382] : memref<25165824xf32, #tpu.memory_space<hbm>> -> memref<8192xf32, #tpu.memory_space<hbm>>
    %dma_start3A_388 = tpu.memref_slice %arg2[%add3A_382] : memref<25165824xf32, #tpu.memory_space<hbm>> -> memref<8192xf32, #tpu.memory_space<hbm>>
    tpu.enqueue_dma source(%dma_start3A_388 : memref<8192xf32, #tpu.memory_space<hbm>>) target(%arg8 : memref<8192xf32, #tpu.memory_space<vmem>>) target_semaphore(%arg24 : memref<!tpu.dma_semaphore, #tpu.memory_space<semaphore_mem>>)
    %dma_start3A_389 = tpu.memref_slice %arg2[%add3A_384] : memref<25165824xf32, #tpu.memory_space<hbm>> -> memref<8192xf32, #tpu.memory_space<hbm>>
    %dma_start3A_390 = tpu.memref_slice %arg2[%add3A_384] : memref<25165824xf32, #tpu.memory_space<hbm>> -> memref<8192xf32, #tpu.memory_space<hbm>>
    tpu.enqueue_dma source(%dma_start3A_390 : memref<8192xf32, #tpu.memory_space<hbm>>) target(%arg9 : memref<8192xf32, #tpu.memory_space<vmem>>) target_semaphore(%arg24 : memref<!tpu.dma_semaphore, #tpu.memory_space<semaphore_mem>>)
    %dma_start3A_391 = tpu.memref_slice %arg2[%add3A_386] : memref<25165824xf32, #tpu.memory_space<hbm>> -> memref<8192xf32, #tpu.memory_space<hbm>>
    %dma_start3A_392 = tpu.memref_slice %arg2[%add3A_386] : memref<25165824xf32, #tpu.memory_space<hbm>> -> memref<8192xf32, #tpu.memory_space<hbm>>
    tpu.enqueue_dma source(%dma_start3A_392 : memref<8192xf32, #tpu.memory_space<hbm>>) target(%arg10 : memref<8192xf32, #tpu.memory_space<vmem>>) target_semaphore(%arg24 : memref<!tpu.dma_semaphore, #tpu.memory_space<semaphore_mem>>)
    %scan3A = arith.constant 0 : i32
    %scan3A_393 = arith.constant 16 : i32
    %scan3A_394 = arith.addi %scan3A, %scan3A_393 : i32
    %scan3A_395 = arith.constant 1 : i32
    scf.for %scan3A_424 = %scan3A to %scan3A_394 step %scan3A_395  : i32 {
      %mul3A_425 = arith.constant 2 : i32
      %mul3A_426 = arith.muli %scan3A_424, %mul3A_425 : i32
      %add3A_427 = arith.constant 0 : i32
      %add3A_428 = arith.addi %mul3A_426, %add3A_427 : i32
      %mul3A_429 = arith.constant 8192 : i32
      %mul3A_430 = arith.muli %add3A_428, %mul3A_429 : i32
      %add3A_431 = arith.addi %mul3A_2, %mul3A_430 : i32
      %add3A_432 = arith.constant 0 : i32
      %add3A_433 = arith.addi %add3A_431, %add3A_432 : i32
      %add3A_434 = arith.constant 262144 : i32
      %add3A_435 = arith.addi %add3A_431, %add3A_434 : i32
      %add3A_436 = arith.constant 524288 : i32
      %add3A_437 = arith.addi %add3A_431, %add3A_436 : i32
      %dma_wait3A_438 = tpu.memref_slice %arg2[%add3A_433] : memref<25165824xf32, #tpu.memory_space<hbm>> -> memref<8192xf32, #tpu.memory_space<hbm>>
      %dma_wait3A_439 = tpu.memref_slice %arg2[%add3A_433] : memref<25165824xf32, #tpu.memory_space<hbm>> -> memref<8192xf32, #tpu.memory_space<hbm>>
      tpu.wait_dma2 semaphore(%arg23 : memref<!tpu.dma_semaphore, #tpu.memory_space<semaphore_mem>>) src(%dma_wait3A_439 : memref<8192xf32, #tpu.memory_space<hbm>>) dst(%arg5 : memref<8192xf32, #tpu.memory_space<vmem>>)
      %dma_wait3A_440 = tpu.memref_slice %arg2[%add3A_435] : memref<25165824xf32, #tpu.memory_space<hbm>> -> memref<8192xf32, #tpu.memory_space<hbm>>
      %dma_wait3A_441 = tpu.memref_slice %arg2[%add3A_435] : memref<25165824xf32, #tpu.memory_space<hbm>> -> memref<8192xf32, #tpu.memory_space<hbm>>
      tpu.wait_dma2 semaphore(%arg23 : memref<!tpu.dma_semaphore, #tpu.memory_space<semaphore_mem>>) src(%dma_wait3A_441 : memref<8192xf32, #tpu.memory_space<hbm>>) dst(%arg6 : memref<8192xf32, #tpu.memory_space<vmem>>)
      %dma_wait3A_442 = tpu.memref_slice %arg2[%add3A_437] : memref<25165824xf32, #tpu.memory_space<hbm>> -> memref<8192xf32, #tpu.memory_space<hbm>>
      %dma_wait3A_443 = tpu.memref_slice %arg2[%add3A_437] : memref<25165824xf32, #tpu.memory_space<hbm>> -> memref<8192xf32, #tpu.memory_space<hbm>>
      tpu.wait_dma2 semaphore(%arg23 : memref<!tpu.dma_semaphore, #tpu.memory_space<semaphore_mem>>) src(%dma_wait3A_443 : memref<8192xf32, #tpu.memory_space<hbm>>) dst(%arg7 : memref<8192xf32, #tpu.memory_space<vmem>>)
      %gt3A = arith.constant 0 : i32
      %gt3A_444 = arith.cmpi sgt, %scan3A_424, %gt3A : i32
      %convert_element_type3A_445 = arith.extui %gt3A_444 : i1 to i32
      %cond3A = arith.constant 0 : i32
      %cond3A_446 = arith.cmpi ne, %convert_element_type3A_445, %cond3A : i32
      scf.if %cond3A_446 {
        %sub3A_513 = arith.constant 2 : i32
        %sub3A_514 = arith.subi %add3A_428, %sub3A_513 : i32
        %mul3A_515 = arith.constant 8192 : i32
        %mul3A_516 = arith.muli %sub3A_514, %mul3A_515 : i32
        %add3A_517 = arith.addi %mul3A_2, %mul3A_516 : i32
        %add3A_518 = arith.constant 0 : i32
        %add3A_519 = arith.addi %add3A_517, %add3A_518 : i32
        %add3A_520 = arith.constant 262144 : i32
        %add3A_521 = arith.addi %add3A_517, %add3A_520 : i32
        %add3A_522 = arith.constant 524288 : i32
        %add3A_523 = arith.addi %add3A_517, %add3A_522 : i32
        %dma_wait3A_524 = tpu.memref_slice %arg4[%add3A_519] : memref<25165824xf32, #tpu.memory_space<hbm>> -> memref<8192xf32, #tpu.memory_space<hbm>>
        %dma_wait3A_525 = tpu.memref_slice %arg4[%add3A_519] : memref<25165824xf32, #tpu.memory_space<hbm>> -> memref<8192xf32, #tpu.memory_space<hbm>>
        tpu.wait_dma2 semaphore(%arg25 : memref<!tpu.dma_semaphore, #tpu.memory_space<semaphore_mem>>) src(%arg11 : memref<8192xf32, #tpu.memory_space<vmem>>) dst(%dma_wait3A_525 : memref<8192xf32, #tpu.memory_space<hbm>>)
        %dma_wait3A_526 = tpu.memref_slice %arg4[%add3A_521] : memref<25165824xf32, #tpu.memory_space<hbm>> -> memref<8192xf32, #tpu.memory_space<hbm>>
        %dma_wait3A_527 = tpu.memref_slice %arg4[%add3A_521] : memref<25165824xf32, #tpu.memory_space<hbm>> -> memref<8192xf32, #tpu.memory_space<hbm>>
        tpu.wait_dma2 semaphore(%arg25 : memref<!tpu.dma_semaphore, #tpu.memory_space<semaphore_mem>>) src(%arg12 : memref<8192xf32, #tpu.memory_space<vmem>>) dst(%dma_wait3A_527 : memref<8192xf32, #tpu.memory_space<hbm>>)
        %dma_wait3A_528 = tpu.memref_slice %arg4[%add3A_523] : memref<25165824xf32, #tpu.memory_space<hbm>> -> memref<8192xf32, #tpu.memory_space<hbm>>
        %dma_wait3A_529 = tpu.memref_slice %arg4[%add3A_523] : memref<25165824xf32, #tpu.memory_space<hbm>> -> memref<8192xf32, #tpu.memory_space<hbm>>
        tpu.wait_dma2 semaphore(%arg25 : memref<!tpu.dma_semaphore, #tpu.memory_space<semaphore_mem>>) src(%arg13 : memref<8192xf32, #tpu.memory_space<vmem>>) dst(%dma_wait3A_529 : memref<8192xf32, #tpu.memory_space<hbm>>)
      } else {
      }
      %parallel_loop3A = arith.constant 0 : i32
      %parallel_loop3A_447 = arith.constant 8192 : i32
      %parallel_loop3A_448 = arith.constant 16 : i32
      scf.for %parallel_loop3A_513 = %parallel_loop3A to %parallel_loop3A_447 step %parallel_loop3A_448  : i32 {
        %parallel_loop3A_514 = arith.index_cast %parallel_loop3A_513 : i32 to index
        %parallel_loop3A_515 = tpu.vector_load %arg5[%parallel_loop3A_514] {strides = array<i32>} : memref<8192xf32, #tpu.memory_space<vmem>>, vector<16xf32>,
        %parallel_loop3A_516 = arith.index_cast %parallel_loop3A_513 : i32 to index
        %parallel_loop3A_517 = tpu.vector_load %arg6[%parallel_loop3A_516] {strides = array<i32>} : memref<8192xf32, #tpu.memory_space<vmem>>, vector<16xf32>,
        %parallel_loop3A_518 = arith.index_cast %parallel_loop3A_513 : i32 to index
        %parallel_loop3A_519 = tpu.vector_load %arg7[%parallel_loop3A_518] {strides = array<i32>} : memref<8192xf32, #tpu.memory_space<vmem>>, vector<16xf32>,
        %parallel_loop3A_520 = arith.maximumf %parallel_loop3A_515, %parallel_loop3A_517 : vector<16xf32>
        %parallel_loop3A_521 = arith.maximumf %parallel_loop3A_520, %parallel_loop3A_519 : vector<16xf32>
        %parallel_loop3A_522 = arith.constant 7.100000e+01 : f32
        %parallel_loop3A_523 = vector.broadcast %parallel_loop3A_522 : f32 to vector<16xf32>
        %parallel_loop3A_524 = arith.mulf %parallel_loop3A_521, %parallel_loop3A_523 : vector<16xf32>
        %parallel_loop3A_525 = arith.constant 33.4697227 : f32
        %parallel_loop3A_526 = vector.broadcast %parallel_loop3A_525 : f32 to vector<16xf32>
        %parallel_loop3A_527 = arith.mulf %parallel_loop3A_515, %parallel_loop3A_526 : vector<16xf32>
        %parallel_loop3A_528 = arith.addf %parallel_loop3A_517, %parallel_loop3A_519 : vector<16xf32>
        %parallel_loop3A_529 = arith.constant 16.7348614 : f32
        %parallel_loop3A_530 = vector.broadcast %parallel_loop3A_529 : f32 to vector<16xf32>
        %parallel_loop3A_531 = arith.mulf %parallel_loop3A_528, %parallel_loop3A_530 : vector<16xf32>
        %parallel_loop3A_532 = arith.subf %parallel_loop3A_527, %parallel_loop3A_531 : vector<16xf32>
        %parallel_loop3A_533 = arith.constant 3.550000e+01 : f32
        %parallel_loop3A_534 = vector.broadcast %parallel_loop3A_533 : f32 to vector<16xf32>
        %parallel_loop3A_535 = arith.addf %parallel_loop3A_532, %parallel_loop3A_534 : vector<16xf32>
        %parallel_loop3A_536 = arith.subf %parallel_loop3A_517, %parallel_loop3A_519 : vector<16xf32>
        %parallel_loop3A_537 = arith.constant 28.9856281 : f32
        %parallel_loop3A_538 = vector.broadcast %parallel_loop3A_537 : f32 to vector<16xf32>
        %parallel_loop3A_539 = arith.mulf %parallel_loop3A_536, %parallel_loop3A_538 : vector<16xf32>
        %parallel_loop3A_540 = arith.constant 3.550000e+01 : f32
        %parallel_loop3A_541 = vector.broadcast %parallel_loop3A_540 : f32 to vector<16xf32>
        %parallel_loop3A_542 = arith.addf %parallel_loop3A_539, %parallel_loop3A_541 : vector<16xf32>
        %parallel_loop3A_543 = arith.fptosi %parallel_loop3A_524 : vector<16xf32> to vector<16xi32>
        %parallel_loop3A_544 = tpu.vector_load_idx %arg17[%parallel_loop3A_543] : memref<96xf32, #tpu.memory_space<vmem>>[vector<16xi32>], vector<16xf32>,
        %parallel_loop3A_545 = tpu.vector_load_idx %arg20[%parallel_loop3A_543] : memref<80xf32, #tpu.memory_space<vmem>>[vector<16xi32>], vector<16xf32>,
        %parallel_loop3A_546 = arith.mulf %parallel_loop3A_524, %parallel_loop3A_545 : vector<16xf32>
        %parallel_loop3A_547 = arith.addf %parallel_loop3A_544, %parallel_loop3A_546 : vector<16xf32>
        %parallel_loop3A_548 = arith.constant 0.000000e+00 : f32
        %parallel_loop3A_549 = arith.constant 1.000000e+00 : f32
        %parallel_loop3A_550 = vector.broadcast %parallel_loop3A_548 : f32 to vector<16xf32>
        %parallel_loop3A_551 = arith.maximumf %parallel_loop3A_550, %parallel_loop3A_547 : vector<16xf32>
        %parallel_loop3A_552 = vector.broadcast %parallel_loop3A_549 : f32 to vector<16xf32>
        %parallel_loop3A_553 = arith.minimumf %parallel_loop3A_552, %parallel_loop3A_551 : vector<16xf32>
        %parallel_loop3A_554 = arith.fptosi %parallel_loop3A_535 : vector<16xf32> to vector<16xi32>
        %parallel_loop3A_555 = tpu.vector_load_idx %arg18[%parallel_loop3A_554] : memref<96xf32, #tpu.memory_space<vmem>>[vector<16xi32>], vector<16xf32>,
        %parallel_loop3A_556 = tpu.vector_load_idx %arg21[%parallel_loop3A_554] : memref<80xf32, #tpu.memory_space<vmem>>[vector<16xi32>], vector<16xf32>,
        %parallel_loop3A_557 = arith.mulf %parallel_loop3A_535, %parallel_loop3A_556 : vector<16xf32>
        %parallel_loop3A_558 = arith.addf %parallel_loop3A_555, %parallel_loop3A_557 : vector<16xf32>
        %parallel_loop3A_559 = arith.constant -0.707106769 : f32
        %parallel_loop3A_560 = arith.constant 0.707106769 : f32
        %parallel_loop3A_561 = vector.broadcast %parallel_loop3A_559 : f32 to vector<16xf32>
        %parallel_loop3A_562 = arith.maximumf %parallel_loop3A_561, %parallel_loop3A_558 : vector<16xf32>
        %parallel_loop3A_563 = vector.broadcast %parallel_loop3A_560 : f32 to vector<16xf32>
        %parallel_loop3A_564 = arith.minimumf %parallel_loop3A_563, %parallel_loop3A_562 : vector<16xf32>
        %parallel_loop3A_565 = arith.fptosi %parallel_loop3A_542 : vector<16xf32> to vector<16xi32>
        %parallel_loop3A_566 = tpu.vector_load_idx %arg19[%parallel_loop3A_565] : memref<96xf32, #tpu.memory_space<vmem>>[vector<16xi32>], vector<16xf32>,
        %parallel_loop3A_567 = tpu.vector_load_idx %arg22[%parallel_loop3A_565] : memref<80xf32, #tpu.memory_space<vmem>>[vector<16xi32>], vector<16xf32>,
        %parallel_loop3A_568 = arith.mulf %parallel_loop3A_542, %parallel_loop3A_567 : vector<16xf32>
        %parallel_loop3A_569 = arith.addf %parallel_loop3A_566, %parallel_loop3A_568 : vector<16xf32>
        %parallel_loop3A_570 = arith.constant -0.612372457 : f32
        %parallel_loop3A_571 = arith.constant 0.612372457 : f32
        %parallel_loop3A_572 = vector.broadcast %parallel_loop3A_570 : f32 to vector<16xf32>
        %parallel_loop3A_573 = arith.maximumf %parallel_loop3A_572, %parallel_loop3A_569 : vector<16xf32>
        %parallel_loop3A_574 = vector.broadcast %parallel_loop3A_571 : f32 to vector<16xf32>
        %parallel_loop3A_575 = arith.minimumf %parallel_loop3A_574, %parallel_loop3A_573 : vector<16xf32>
        %parallel_loop3A_576 = arith.constant -5.000000e-01 : f32
        %parallel_loop3A_577 = vector.broadcast %parallel_loop3A_576 : f32 to vector<16xf32>
        %parallel_loop3A_578 = arith.mulf %parallel_loop3A_564, %parallel_loop3A_577 : vector<16xf32>
        %parallel_loop3A_579 = arith.addf %parallel_loop3A_578, %parallel_loop3A_575 : vector<16xf32>
        %parallel_loop3A_580 = arith.subf %parallel_loop3A_578, %parallel_loop3A_575 : vector<16xf32>
        %parallel_loop3A_581 = arith.maximumf %parallel_loop3A_579, %parallel_loop3A_580 : vector<16xf32>
        %parallel_loop3A_582 = arith.maximumf %parallel_loop3A_564, %parallel_loop3A_581 : vector<16xf32>
        %parallel_loop3A_583 = arith.subf %parallel_loop3A_553, %parallel_loop3A_582 : vector<16xf32>
        %parallel_loop3A_584 = arith.addf %parallel_loop3A_564, %parallel_loop3A_583 : vector<16xf32>
        %parallel_loop3A_585 = arith.constant 0.000000e+00 : f32
        %parallel_loop3A_586 = arith.constant 1.000000e+00 : f32
        %parallel_loop3A_587 = vector.broadcast %parallel_loop3A_585 : f32 to vector<16xf32>
        %parallel_loop3A_588 = arith.maximumf %parallel_loop3A_587, %parallel_loop3A_584 : vector<16xf32>
        %parallel_loop3A_589 = vector.broadcast %parallel_loop3A_586 : f32 to vector<16xf32>
        %parallel_loop3A_590 = arith.minimumf %parallel_loop3A_589, %parallel_loop3A_588 : vector<16xf32>
        %parallel_loop3A_591 = arith.index_cast %parallel_loop3A_513 : i32 to index
        %parallel_loop3A_592 = tpu.vector_load %arg11[%parallel_loop3A_591] {strides = array<i32>} : memref<8192xf32, #tpu.memory_space<vmem>>, vector<16xf32>,
        tpu.vector_store %arg11[%parallel_loop3A_591], %parallel_loop3A_590 {strides = array<i32>} : memref<8192xf32, #tpu.memory_space<vmem>>, vector<16xf32>,
        %parallel_loop3A_593 = arith.addf %parallel_loop3A_579, %parallel_loop3A_583 : vector<16xf32>
        %parallel_loop3A_594 = arith.constant 0.000000e+00 : f32
        %parallel_loop3A_595 = arith.constant 1.000000e+00 : f32
        %parallel_loop3A_596 = vector.broadcast %parallel_loop3A_594 : f32 to vector<16xf32>
        %parallel_loop3A_597 = arith.maximumf %parallel_loop3A_596, %parallel_loop3A_593 : vector<16xf32>
        %parallel_loop3A_598 = vector.broadcast %parallel_loop3A_595 : f32 to vector<16xf32>
        %parallel_loop3A_599 = arith.minimumf %parallel_loop3A_598, %parallel_loop3A_597 : vector<16xf32>
        %parallel_loop3A_600 = arith.index_cast %parallel_loop3A_513 : i32 to index
        %parallel_loop3A_601 = tpu.vector_load %arg12[%parallel_loop3A_600] {strides = array<i32>} : memref<8192xf32, #tpu.memory_space<vmem>>, vector<16xf32>,
        tpu.vector_store %arg12[%parallel_loop3A_600], %parallel_loop3A_599 {strides = array<i32>} : memref<8192xf32, #tpu.memory_space<vmem>>, vector<16xf32>,
        %parallel_loop3A_602 = arith.addf %parallel_loop3A_580, %parallel_loop3A_583 : vector<16xf32>
        %parallel_loop3A_603 = arith.constant 0.000000e+00 : f32
        %parallel_loop3A_604 = arith.constant 1.000000e+00 : f32
        %parallel_loop3A_605 = vector.broadcast %parallel_loop3A_603 : f32 to vector<16xf32>
        %parallel_loop3A_606 = arith.maximumf %parallel_loop3A_605, %parallel_loop3A_602 : vector<16xf32>
        %parallel_loop3A_607 = vector.broadcast %parallel_loop3A_604 : f32 to vector<16xf32>
        %parallel_loop3A_608 = arith.minimumf %parallel_loop3A_607, %parallel_loop3A_606 : vector<16xf32>
        %parallel_loop3A_609 = arith.index_cast %parallel_loop3A_513 : i32 to index
        %parallel_loop3A_610 = tpu.vector_load %arg13[%parallel_loop3A_609] {strides = array<i32>} : memref<8192xf32, #tpu.memory_space<vmem>>, vector<16xf32>,
        tpu.vector_store %arg13[%parallel_loop3A_609], %parallel_loop3A_608 {strides = array<i32>} : memref<8192xf32, #tpu.memory_space<vmem>>, vector<16xf32>,
      } {sc.loop_unroll_factor = 6 : i64, sc.parallel_access}
      %mul3A_449 = arith.constant 8192 : i32
      %mul3A_450 = arith.muli %add3A_428, %mul3A_449 : i32
      %add3A_451 = arith.addi %mul3A_2, %mul3A_450 : i32
      %add3A_452 = arith.constant 0 : i32
      %add3A_453 = arith.addi %add3A_451, %add3A_452 : i32
      %add3A_454 = arith.constant 262144 : i32
      %add3A_455 = arith.addi %add3A_451, %add3A_454 : i32
      %add3A_456 = arith.constant 524288 : i32
      %add3A_457 = arith.addi %add3A_451, %add3A_456 : i32
      %dma_start3A_458 = tpu.memref_slice %arg4[%add3A_453] : memref<25165824xf32, #tpu.memory_space<hbm>> -> memref<8192xf32, #tpu.memory_space<hbm>>
      %dma_start3A_459 = tpu.memref_slice %arg4[%add3A_453] : memref<25165824xf32, #tpu.memory_space<hbm>> -> memref<8192xf32, #tpu.memory_space<hbm>>
      tpu.enqueue_dma source(%arg11 : memref<8192xf32, #tpu.memory_space<vmem>>) target(%dma_start3A_459 : memref<8192xf32, #tpu.memory_space<hbm>>) target_semaphore(%arg25 : memref<!tpu.dma_semaphore, #tpu.memory_space<semaphore_mem>>)
      %dma_start3A_460 = tpu.memref_slice %arg4[%add3A_455] : memref<25165824xf32, #tpu.memory_space<hbm>> -> memref<8192xf32, #tpu.memory_space<hbm>>
      %dma_start3A_461 = tpu.memref_slice %arg4[%add3A_455] : memref<25165824xf32, #tpu.memory_space<hbm>> -> memref<8192xf32, #tpu.memory_space<hbm>>
      tpu.enqueue_dma source(%arg12 : memref<8192xf32, #tpu.memory_space<vmem>>) target(%dma_start3A_461 : memref<8192xf32, #tpu.memory_space<hbm>>) target_semaphore(%arg25 : memref<!tpu.dma_semaphore, #tpu.memory_space<semaphore_mem>>)
      %dma_start3A_462 = tpu.memref_slice %arg4[%add3A_457] : memref<25165824xf32, #tpu.memory_space<hbm>> -> memref<8192xf32, #tpu.memory_space<hbm>>
      %dma_start3A_463 = tpu.memref_slice %arg4[%add3A_457] : memref<25165824xf32, #tpu.memory_space<hbm>> -> memref<8192xf32, #tpu.memory_space<hbm>>
      tpu.enqueue_dma source(%arg13 : memref<8192xf32, #tpu.memory_space<vmem>>) target(%dma_start3A_463 : memref<8192xf32, #tpu.memory_space<hbm>>) target_semaphore(%arg25 : memref<!tpu.dma_semaphore, #tpu.memory_space<semaphore_mem>>)
      %lt3A = arith.constant 15 : i32
      %lt3A_464 = arith.cmpi slt, %scan3A_424, %lt3A : i32
      %convert_element_type3A_465 = arith.extui %lt3A_464 : i1 to i32
      %cond3A_466 = arith.constant 0 : i32
      %cond3A_467 = arith.cmpi ne, %convert_element_type3A_465, %cond3A_466 : i32
      scf.if %cond3A_467 {
        %add3A_513 = arith.constant 2 : i32
        %add3A_514 = arith.addi %add3A_428, %add3A_513 : i32
        %mul3A_515 = arith.constant 8192 : i32
        %mul3A_516 = arith.muli %add3A_514, %mul3A_515 : i32
        %add3A_517 = arith.addi %mul3A_2, %mul3A_516 : i32
        %add3A_518 = arith.constant 0 : i32
        %add3A_519 = arith.addi %add3A_517, %add3A_518 : i32
        %add3A_520 = arith.constant 262144 : i32
        %add3A_521 = arith.addi %add3A_517, %add3A_520 : i32
        %add3A_522 = arith.constant 524288 : i32
        %add3A_523 = arith.addi %add3A_517, %add3A_522 : i32
        %dma_start3A_524 = tpu.memref_slice %arg2[%add3A_519] : memref<25165824xf32, #tpu.memory_space<hbm>> -> memref<8192xf32, #tpu.memory_space<hbm>>
        %dma_start3A_525 = tpu.memref_slice %arg2[%add3A_519] : memref<25165824xf32, #tpu.memory_space<hbm>> -> memref<8192xf32, #tpu.memory_space<hbm>>
        tpu.enqueue_dma source(%dma_start3A_525 : memref<8192xf32, #tpu.memory_space<hbm>>) target(%arg5 : memref<8192xf32, #tpu.memory_space<vmem>>) target_semaphore(%arg23 : memref<!tpu.dma_semaphore, #tpu.memory_space<semaphore_mem>>)
        %dma_start3A_526 = tpu.memref_slice %arg2[%add3A_521] : memref<25165824xf32, #tpu.memory_space<hbm>> -> memref<8192xf32, #tpu.memory_space<hbm>>
        %dma_start3A_527 = tpu.memref_slice %arg2[%add3A_521] : memref<25165824xf32, #tpu.memory_space<hbm>> -> memref<8192xf32, #tpu.memory_space<hbm>>
        tpu.enqueue_dma source(%dma_start3A_527 : memref<8192xf32, #tpu.memory_space<hbm>>) target(%arg6 : memref<8192xf32, #tpu.memory_space<vmem>>) target_semaphore(%arg23 : memref<!tpu.dma_semaphore, #tpu.memory_space<semaphore_mem>>)
        %dma_start3A_528 = tpu.memref_slice %arg2[%add3A_523] : memref<25165824xf32, #tpu.memory_space<hbm>> -> memref<8192xf32, #tpu.memory_space<hbm>>
        %dma_start3A_529 = tpu.memref_slice %arg2[%add3A_523] : memref<25165824xf32, #tpu.memory_space<hbm>> -> memref<8192xf32, #tpu.memory_space<hbm>>
        tpu.enqueue_dma source(%dma_start3A_529 : memref<8192xf32, #tpu.memory_space<hbm>>) target(%arg7 : memref<8192xf32, #tpu.memory_space<vmem>>) target_semaphore(%arg23 : memref<!tpu.dma_semaphore, #tpu.memory_space<semaphore_mem>>)
      } else {
      }
      %add3A_468 = arith.constant 1 : i32
      %add3A_469 = arith.addi %mul3A_426, %add3A_468 : i32
      %mul3A_470 = arith.constant 8192 : i32
      %mul3A_471 = arith.muli %add3A_469, %mul3A_470 : i32
      %add3A_472 = arith.addi %mul3A_2, %mul3A_471 : i32
      %add3A_473 = arith.constant 0 : i32
      %add3A_474 = arith.addi %add3A_472, %add3A_473 : i32
      %add3A_475 = arith.constant 262144 : i32
      %add3A_476 = arith.addi %add3A_472, %add3A_475 : i32
      %add3A_477 = arith.constant 524288 : i32
      %add3A_478 = arith.addi %add3A_472, %add3A_477 : i32
      %dma_wait3A_479 = tpu.memref_slice %arg2[%add3A_474] : memref<25165824xf32, #tpu.memory_space<hbm>> -> memref<8192xf32, #tpu.memory_space<hbm>>
      %dma_wait3A_480 = tpu.memref_slice %arg2[%add3A_474] : memref<25165824xf32, #tpu.memory_space<hbm>> -> memref<8192xf32, #tpu.memory_space<hbm>>
      tpu.wait_dma2 semaphore(%arg24 : memref<!tpu.dma_semaphore, #tpu.memory_space<semaphore_mem>>) src(%dma_wait3A_480 : memref<8192xf32, #tpu.memory_space<hbm>>) dst(%arg8 : memref<8192xf32, #tpu.memory_space<vmem>>)
      %dma_wait3A_481 = tpu.memref_slice %arg2[%add3A_476] : memref<25165824xf32, #tpu.memory_space<hbm>> -> memref<8192xf32, #tpu.memory_space<hbm>>
      %dma_wait3A_482 = tpu.memref_slice %arg2[%add3A_476] : memref<25165824xf32, #tpu.memory_space<hbm>> -> memref<8192xf32, #tpu.memory_space<hbm>>
      tpu.wait_dma2 semaphore(%arg24 : memref<!tpu.dma_semaphore, #tpu.memory_space<semaphore_mem>>) src(%dma_wait3A_482 : memref<8192xf32, #tpu.memory_space<hbm>>) dst(%arg9 : memref<8192xf32, #tpu.memory_space<vmem>>)
      %dma_wait3A_483 = tpu.memref_slice %arg2[%add3A_478] : memref<25165824xf32, #tpu.memory_space<hbm>> -> memref<8192xf32, #tpu.memory_space<hbm>>
      %dma_wait3A_484 = tpu.memref_slice %arg2[%add3A_478] : memref<25165824xf32, #tpu.memory_space<hbm>> -> memref<8192xf32, #tpu.memory_space<hbm>>
      tpu.wait_dma2 semaphore(%arg24 : memref<!tpu.dma_semaphore, #tpu.memory_space<semaphore_mem>>) src(%dma_wait3A_484 : memref<8192xf32, #tpu.memory_space<hbm>>) dst(%arg10 : memref<8192xf32, #tpu.memory_space<vmem>>)
      %gt3A_485 = arith.constant 0 : i32
      %gt3A_486 = arith.cmpi sgt, %scan3A_424, %gt3A_485 : i32
      %convert_element_type3A_487 = arith.extui %gt3A_486 : i1 to i32
      %cond3A_488 = arith.constant 0 : i32
      %cond3A_489 = arith.cmpi ne, %convert_element_type3A_487, %cond3A_488 : i32
      scf.if %cond3A_489 {
        %sub3A_513 = arith.constant 2 : i32
        %sub3A_514 = arith.subi %add3A_469, %sub3A_513 : i32
        %mul3A_515 = arith.constant 8192 : i32
        %mul3A_516 = arith.muli %sub3A_514, %mul3A_515 : i32
        %add3A_517 = arith.addi %mul3A_2, %mul3A_516 : i32
        %add3A_518 = arith.constant 0 : i32
        %add3A_519 = arith.addi %add3A_517, %add3A_518 : i32
        %add3A_520 = arith.constant 262144 : i32
        %add3A_521 = arith.addi %add3A_517, %add3A_520 : i32
        %add3A_522 = arith.constant 524288 : i32
        %add3A_523 = arith.addi %add3A_517, %add3A_522 : i32
        %dma_wait3A_524 = tpu.memref_slice %arg4[%add3A_519] : memref<25165824xf32, #tpu.memory_space<hbm>> -> memref<8192xf32, #tpu.memory_space<hbm>>
        %dma_wait3A_525 = tpu.memref_slice %arg4[%add3A_519] : memref<25165824xf32, #tpu.memory_space<hbm>> -> memref<8192xf32, #tpu.memory_space<hbm>>
        tpu.wait_dma2 semaphore(%arg26 : memref<!tpu.dma_semaphore, #tpu.memory_space<semaphore_mem>>) src(%arg14 : memref<8192xf32, #tpu.memory_space<vmem>>) dst(%dma_wait3A_525 : memref<8192xf32, #tpu.memory_space<hbm>>)
        %dma_wait3A_526 = tpu.memref_slice %arg4[%add3A_521] : memref<25165824xf32, #tpu.memory_space<hbm>> -> memref<8192xf32, #tpu.memory_space<hbm>>
        %dma_wait3A_527 = tpu.memref_slice %arg4[%add3A_521] : memref<25165824xf32, #tpu.memory_space<hbm>> -> memref<8192xf32, #tpu.memory_space<hbm>>
        tpu.wait_dma2 semaphore(%arg26 : memref<!tpu.dma_semaphore, #tpu.memory_space<semaphore_mem>>) src(%arg15 : memref<8192xf32, #tpu.memory_space<vmem>>) dst(%dma_wait3A_527 : memref<8192xf32, #tpu.memory_space<hbm>>)
        %dma_wait3A_528 = tpu.memref_slice %arg4[%add3A_523] : memref<25165824xf32, #tpu.memory_space<hbm>> -> memref<8192xf32, #tpu.memory_space<hbm>>
        %dma_wait3A_529 = tpu.memref_slice %arg4[%add3A_523] : memref<25165824xf32, #tpu.memory_space<hbm>> -> memref<8192xf32, #tpu.memory_space<hbm>>
        tpu.wait_dma2 semaphore(%arg26 : memref<!tpu.dma_semaphore, #tpu.memory_space<semaphore_mem>>) src(%arg16 : memref<8192xf32, #tpu.memory_space<vmem>>) dst(%dma_wait3A_529 : memref<8192xf32, #tpu.memory_space<hbm>>)
      } else {
      }
      %parallel_loop3A_490 = arith.constant 0 : i32
      %parallel_loop3A_491 = arith.constant 8192 : i32
      %parallel_loop3A_492 = arith.constant 16 : i32
      scf.for %parallel_loop3A_513 = %parallel_loop3A_490 to %parallel_loop3A_491 step %parallel_loop3A_492  : i32 {
        %parallel_loop3A_514 = arith.index_cast %parallel_loop3A_513 : i32 to index
        %parallel_loop3A_515 = tpu.vector_load %arg8[%parallel_loop3A_514] {strides = array<i32>} : memref<8192xf32, #tpu.memory_space<vmem>>, vector<16xf32>,
        %parallel_loop3A_516 = arith.index_cast %parallel_loop3A_513 : i32 to index
        %parallel_loop3A_517 = tpu.vector_load %arg9[%parallel_loop3A_516] {strides = array<i32>} : memref<8192xf32, #tpu.memory_space<vmem>>, vector<16xf32>,
        %parallel_loop3A_518 = arith.index_cast %parallel_loop3A_513 : i32 to index
        %parallel_loop3A_519 = tpu.vector_load %arg10[%parallel_loop3A_518] {strides = array<i32>} : memref<8192xf32, #tpu.memory_space<vmem>>, vector<16xf32>,
        %parallel_loop3A_520 = arith.maximumf %parallel_loop3A_515, %parallel_loop3A_517 : vector<16xf32>
        %parallel_loop3A_521 = arith.maximumf %parallel_loop3A_520, %parallel_loop3A_519 : vector<16xf32>
        %parallel_loop3A_522 = arith.constant 7.100000e+01 : f32
        %parallel_loop3A_523 = vector.broadcast %parallel_loop3A_522 : f32 to vector<16xf32>
        %parallel_loop3A_524 = arith.mulf %parallel_loop3A_521, %parallel_loop3A_523 : vector<16xf32>
        %parallel_loop3A_525 = arith.constant 33.4697227 : f32
        %parallel_loop3A_526 = vector.broadcast %parallel_loop3A_525 : f32 to vector<16xf32>
        %parallel_loop3A_527 = arith.mulf %parallel_loop3A_515, %parallel_loop3A_526 : vector<16xf32>
        %parallel_loop3A_528 = arith.addf %parallel_loop3A_517, %parallel_loop3A_519 : vector<16xf32>
        %parallel_loop3A_529 = arith.constant 16.7348614 : f32
        %parallel_loop3A_530 = vector.broadcast %parallel_loop3A_529 : f32 to vector<16xf32>
        %parallel_loop3A_531 = arith.mulf %parallel_loop3A_528, %parallel_loop3A_530 : vector<16xf32>
        %parallel_loop3A_532 = arith.subf %parallel_loop3A_527, %parallel_loop3A_531 : vector<16xf32>
        %parallel_loop3A_533 = arith.constant 3.550000e+01 : f32
        %parallel_loop3A_534 = vector.broadcast %parallel_loop3A_533 : f32 to vector<16xf32>
        %parallel_loop3A_535 = arith.addf %parallel_loop3A_532, %parallel_loop3A_534 : vector<16xf32>
        %parallel_loop3A_536 = arith.subf %parallel_loop3A_517, %parallel_loop3A_519 : vector<16xf32>
        %parallel_loop3A_537 = arith.constant 28.9856281 : f32
        %parallel_loop3A_538 = vector.broadcast %parallel_loop3A_537 : f32 to vector<16xf32>
        %parallel_loop3A_539 = arith.mulf %parallel_loop3A_536, %parallel_loop3A_538 : vector<16xf32>
        %parallel_loop3A_540 = arith.constant 3.550000e+01 : f32
        %parallel_loop3A_541 = vector.broadcast %parallel_loop3A_540 : f32 to vector<16xf32>
        %parallel_loop3A_542 = arith.addf %parallel_loop3A_539, %parallel_loop3A_541 : vector<16xf32>
        %parallel_loop3A_543 = arith.fptosi %parallel_loop3A_524 : vector<16xf32> to vector<16xi32>
        %parallel_loop3A_544 = tpu.vector_load_idx %arg17[%parallel_loop3A_543] : memref<96xf32, #tpu.memory_space<vmem>>[vector<16xi32>], vector<16xf32>,
        %parallel_loop3A_545 = tpu.vector_load_idx %arg20[%parallel_loop3A_543] : memref<80xf32, #tpu.memory_space<vmem>>[vector<16xi32>], vector<16xf32>,
        %parallel_loop3A_546 = arith.mulf %parallel_loop3A_524, %parallel_loop3A_545 : vector<16xf32>
        %parallel_loop3A_547 = arith.addf %parallel_loop3A_544, %parallel_loop3A_546 : vector<16xf32>
        %parallel_loop3A_548 = arith.constant 0.000000e+00 : f32
        %parallel_loop3A_549 = arith.constant 1.000000e+00 : f32
        %parallel_loop3A_550 = vector.broadcast %parallel_loop3A_548 : f32 to vector<16xf32>
        %parallel_loop3A_551 = arith.maximumf %parallel_loop3A_550, %parallel_loop3A_547 : vector<16xf32>
        %parallel_loop3A_552 = vector.broadcast %parallel_loop3A_549 : f32 to vector<16xf32>
        %parallel_loop3A_553 = arith.minimumf %parallel_loop3A_552, %parallel_loop3A_551 : vector<16xf32>
        %parallel_loop3A_554 = arith.fptosi %parallel_loop3A_535 : vector<16xf32> to vector<16xi32>
        %parallel_loop3A_555 = tpu.vector_load_idx %arg18[%parallel_loop3A_554] : memref<96xf32, #tpu.memory_space<vmem>>[vector<16xi32>], vector<16xf32>,
        %parallel_loop3A_556 = tpu.vector_load_idx %arg21[%parallel_loop3A_554] : memref<80xf32, #tpu.memory_space<vmem>>[vector<16xi32>], vector<16xf32>,
        %parallel_loop3A_557 = arith.mulf %parallel_loop3A_535, %parallel_loop3A_556 : vector<16xf32>
        %parallel_loop3A_558 = arith.addf %parallel_loop3A_555, %parallel_loop3A_557 : vector<16xf32>
        %parallel_loop3A_559 = arith.constant -0.707106769 : f32
        %parallel_loop3A_560 = arith.constant 0.707106769 : f32
        %parallel_loop3A_561 = vector.broadcast %parallel_loop3A_559 : f32 to vector<16xf32>
        %parallel_loop3A_562 = arith.maximumf %parallel_loop3A_561, %parallel_loop3A_558 : vector<16xf32>
        %parallel_loop3A_563 = vector.broadcast %parallel_loop3A_560 : f32 to vector<16xf32>
        %parallel_loop3A_564 = arith.minimumf %parallel_loop3A_563, %parallel_loop3A_562 : vector<16xf32>
        %parallel_loop3A_565 = arith.fptosi %parallel_loop3A_542 : vector<16xf32> to vector<16xi32>
        %parallel_loop3A_566 = tpu.vector_load_idx %arg19[%parallel_loop3A_565] : memref<96xf32, #tpu.memory_space<vmem>>[vector<16xi32>], vector<16xf32>,
        %parallel_loop3A_567 = tpu.vector_load_idx %arg22[%parallel_loop3A_565] : memref<80xf32, #tpu.memory_space<vmem>>[vector<16xi32>], vector<16xf32>,
        %parallel_loop3A_568 = arith.mulf %parallel_loop3A_542, %parallel_loop3A_567 : vector<16xf32>
        %parallel_loop3A_569 = arith.addf %parallel_loop3A_566, %parallel_loop3A_568 : vector<16xf32>
        %parallel_loop3A_570 = arith.constant -0.612372457 : f32
        %parallel_loop3A_571 = arith.constant 0.612372457 : f32
        %parallel_loop3A_572 = vector.broadcast %parallel_loop3A_570 : f32 to vector<16xf32>
        %parallel_loop3A_573 = arith.maximumf %parallel_loop3A_572, %parallel_loop3A_569 : vector<16xf32>
        %parallel_loop3A_574 = vector.broadcast %parallel_loop3A_571 : f32 to vector<16xf32>
        %parallel_loop3A_575 = arith.minimumf %parallel_loop3A_574, %parallel_loop3A_573 : vector<16xf32>
        %parallel_loop3A_576 = arith.constant -5.000000e-01 : f32
        %parallel_loop3A_577 = vector.broadcast %parallel_loop3A_576 : f32 to vector<16xf32>
        %parallel_loop3A_578 = arith.mulf %parallel_loop3A_564, %parallel_loop3A_577 : vector<16xf32>
        %parallel_loop3A_579 = arith.addf %parallel_loop3A_578, %parallel_loop3A_575 : vector<16xf32>
        %parallel_loop3A_580 = arith.subf %parallel_loop3A_578, %parallel_loop3A_575 : vector<16xf32>
        %parallel_loop3A_581 = arith.maximumf %parallel_loop3A_579, %parallel_loop3A_580 : vector<16xf32>
        %parallel_loop3A_582 = arith.maximumf %parallel_loop3A_564, %parallel_loop3A_581 : vector<16xf32>
        %parallel_loop3A_583 = arith.subf %parallel_loop3A_553, %parallel_loop3A_582 : vector<16xf32>
        %parallel_loop3A_584 = arith.addf %parallel_loop3A_564, %parallel_loop3A_583 : vector<16xf32>
        %parallel_loop3A_585 = arith.constant 0.000000e+00 : f32
        %parallel_loop3A_586 = arith.constant 1.000000e+00 : f32
        %parallel_loop3A_587 = vector.broadcast %parallel_loop3A_585 : f32 to vector<16xf32>
        %parallel_loop3A_588 = arith.maximumf %parallel_loop3A_587, %parallel_loop3A_584 : vector<16xf32>
        %parallel_loop3A_589 = vector.broadcast %parallel_loop3A_586 : f32 to vector<16xf32>
        %parallel_loop3A_590 = arith.minimumf %parallel_loop3A_589, %parallel_loop3A_588 : vector<16xf32>
        %parallel_loop3A_591 = arith.index_cast %parallel_loop3A_513 : i32 to index
        %parallel_loop3A_592 = tpu.vector_load %arg14[%parallel_loop3A_591] {strides = array<i32>} : memref<8192xf32, #tpu.memory_space<vmem>>, vector<16xf32>,
        tpu.vector_store %arg14[%parallel_loop3A_591], %parallel_loop3A_590 {strides = array<i32>} : memref<8192xf32, #tpu.memory_space<vmem>>, vector<16xf32>,
        %parallel_loop3A_593 = arith.addf %parallel_loop3A_579, %parallel_loop3A_583 : vector<16xf32>
        %parallel_loop3A_594 = arith.constant 0.000000e+00 : f32
        %parallel_loop3A_595 = arith.constant 1.000000e+00 : f32
        %parallel_loop3A_596 = vector.broadcast %parallel_loop3A_594 : f32 to vector<16xf32>
        %parallel_loop3A_597 = arith.maximumf %parallel_loop3A_596, %parallel_loop3A_593 : vector<16xf32>
        %parallel_loop3A_598 = vector.broadcast %parallel_loop3A_595 : f32 to vector<16xf32>
        %parallel_loop3A_599 = arith.minimumf %parallel_loop3A_598, %parallel_loop3A_597 : vector<16xf32>
        %parallel_loop3A_600 = arith.index_cast %parallel_loop3A_513 : i32 to index
        %parallel_loop3A_601 = tpu.vector_load %arg15[%parallel_loop3A_600] {strides = array<i32>} : memref<8192xf32, #tpu.memory_space<vmem>>, vector<16xf32>,
        tpu.vector_store %arg15[%parallel_loop3A_600], %parallel_loop3A_599 {strides = array<i32>} : memref<8192xf32, #tpu.memory_space<vmem>>, vector<16xf32>,
        %parallel_loop3A_602 = arith.addf %parallel_loop3A_580, %parallel_loop3A_583 : vector<16xf32>
        %parallel_loop3A_603 = arith.constant 0.000000e+00 : f32
        %parallel_loop3A_604 = arith.constant 1.000000e+00 : f32
        %parallel_loop3A_605 = vector.broadcast %parallel_loop3A_603 : f32 to vector<16xf32>
        %parallel_loop3A_606 = arith.maximumf %parallel_loop3A_605, %parallel_loop3A_602 : vector<16xf32>
        %parallel_loop3A_607 = vector.broadcast %parallel_loop3A_604 : f32 to vector<16xf32>
        %parallel_loop3A_608 = arith.minimumf %parallel_loop3A_607, %parallel_loop3A_606 : vector<16xf32>
        %parallel_loop3A_609 = arith.index_cast %parallel_loop3A_513 : i32 to index
        %parallel_loop3A_610 = tpu.vector_load %arg16[%parallel_loop3A_609] {strides = array<i32>} : memref<8192xf32, #tpu.memory_space<vmem>>, vector<16xf32>,
        tpu.vector_store %arg16[%parallel_loop3A_609], %parallel_loop3A_608 {strides = array<i32>} : memref<8192xf32, #tpu.memory_space<vmem>>, vector<16xf32>,
      } {sc.loop_unroll_factor = 6 : i64, sc.parallel_access}
      %mul3A_493 = arith.constant 8192 : i32
      %mul3A_494 = arith.muli %add3A_469, %mul3A_493 : i32
      %add3A_495 = arith.addi %mul3A_2, %mul3A_494 : i32
      %add3A_496 = arith.constant 0 : i32
      %add3A_497 = arith.addi %add3A_495, %add3A_496 : i32
      %add3A_498 = arith.constant 262144 : i32
      %add3A_499 = arith.addi %add3A_495, %add3A_498 : i32
      %add3A_500 = arith.constant 524288 : i32
      %add3A_501 = arith.addi %add3A_495, %add3A_500 : i32
      %dma_start3A_502 = tpu.memref_slice %arg4[%add3A_497] : memref<25165824xf32, #tpu.memory_space<hbm>> -> memref<8192xf32, #tpu.memory_space<hbm>>
      %dma_start3A_503 = tpu.memref_slice %arg4[%add3A_497] : memref<25165824xf32, #tpu.memory_space<hbm>> -> memref<8192xf32, #tpu.memory_space<hbm>>
      tpu.enqueue_dma source(%arg14 : memref<8192xf32, #tpu.memory_space<vmem>>) target(%dma_start3A_503 : memref<8192xf32, #tpu.memory_space<hbm>>) target_semaphore(%arg26 : memref<!tpu.dma_semaphore, #tpu.memory_space<semaphore_mem>>)
      %dma_start3A_504 = tpu.memref_slice %arg4[%add3A_499] : memref<25165824xf32, #tpu.memory_space<hbm>> -> memref<8192xf32, #tpu.memory_space<hbm>>
      %dma_start3A_505 = tpu.memref_slice %arg4[%add3A_499] : memref<25165824xf32, #tpu.memory_space<hbm>> -> memref<8192xf32, #tpu.memory_space<hbm>>
      tpu.enqueue_dma source(%arg15 : memref<8192xf32, #tpu.memory_space<vmem>>) target(%dma_start3A_505 : memref<8192xf32, #tpu.memory_space<hbm>>) target_semaphore(%arg26 : memref<!tpu.dma_semaphore, #tpu.memory_space<semaphore_mem>>)
      %dma_start3A_506 = tpu.memref_slice %arg4[%add3A_501] : memref<25165824xf32, #tpu.memory_space<hbm>> -> memref<8192xf32, #tpu.memory_space<hbm>>
      %dma_start3A_507 = tpu.memref_slice %arg4[%add3A_501] : memref<25165824xf32, #tpu.memory_space<hbm>> -> memref<8192xf32, #tpu.memory_space<hbm>>
      tpu.enqueue_dma source(%arg16 : memref<8192xf32, #tpu.memory_space<vmem>>) target(%dma_start3A_507 : memref<8192xf32, #tpu.memory_space<hbm>>) target_semaphore(%arg26 : memref<!tpu.dma_semaphore, #tpu.memory_space<semaphore_mem>>)
      %lt3A_508 = arith.constant 15 : i32
      %lt3A_509 = arith.cmpi slt, %scan3A_424, %lt3A_508 : i32
      %convert_element_type3A_510 = arith.extui %lt3A_509 : i1 to i32
      %cond3A_511 = arith.constant 0 : i32
      %cond3A_512 = arith.cmpi ne, %convert_element_type3A_510, %cond3A_511 : i32
      scf.if %cond3A_512 {
        %add3A_513 = arith.constant 2 : i32
        %add3A_514 = arith.addi %add3A_469, %add3A_513 : i32
        %mul3A_515 = arith.constant 8192 : i32
        %mul3A_516 = arith.muli %add3A_514, %mul3A_515 : i32
        %add3A_517 = arith.addi %mul3A_2, %mul3A_516 : i32
        %add3A_518 = arith.constant 0 : i32
        %add3A_519 = arith.addi %add3A_517, %add3A_518 : i32
        %add3A_520 = arith.constant 262144 : i32
        %add3A_521 = arith.addi %add3A_517, %add3A_520 : i32
        %add3A_522 = arith.constant 524288 : i32
        %add3A_523 = arith.addi %add3A_517, %add3A_522 : i32
        %dma_start3A_524 = tpu.memref_slice %arg2[%add3A_519] : memref<25165824xf32, #tpu.memory_space<hbm>> -> memref<8192xf32, #tpu.memory_space<hbm>>
        %dma_start3A_525 = tpu.memref_slice %arg2[%add3A_519] : memref<25165824xf32, #tpu.memory_space<hbm>> -> memref<8192xf32, #tpu.memory_space<hbm>>
        tpu.enqueue_dma source(%dma_start3A_525 : memref<8192xf32, #tpu.memory_space<hbm>>) target(%arg8 : memref<8192xf32, #tpu.memory_space<vmem>>) target_semaphore(%arg24 : memref<!tpu.dma_semaphore, #tpu.memory_space<semaphore_mem>>)
        %dma_start3A_526 = tpu.memref_slice %arg2[%add3A_521] : memref<25165824xf32, #tpu.memory_space<hbm>> -> memref<8192xf32, #tpu.memory_space<hbm>>
        %dma_start3A_527 = tpu.memref_slice %arg2[%add3A_521] : memref<25165824xf32, #tpu.memory_space<hbm>> -> memref<8192xf32, #tpu.memory_space<hbm>>
        tpu.enqueue_dma source(%dma_start3A_527 : memref<8192xf32, #tpu.memory_space<hbm>>) target(%arg9 : memref<8192xf32, #tpu.memory_space<vmem>>) target_semaphore(%arg24 : memref<!tpu.dma_semaphore, #tpu.memory_space<semaphore_mem>>)
        %dma_start3A_528 = tpu.memref_slice %arg2[%add3A_523] : memref<25165824xf32, #tpu.memory_space<hbm>> -> memref<8192xf32, #tpu.memory_space<hbm>>
        %dma_start3A_529 = tpu.memref_slice %arg2[%add3A_523] : memref<25165824xf32, #tpu.memory_space<hbm>> -> memref<8192xf32, #tpu.memory_space<hbm>>
        tpu.enqueue_dma source(%dma_start3A_529 : memref<8192xf32, #tpu.memory_space<hbm>>) target(%arg10 : memref<8192xf32, #tpu.memory_space<vmem>>) target_semaphore(%arg24 : memref<!tpu.dma_semaphore, #tpu.memory_space<semaphore_mem>>)
      } else {
      }
    }
    %scan3A_396 = arith.constant 16 : i32
    %add3A_397 = arith.constant 245760 : i32
    %add3A_398 = arith.addi %mul3A_2, %add3A_397 : i32
    %add3A_399 = arith.constant 0 : i32
    %add3A_400 = arith.addi %add3A_398, %add3A_399 : i32
    %add3A_401 = arith.constant 262144 : i32
    %add3A_402 = arith.addi %add3A_398, %add3A_401 : i32
    %add3A_403 = arith.constant 524288 : i32
    %add3A_404 = arith.addi %add3A_398, %add3A_403 : i32
    %dma_wait3A = tpu.memref_slice %arg4[%add3A_400] : memref<25165824xf32, #tpu.memory_space<hbm>> -> memref<8192xf32, #tpu.memory_space<hbm>>
    %dma_wait3A_405 = tpu.memref_slice %arg4[%add3A_400] : memref<25165824xf32, #tpu.memory_space<hbm>> -> memref<8192xf32, #tpu.memory_space<hbm>>
    tpu.wait_dma2 semaphore(%arg25 : memref<!tpu.dma_semaphore, #tpu.memory_space<semaphore_mem>>) src(%arg11 : memref<8192xf32, #tpu.memory_space<vmem>>) dst(%dma_wait3A_405 : memref<8192xf32, #tpu.memory_space<hbm>>)
    %dma_wait3A_406 = tpu.memref_slice %arg4[%add3A_402] : memref<25165824xf32, #tpu.memory_space<hbm>> -> memref<8192xf32, #tpu.memory_space<hbm>>
    %dma_wait3A_407 = tpu.memref_slice %arg4[%add3A_402] : memref<25165824xf32, #tpu.memory_space<hbm>> -> memref<8192xf32, #tpu.memory_space<hbm>>
    tpu.wait_dma2 semaphore(%arg25 : memref<!tpu.dma_semaphore, #tpu.memory_space<semaphore_mem>>) src(%arg12 : memref<8192xf32, #tpu.memory_space<vmem>>) dst(%dma_wait3A_407 : memref<8192xf32, #tpu.memory_space<hbm>>)
    %dma_wait3A_408 = tpu.memref_slice %arg4[%add3A_404] : memref<25165824xf32, #tpu.memory_space<hbm>> -> memref<8192xf32, #tpu.memory_space<hbm>>
    %dma_wait3A_409 = tpu.memref_slice %arg4[%add3A_404] : memref<25165824xf32, #tpu.memory_space<hbm>> -> memref<8192xf32, #tpu.memory_space<hbm>>
    tpu.wait_dma2 semaphore(%arg25 : memref<!tpu.dma_semaphore, #tpu.memory_space<semaphore_mem>>) src(%arg13 : memref<8192xf32, #tpu.memory_space<vmem>>) dst(%dma_wait3A_409 : memref<8192xf32, #tpu.memory_space<hbm>>)
    %add3A_410 = arith.constant 253952 : i32
    %add3A_411 = arith.addi %mul3A_2, %add3A_410 : i32
    %add3A_412 = arith.constant 0 : i32
    %add3A_413 = arith.addi %add3A_411, %add3A_412 : i32
    %add3A_414 = arith.constant 262144 : i32
    %add3A_415 = arith.addi %add3A_411, %add3A_414 : i32
    %add3A_416 = arith.constant 524288 : i32
    %add3A_417 = arith.addi %add3A_411, %add3A_416 : i32
    %dma_wait3A_418 = tpu.memref_slice %arg4[%add3A_413] : memref<25165824xf32, #tpu.memory_space<hbm>> -> memref<8192xf32, #tpu.memory_space<hbm>>
    %dma_wait3A_419 = tpu.memref_slice %arg4[%add3A_413] : memref<25165824xf32, #tpu.memory_space<hbm>> -> memref<8192xf32, #tpu.memory_space<hbm>>
    tpu.wait_dma2 semaphore(%arg26 : memref<!tpu.dma_semaphore, #tpu.memory_space<semaphore_mem>>) src(%arg14 : memref<8192xf32, #tpu.memory_space<vmem>>) dst(%dma_wait3A_419 : memref<8192xf32, #tpu.memory_space<hbm>>)
    %dma_wait3A_420 = tpu.memref_slice %arg4[%add3A_415] : memref<25165824xf32, #tpu.memory_space<hbm>> -> memref<8192xf32, #tpu.memory_space<hbm>>
    %dma_wait3A_421 = tpu.memref_slice %arg4[%add3A_415] : memref<25165824xf32, #tpu.memory_space<hbm>> -> memref<8192xf32, #tpu.memory_space<hbm>>
    tpu.wait_dma2 semaphore(%arg26 : memref<!tpu.dma_semaphore, #tpu.memory_space<semaphore_mem>>) src(%arg15 : memref<8192xf32, #tpu.memory_space<vmem>>) dst(%dma_wait3A_421 : memref<8192xf32, #tpu.memory_space<hbm>>)
    %dma_wait3A_422 = tpu.memref_slice %arg4[%add3A_417] : memref<25165824xf32, #tpu.memory_space<hbm>> -> memref<8192xf32, #tpu.memory_space<hbm>>
    %dma_wait3A_423 = tpu.memref_slice %arg4[%add3A_417] : memref<25165824xf32, #tpu.memory_space<hbm>> -> memref<8192xf32, #tpu.memory_space<hbm>>
    tpu.wait_dma2 semaphore(%arg26 : memref<!tpu.dma_semaphore, #tpu.memory_space<semaphore_mem>>) src(%arg16 : memref<8192xf32, #tpu.memory_space<vmem>>) dst(%dma_wait3A_423 : memref<8192xf32, #tpu.memory_space<hbm>>)
    return
  }
}

</mosaic_0001>

<sc_bundles>
// kernel: kernel.3.cloned.1.call-start
scs
__scs_entry_jumppad:
0x0: {  	(pc) =	sbr.rel $0x88, $3  }
0x1: {  	(tag) =	ssettag $0x0;
	lr =	simm.s32 $0x1  }
0x2: {  	[smem:$0x3F9F] =	sst lr;
	_ =	strace $0xD0000000  }
0x3: {  	_ = 	snop  }
0x4: {  	_ = 	snop  }
0x5: {  	_ = 	snop  }
0x6: {  	_ = 	snop  }
0x7: {  	_ = 	snop  }
__scs_overlays_trampoline_lowered:
0x8: {  	[smem:$0x3FAE] =	sst s0  }
0x9: {  	[smem:$0x3FAF] =	sst s1  }
0xa: {  	[smem:$0x3FB0] =	sst s2  }
0xb: {  	[smem:$0x3FB1] =	sst s3  }
0xc: {  	[smem:$0x3FB2] =	sst s4  }
0xd: {  	[smem:$0x3FB3] =	sst s5  }
0xe: {  	[smem:$0x3FB4] =	sst s6  }
0xf: {  	[smem:$0x3FB5] =	sst s7  }
0x10: {  	[smem:$0x3FB6] =	sst s8  }
0x11: {  	[smem:$0x3FB7] =	sst s9;
	s0 =	simm.s32 @!p0 $0x0  }
0x12: {  	s1 =	sld [smem:$0x3F9D];
	s0 =	simm.s32 @p0 $0x1  }
0x13: {  	[smem:$0x3FB8] =	sst s0;
	s0 =	simm.s32 @!p1 $0x0  }
0x14: {  	s2 =	sld [smem:$0x3F9C];
	s0 =	simm.s32 @p1 $0x1  }
0x15: {  	[smem:$0x3FB9] =	sst s0;
	s0 =	simm.s32 @!p2 $0x0  }
0x16: {  	s3 =	sld [smem:$0x3FDB];
	s0 =	simm.s32 @p2 $0x1  }
0x17: {  	s4 =	simm.s32 $0x1BF5;
	[smem:$0x3FBB] =	sst s0  }
0x18: {  	s0 =	sld [smem:$0x3F9E];
	_ =	swait.ge [sflag:s4], $0x0  }
0x19: {  	s7 =	sld [smem:$0x3F9F]  }
0x1a: {  	s8 =	sadd.s32 $0xFFFFE003, lr  }
0x1b: {  	s9 =	sadd.s32 $0xFFFFFEF7, lr;
	s5 =	simm.s32 $0xFFFFFFFF;
	p2 =	slt.u32 s8, $0xFFFFF086  }
0x1c: {  	p1 =	slt.u32 s9, $0xF7A;
	s5 =	simm.s32 @!p2 $0x0  }
0x1d: {  	s5 =	simm.s32 @p1 $0x1;
	p0 =	seq.s32 s7, s2  }
0x1e: {  	s7 =	smul.u32 @!p0 $0xF7A, s2;
	p2 =	seq.s32 @!p0 s5, $0x0  }
0x1f: {  	s9 =	smul.u32 $0xF7A, s1;
	s8 =	simm.s32 @!p0 $0x1BF5;
	p2 =	por !p2, p0  }
0x20: {  	[sflag:s8] =	ssyncset.s32 @!p0 $0xFFFFF086;
	s6 =	sadd.s32 @!p0 s3, s7;
	s7 =	simm.s32 @!p0 $0x108  }
0x21: {  	s3 =	sadd.s32 s3, s9;
	s6 =	sadd.s32 @!p0 $0x88, s6;
	s7 =	simm.s32 @p2 $0x1082  }
0x22: {  	[simem:s7], [sflag:s8] =	dma.local @!p0 [hbm:s6], $0xF7A  }
0x23: {  	s9 =	sor.u32 $0xD0000000, s2;
	s6 =	simm.s32 $0x108;
	_ =	swait.ge @!p0 [sflag:s8], $0x0  }
0x24: {  	s3 =	sadd.s32 $0x88, s3;
	s6 =	simm.s32 @!p1 $0x1082;
	[sflag:s4] =	ssyncset.s32 $0xFFFFF086  }
0x25: {  	[simem:s6], [sflag:s4] =	dma.local [hbm:s3], $0xF7A  }
0x26: {  	[smem:$0x3F9F] =	sst s1;
	(tag) =	ssettag s2;
	_ =	strace s9  }
0x27: {  	s1 =	sld [smem:$0x3FAF]  }
0x28: {  	s2 =	sld [smem:$0x3FB0]  }
0x29: {  	s4 =	sld [smem:$0x3FB2]  }
0x2a: {  	p0 =	seq.s32 s5, $0x0;
	s5 =	sld [smem:$0x3FB3]  }
0x2b: {  	s6 =	sld [smem:$0x3FB4]  }
0x2c: {  	s7 =	sld [smem:$0x3FB5]  }
0x2d: {  	s3 =	simm.s32 $0x108;
	s8 =	sld [smem:$0x3FB6]  }
0x2e: {  	s3 =	simm.s32 @!p0 $0x1082;
	s9 =	sld [smem:$0x3FB7]  }
0x2f: {  	lr =	sadd.s32 s0, s3;
	s0 =	sld [smem:$0x3FAE]  }
0x30: {  	s3 =	sld [smem:$0x3FB1]  }
0x31: {  	[smem:$0x3FBA] =	sst s10  }
0x32: {  	s10 =	sld [smem:$0x3FB8];
	_ =	sdelay $0x3  }
0x33: {  	p0 =	seq.s32 s10, $0x1;
	s10 =	sld [smem:$0x3FBA];
	_ =	sdelay $0x3  }
0x34: {  	[smem:$0x3FBA] =	sst s10  }
0x35: {  	s10 =	sld [smem:$0x3FB9];
	_ =	sdelay $0x3  }
0x36: {  	p1 =	seq.s32 s10, $0x1;
	s10 =	sld [smem:$0x3FBA];
	_ =	sdelay $0x3  }
0x37: {  	[smem:$0x3FBA] =	sst s10  }
0x38: {  	s10 =	sld [smem:$0x3FBB]  }
0x39: {  	_ = 	snop;
	(pc) =	sbr.ind lr, $3  }
0x3a: {  	_ = 	snop  }
0x3b: {  	_ = 	snop  }
0x3c: {  	p2 =	seq.s32 s10, $0x1;
	s10 =	sld [smem:$0x3FBA]  }
0x3d: {  	_ =	shalt  }
0x3e: {  	_ =	shalt  }
0x3f: {  	_ =	shalt  }
0x40: {  	_ =	shalt  }
0x41: {  	_ =	shalt  }
0x42: {  	_ =	shalt  }
0x43: {  	_ =	shalt  }
0x44: {  	_ =	shalt  }
0x45: {  	_ =	shalt  }
0x46: {  	_ =	shalt  }
0x47: {  	_ =	shalt  }
0x48: {  	_ =	shalt  }
0x49: {  	_ =	shalt  }
0x4a: {  	_ =	shalt  }
0x4b: {  	_ =	shalt  }
0x4c: {  	_ =	shalt  }
0x4d: {  	_ =	shalt  }
0x4e: {  	_ =	shalt  }
0x4f: {  	_ =	shalt  }
0x50: {  	_ =	shalt  }
0x51: {  	_ =	shalt  }
0x52: {  	_ =	shalt  }
0x53: {  	_ =	shalt  }
0x54: {  	_ =	shalt  }
0x55: {  	_ =	shalt  }
0x56: {  	_ =	shalt  }
0x57: {  	_ =	shalt  }
0x58: {  	_ =	shalt  }
0x59: {  	_ =	shalt  }
0x5a: {  	_ =	shalt  }
0x5b: {  	_ =	shalt  }
0x5c: {  	_ =	shalt  }
0x5d: {  	_ =	shalt  }
0x5e: {  	_ =	shalt  }
0x5f: {  	_ =	shalt  }
0x60: {  	_ =	shalt  }
0x61: {  	_ =	shalt  }
0x62: {  	_ =	shalt  }
0x63: {  	_ =	shalt  }
0x64: {  	_ =	shalt  }
0x65: {  	_ =	shalt  }
0x66: {  	_ =	shalt  }
0x67: {  	_ =	shalt  }
0x68: {  	_ =	shalt  }
0x69: {  	_ =	shalt  }
0x6a: {  	_ =	shalt  }
0x6b: {  	_ =	shalt  }
0x6c: {  	_ =	shalt  }
0x6d: {  	_ =	shalt  }
0x6e: {  	_ =	shalt  }
0x6f: {  	_ =	shalt  }
0x70: {  	_ =	shalt  }
0x71: {  	_ =	shalt  }
0x72: {  	_ =	shalt  }
0x73: {  	_ =	shalt  }
0x74: {  	_ =	shalt  }
0x75: {  	_ =	shalt  }
0x76: {  	_ =	shalt  }
0x77: {  	_ =	shalt  }
0x78: {  	_ =	shalt  }
0x79: {  	_ =	shalt  }
0x7a: {  	_ =	shalt  }
0x7b: {  	_ =	shalt  }
0x7c: {  	_ =	shalt  }
0x7d: {  	_ =	shalt  }
0x7e: {  	_ =	shalt  }
0x7f: {  	_ =	shalt  }
0x80: {  	_ =	shalt  }
0x81: {  	_ =	shalt  }
0x82: {  	_ =	shalt  }
0x83: {  	_ =	shalt  }
0x84: {  	_ =	shalt  }
0x85: {  	_ =	shalt  }
0x86: {  	_ =	shalt  }
0x87: {  	_ =	shalt  }
.Lfunc_end0:
.L_simem_size_0:
called_computation.1_lowered:
.L_overlay_start_0:
0x88: {  	s2 =	sld [smem:$0x3FD9]  }
0x89: {  	s3 =	sld [smem:$0x3FFE];
	_ =	sdelay $0x1  }
0x8a: {  	s1 =	srdreg.scid  }
0x8b: {  	s0 =	sand.u32 $0x1, s1  }
0x8c: {  	s17 =	sshll.u32 s0, $0xA;
	s2 =	sadd.s32 s3, s2  }
0x8d: {  	s2 =	sadd.s32 s2, s17  }
0x8e: {  	[smem:$0x3FC6] =	sst s2  }
0x8f: {  	_ = 	snop  }
0x90: {  	s2 =	sld [smem:$0x3FD0];
	(tm) =	ssettm $0x1  }
0x91: {  	s18 =	sld [smem:$0x3FFB];
	_ =	sdelay $0x3  }
0x92: {  	_ =	strace s18  }
0x93: {  	s3 =	sld [smem:$0x3FFC];
	_ =	sdelay $0x3  }
0x94: {  	_ =	strace s3  }
0x95: {  	s3 =	sld [smem:$0x3FFD];
	_ =	sdelay $0x3  }
0x96: {  	_ =	strace s3  }
0x97: {  	_ =	strace $0x8FFFFFFF  }
0x98: {  	s19 =	sld [smem:$0x3FDB];
	_ =	sdelay $0x1  }
0x99: {  	s4 =	simm.s32 $_scs_section_size  }
0x9a: {  	s5 =	simm.s32 $_size__tile_overlayer_lowered;
	s6 =	simm.s32 $_tile_overlayer_lowered  }
0x9b: {  	s22 =	simm.s32 $0x1BFF;
	s21 =	sshll.u32 s6, $0x1;
	s3 =	sadd.s32 s4, s19  }
0x9c: {  	s7 =	simm.s32 $0x0;
	s20 =	sshll.u32 s5, $0x1;
	s5 =	sadd.s32 s21, s3  }
0x9d: {  	[timem:s7], [sflag:s22] =	dma.local [hbm:s5], s20  }
0x9e: {  	_ =	swait.ge [sflag:s22], s20  }
0x9f: {  	s4 =	ssub.s32 $0x0, s20;
	[sflag:s22] =	ssyncset.done $0x0  }
0xa0: {  	[sflag:s22] =	ssyncadd.s32 s4;
	_ =	sdelay $0x1  }
0xa1: {  	s23 =	simm.s32 $0x1B8B  }
0xa2: {  	_ =	swait.ge [sflag:s23], $0x1  }
0xa3: {  	[sflag:s23] =	ssyncset.done $0x0  }
0xa4: {  	s25 =	simm.s32 $0x1B8E;
	s24 =	sld [smem:$0x3FFE];
	[sflag:s23] =	ssyncadd.s32 $0xFFFFFFFF  }
0xa5: {  	s26 =	simm.s32 $execute0_lowered;
	[smem:$0x3FD2] =	sst s25  }
0xa6: {  	s5 =	sshll.u32 s26, $0x1;
	_ =	strace $0x80000049;
	[dreg:$0x1] =	wrdreg $0xFFFFFFFF  }
0xa7: {  	s28 =	simm.s32 $_size_execute0_lowered;
	s3 =	sadd.s32 s3, s5;
	[dreg:$0x0] =	wrdreg $0x0  }
0xa8: {  	s5 =	sshll.u32 s28, $0x1;
	[dreg:$0x2] =	wrdreg s3  }
0xa9: {  	[dreg:$0x3] =	wrdreg s5  }
0xaa: {  	[dreg:$0x4] =	wrdreg $0xC0  }
0xab: {  	_ =	task [dreg:s7], $0x5FFFF  }
0xac: {  	[dreg:$0x1] =	wrdreg $0xFFFFFFFF  }
0xad: {  	[dreg:$0x0] =	wrdreg $0x60  }
0xae: {  	[dreg:$0x2] =	wrdreg s2  }
0xaf: {  	[dreg:$0x3] =	wrdreg s24  }
0xb0: {  	[dreg:$0x4] =	wrdreg $0x9  }
0xb1: {  	_ =	task.clear_ibuf [dreg:s7], $0x5FFFF;
	_ =	strace $0x90000049  }
0xb2: {  	s29 =	simm.s32 $0x9;
	_ =	strace $0x8000004B  }
0xb3: {  	_ =	swait.ge [sflag:s29], $0x1  }
0xb4: {  	[sflag:s29] =	ssyncadd.s32 $0xFFFFFFFF  }
0xb5: {  	_ =	strace $0x9000004B  }
0xb6: {  	_ =	sfence  }
0xb7: {  	s30 =	sld [smem:$0x0];
	_ =	sdelay $0x2  }
0xb8: {  	s31 =	sshll.u32 s1, $0xD;
	s1 =	sshrl.u32 s1, $0x2  }
0xb9: {  	s3 =	sand.u32 $0x4000, s31;
	s1 =	sadd.s32 s1, s30  }
0xba: {  	s0 =	sor.u32 s3, s0;
	s1 =	sshll.u32 s1, $0x11  }
0xbb: {  	s0 =	sor.u32 s1, s0  }
0xbc: {  	s0 =	sadd.s32 $0x8F2B, s0  }
0xbd: {  	[sflag:s0] =	ssyncadd.remote.s32 $0x1  }
0xbe: {  	_ =	sfence.sel $0xFFFF  }
0xbf: {  	[dreg:$0x0] =	wrdreg $0xFFFFFFFF;
	(pc) =	sbr.abs _section_cstart, $3  }
0xc0: {  	[dreg:$0x1] =	wrdreg $0xFFFFFFFF  }
0xc1: {  	_ =	task.clear_ibuf [dreg:s7], $0x2FFFF;
	_ =	strace $0x9FFFFFFF  }
0xc2: {  	(tm) =	ssettm $0x7FFFFFFF  }
0xc3: {  	_ =	shalt  }
tec
execute0_lowered:
.L_overlay_start_1:
0x0: {  	(tag) =	ssettag $0x1  }
0x1: {  	v0 =	vimm.f32 $1.500000000e+01;
	vm14 =	vcmask $0x300  }
0x2: {  	v1 =	vimm.f32 $3.100000000e+01;
	vm13 =	vcmask $0x704;
	vm12 =	vcmask $0xB08  }
0x3: {  	vm11 =	vcmask $0xF0C;
	vm10 =	vcmask $0x1310;
	vm9 =	vcmask $0x1714  }
0x4: {  	vm8 =	vcmask $0x1B18;
	vm7 =	vcmask $0x1F1C;
	vm6 =	vcmask $0x2320  }
0x5: {  	vm5 =	vcmask $0x2724;
	vm4 =	vcmask $0x2B28;
	vm3 =	vcmask $0x2F2C  }
0x6: {  	vm2 =	vcmask $0x3330;
	vm1 =	vcmask $0x3734;
	vm0 =	vcmask $0x3B38  }
0x7: {  	v2 =	vimm.f32 $4.700000000e+01;
	v3 =	vimm.f32 $6.300000000e+01;
	v4 =	vimm.f32 $7.900000000e+01  }
0x8: {  	v0 =	vsel vm14, $0x0, v0;
	v1 =	vsel vm14, $0x41800000, v1;
	v2 =	vsel vm14, $0x42000000, v2  }
0x9: {  	v3 =	vsel vm14, $0x42400000, v3;
	v4 =	vsel vm14, $0x42800000, v4;
	v0 =	vsel vm13, $0x3F800000, v0  }
0xa: {  	v1 =	vsel vm13, $0x41880000, v1;
	v2 =	vsel vm13, $0x42040000, v2;
	v3 =	vsel vm13, $0x42440000, v3  }
0xb: {  	v4 =	vsel vm13, $0x42820000, v4;
	v0 =	vsel vm12, $0x40000000, v0;
	v1 =	vsel vm12, $0x41900000, v1  }
0xc: {  	v2 =	vsel vm12, $0x42080000, v2;
	v3 =	vsel vm12, $0x42480000, v3;
	v4 =	vsel vm12, $0x42840000, v4  }
0xd: {  	v0 =	vsel vm11, $0x40400000, v0;
	v1 =	vsel vm11, $0x41980000, v1;
	v2 =	vsel vm11, $0x420C0000, v2  }
0xe: {  	s0 =	srdreg.scid;
	s1 =	stileid.u32;
	v3 =	vsel vm11, $0x424C0000, v3;
	v4 =	vsel vm11, $0x42860000, v4;
	v0 =	vsel vm10, $0x40800000, v0  }
0xf: {  	s4 =	rddreg [dreg:$0x0];
	s0 =	sand.u32 $0x1, s0;
	s1 =	sshll.u32 s1, $0x1;
	v1 =	vsel vm10, $0x41A00000, v1;
	v2 =	vsel vm10, $0x42100000, v2;
	v3 =	vsel vm10, $0x42500000, v3  }
0x10: {  	s2 =	rddreg [dreg:$0x1];
	s6 =	simm.s32 $0x0;
	s1 =	sor.u32 s0, s1;
	v4 =	vsel vm10, $0x42880000, v4;
	v0 =	vsel vm9, $0x40A00000, v0;
	v1 =	vsel vm9, $0x41A80000, v1  }
0x11: {  	[smem:$0x7FF] =	sst s6;
	s0 =	ssub.s32 $0x2, s0;
	s7 =	smul.u32 $0xC0000, s1;
	v2 =	vsel vm9, $0x42140000, v2;
	v3 =	vsel vm9, $0x42540000, v3;
	v4 =	vsel vm9, $0x428A0000, v4  }
0x12: {  	_ =	strace $0x8000004A;
	s3 =	smul.u32 $0x120, s1;
	s15 =	sshrl.u32 s0, $0x1;
	v0 =	vsel vm8, $0x40C00000, v0;
	v1 =	vsel vm8, $0x41B00000, v1;
	v2 =	vsel vm8, $0x42180000, v2  }
0x13: {  	s0 =	ssub.s32 s0, s15;
	s25 =	sor.u32 $0x4000, s7;
	[dreg:$0x3] =	wrdreg s7;
	v3 =	vsel vm8, $0x42580000, v3;
	v4 =	vsel vm8, $0x428C0000, v4;
	v0 =	vsel vm7, $0x40E00000, v0  }
0x14: {  	s3 =	sshrl.u32 s3, $0x3;
	s26 =	sor.u32 $0x6000, s7;
	[dreg:$0xd] =	wrdreg s25;
	v1 =	vsel vm7, $0x41B80000, v1;
	v2 =	vsel vm7, $0x421C0000, v2;
	v3 =	vsel vm7, $0x425C0000, v3  }
0x15: {  	s16 =	sshrl.u32 s7, $0x3;
	s0 =	smax.u32 s0, $0x1;
	[dreg:$0xe] =	wrdreg s26;
	v4 =	vsel vm7, $0x428E0000, v4;
	v0 =	vsel vm6, $0x41000000, v0;
	v1 =	vsel vm6, $0x41C00000, v1  }
0x16: {  	s14 =	sadd.s32 s3, s2;
	s18 =	sadd.s32 s4, s16;
	[dreg:$0xf] =	wrdreg s0;
	v2 =	vsel vm6, $0x42200000, v2;
	v3 =	vsel vm6, $0x42600000, v3;
	v4 =	vsel vm6, $0x42900000, v4  }
0x17: {  	s17 =	sadd.s32 $0x600, s14;
	[dreg:$0x5] =	wrdreg s18;
	v0 =	vsel vm5, $0x41100000, v0;
	v1 =	vsel vm5, $0x41C80000, v1;
	v2 =	vsel vm5, $0x42240000, v2  }
0x18: {  	s19 =	sadd.s32 $0x60C, s14;
	[dreg:$0x4] =	wrdreg s17;
	v3 =	vsel vm5, $0x42640000, v3;
	v4 =	vsel vm5, $0x42920000, v4;
	v0 =	vsel vm4, $0x41200000, v0  }
0x19: {  	s28 =	simm.s32 $0x1;
	s1 =	sadd.s32 $0x618, s14;
	[dreg:$0x6] =	wrdreg s19;
	v1 =	vsel vm4, $0x41D00000, v1;
	v2 =	vsel vm4, $0x42280000, v2;
	v3 =	vsel vm4, $0x42680000, v3  }
0x1a: {  	s29 =	simm.s32 $0x18180;
	s20 =	sadd.s32 $0x8000, s18;
	[dreg:$0x7] =	wrdreg s1;
	v4 =	vsel vm4, $0x42940000, v4;
	v0 =	vsel vm3, $0x41300000, v0;
	v1 =	vsel vm3, $0x41D80000, v1  }
0x1b: {  	s30 =	simm.s32 $0x18200;
	s21 =	sadd.s32 $0x10000, s18;
	[dreg:$0x8] =	wrdreg s20;
	v2 =	vsel vm3, $0x422C0000, v2;
	v3 =	vsel vm3, $0x426C0000, v3;
	v4 =	vsel vm3, $0x42960000, v4  }
.Ltmp0:
0x1c: {  	s22 =	sadd.s32 $0x400, s18;
	[dreg:$0x9] =	wrdreg s21;
	v0 =	vsel vm2, $0x41400000, v0;
	v1 =	vsel vm2, $0x41E00000, v1;
	v2 =	vsel vm2, $0x42300000, v2;
	(pc) =	sbr.rel .LBB2_1-.Ltmp0, $4  }
0x1d: {  	s31 =	simm.s32 $0x18280;
	s23 =	sadd.s32 $0x8400, s18;
	[dreg:$0xa] =	wrdreg s22;
	v3 =	vsel vm2, $0x42700000, v3;
	v4 =	vsel vm2, $0x42980000, v4;
	v0 =	vsel vm1, $0x41500000, v0  }
0x1e: {  	s5 =	sadd.s32 $0xC00, s2;
	s24 =	sadd.s32 $0x10400, s18;
	[dreg:$0xb] =	wrdreg s23;
	v1 =	vsel vm1, $0x41E80000, v1;
	v2 =	vsel vm1, $0x42340000, v2;
	v3 =	vsel vm1, $0x42740000, v3  }
0x1f: {  	s2 =	simm.s32 $0x0;
	s18 =	simm.s32 $0x18000;
	[dreg:$0xc] =	wrdreg s24;
	v4 =	vsel vm1, $0x429A0000, v4;
	v0 =	vsel vm0, $0x41600000, v0;
	v1 =	vsel vm0, $0x41F00000, v1  }
0x20: {  	s20 =	simm.s32 $0x18080;
	s21 =	simm.s32 $0x18100;
	s23 =	simm.s32 $0x2;
	v2 =	vsel vm0, $0x42380000, v2;
	v3 =	vsel vm0, $0x42780000, v3;
	v4 =	vsel vm0, $0x429C0000, v4  }
.LBB2_12:
0x21: {  	s0 =	simm.s32 $0x3  }
0x22: {  	_ =	swait.ge [sflag:s0], $0x2000  }
0x23: {  	[sflag:s0] =	ssyncset.done $0x0  }
0x24: {  	[sflag:s0] =	ssyncadd.s32 $0xFFFFE000  }
0x25: {  	_ =	swait.ge [sflag:s0], $0x2000  }
0x26: {  	[sflag:s0] =	ssyncset.done $0x0  }
0x27: {  	[sflag:s0] =	ssyncadd.s32 $0xFFFFE000  }
0x28: {  	_ =	swait.ge [sflag:s0], $0x2000  }
0x29: {  	[sflag:s0] =	ssyncset.done $0x0  }
0x2a: {  	s1 =	simm.s32 $0x4;
	[sflag:s0] =	ssyncadd.s32 $0xFFFFE000  }
0x2b: {  	_ =	swait.ge [sflag:s1], $0x2000  }
0x2c: {  	[sflag:s1] =	ssyncset.done $0x0  }
0x2d: {  	[sflag:s1] =	ssyncadd.s32 $0xFFFFE000  }
0x2e: {  	_ =	swait.ge [sflag:s1], $0x2000  }
0x2f: {  	[sflag:s1] =	ssyncset.done $0x0  }
0x30: {  	[sflag:s1] =	ssyncadd.s32 $0xFFFFE000  }
0x31: {  	_ =	swait.ge [sflag:s1], $0x2000  }
0x32: {  	s2 =	rddreg [dreg:$0x10]  }
0x33: {  	s26 =	rddreg [dreg:$0xf];
	s2 =	sadd.s32 $0x1, s2  }
0x34: {  	p0 =	sne.s32 s2, s26  }
.Ltmp1:
0x35: {  	_ = 	snop;
	(pc) =	sbr.rel @!p0 .LBB2_13-.Ltmp1, $3  }
0x36: {  	_ =	sdelay $0x1  }
0x37: {  	[sflag:s1] =	ssyncset.done $0x0  }
0x38: {  	[sflag:s1] =	ssyncadd.s32 $0xFFFFE000  }
.LBB2_1:
0x39: {  	[dreg:$0x10] =	wrdreg s2  }
0x3a: {  	s0 =	rddreg [dreg:$0x4];
	s1 =	simm.s32 $0x5  }
0x3b: {  	[tilespmem:s18], [sflag:$0x5] =	stream.linear.gather [hbm4b:s0+s6], $0x60, $0x38;
	[tilespmem:$0x18300] =	vst v63  }
0x3c: {  	_ =	swait.ge [sflag:s1], $0x60  }
0x3d: {  	[sflag:s1] =	ssyncset.done $0x0  }
0x3e: {  	s10 =	rddreg [dreg:$0x6];
	[sflag:s1] =	ssyncadd.s32 $0xFFFFFFA0  }
0x3f: {  	[tilespmem:s20], [sflag:$0x5] =	stream.linear.gather [hbm4b:s10+s6], $0x60, $0x38;
	[tilespmem:$0x18300] =	vst v63  }
0x40: {  	_ =	swait.ge [sflag:s1], $0x60  }
0x41: {  	[sflag:s1] =	ssyncset.done $0x0  }
0x42: {  	s11 =	rddreg [dreg:$0x7];
	[sflag:s1] =	ssyncadd.s32 $0xFFFFFFA0  }
0x43: {  	[tilespmem:s21], [sflag:$0x5] =	stream.linear.gather [hbm4b:s11+s6], $0x60, $0x38;
	[tilespmem:$0x18300] =	vst v63  }
0x44: {  	_ =	swait.ge [sflag:s1], $0x60  }
0x45: {  	[sflag:s1] =	ssyncset.done $0x0  }
0x46: {  	[sflag:s1] =	ssyncadd.s32 $0xFFFFFFA0  }
0x47: {  	v5 =	vld [tilespmem:$0x18080]  }
0x48: {  	v6 =	vld [tilespmem:$0x18090]  }
0x49: {  	v7 =	vld [tilespmem:$0x180A0]  }
0x4a: {  	v8 =	vld [tilespmem:$0x180B0]  }
0x4b: {  	v9 =	vld [tilespmem:$0x180C0]  }
0x4c: {  	v10 =	vld [tilespmem:$0x180D0]  }
0x4d: {  	v11 =	vld [tilespmem:$0x18100]  }
0x4e: {  	v12 =	vld [tilespmem:$0x18110];
	v5 =	vadd.f32 $-5.000000000e-01, v5  }
0x4f: {  	v13 =	vld [tilespmem:$0x18120];
	v6 =	vadd.f32 $-5.000000000e-01, v6  }
0x50: {  	v14 =	vld [tilespmem:$0x18130];
	v7 =	vadd.f32 $-5.000000000e-01, v7;
	v5 =	vmul.f32 $1.414213540e+00, v5  }
0x51: {  	v15 =	vld [tilespmem:$0x18140];
	v8 =	vadd.f32 $-5.000000000e-01, v8;
	v6 =	vmul.f32 $1.414213540e+00, v6  }
0x52: {  	v19 =	vld [tilespmem:$0x18150];
	[tilespmem:$0x18080] =	vst v5;
	v5 =	vmul.f32 $1.414213540e+00, v7;
	v7 =	vadd.f32 $-5.000000000e-01, v9  }
0x53: {  	v21 =	vld [tilespmem:$0x18000];
	v20 =	vadd.f32 $-5.000000000e-01, v10;
	[tilespmem:$0x18090] =	vst v6;
	v6 =	vmul.f32 $1.414213540e+00, v8  }
0x54: {  	v22 =	vld [tilespmem:$0x18001];
	[tilespmem:$0x180A0] =	vst v5;
	v5 =	vmul.f32 $1.414213540e+00, v7;
	v7 =	vadd.f32 $-5.000000000e-01, v11  }
0x55: {  	v24 =	vld [tilespmem:$0x18010];
	v23 =	vadd.f32 $-5.000000000e-01, v12;
	[tilespmem:$0x180B0] =	vst v6;
	v6 =	vmul.f32 $1.414213540e+00, v20  }
0x56: {  	v25 =	vld [tilespmem:$0x18011];
	[tilespmem:$0x180C0] =	vst v5;
	v5 =	vmul.f32 $1.224744920e+00, v7;
	v7 =	vadd.f32 $-5.000000000e-01, v13  }
0x57: {  	v27 =	vld [tilespmem:$0x18020];
	v26 =	vadd.f32 $-5.000000000e-01, v14;
	[tilespmem:$0x180D0] =	vst v6;
	v6 =	vmul.f32 $1.224744920e+00, v23  }
0x58: {  	v28 =	vld [tilespmem:$0x18021];
	[tilespmem:$0x18100] =	vst v5;
	v5 =	vmul.f32 $1.224744920e+00, v7;
	v7 =	vadd.f32 $-5.000000000e-01, v15  }
0x59: {  	v31 =	vld [tilespmem:$0x18030];
	v29 =	vadd.f32 $-5.000000000e-01, v19;
	v30 =	vsub.f32 v22, v21;
	[tilespmem:$0x18110] =	vst v6;
	v6 =	vmul.f32 $1.224744920e+00, v26  }
0x5a: {  	[tilespmem:$0x18120] =	vst v5;
	v5 =	vmul.f32 $1.224744920e+00, v7;
	v7 =	vld [tilespmem:$0x18031]  }
0x5b: {  	v16 =	vld [tilespmem:$0x18040];
	v32 =	vmul.f32 v0, v30;
	v13 =	vsub.f32 v25, v24;
	[tilespmem:$0x18130] =	vst v6;
	v6 =	vmul.f32 $1.224744920e+00, v29  }
0x5c: {  	[tilespmem:$0x18140] =	vst v5;
	v5 =	vld [tilespmem:$0x18041]  }
0x5d: {  	v34 =	vsub.f32 v28, v27;
	v35 =	vld [tilespmem:$0x18080];
	v33 =	vmul.f32 v1, v13;
	[tilespmem:$0x18150] =	vst v6;
	v6 =	vsub.f32 v21, v32  }
0x5e: {  	[tilespmem:$0x18180] =	vst v30;
	v36 =	vld [tilespmem:$0x18081]  }
0x5f: {  	v37 =	vmul.f32 v2, v34;
	v38 =	vld [tilespmem:$0x18090];
	[tilespmem:$0x18000] =	vst v6;
	v6 =	vsub.f32 v24, v33;
	v7 =	vsub.f32 v7, v31  }
0x60: {  	[tilespmem:$0x181A0] =	vst v34;
	v39 =	vld [tilespmem:$0x18091]  }
0x61: {  	v41 =	vld [tilespmem:$0x180A0];
	[tilespmem:$0x18010] =	vst v6;
	v6 =	vsub.f32 v27, v37;
	v40 =	vmul.f32 v3, v7;
	v5 =	vsub.f32 v5, v16  }
0x62: {  	v42 =	vld [tilespmem:$0x180A1];
	[tilespmem:$0x18190] =	vst v13  }
0x63: {  	v44 =	vld [tilespmem:$0x180B0];
	v9 =	vsub.f32 v36, v35;
	[tilespmem:$0x18020] =	vst v6;
	v6 =	vsub.f32 v31, v40;
	v43 =	vmul.f32 v4, v5  }
0x64: {  	[tilespmem:$0x181B0] =	vst v7;
	v7 =	vld [tilespmem:$0x180B1]  }
0x65: {  	v46 =	vld [tilespmem:$0x180C0];
	v45 =	vmul.f32 v0, v9;
	v13 =	vsub.f32 v39, v38;
	[tilespmem:$0x18030] =	vst v6;
	v6 =	vsub.f32 v16, v43  }
0x66: {  	[tilespmem:$0x181C0] =	vst v5;
	v5 =	vld [tilespmem:$0x180C1]  }
0x67: {  	v48 =	vld [tilespmem:$0x18100];
	v10 =	vsub.f32 v42, v41;
	v47 =	vmul.f32 v1, v13;
	[tilespmem:$0x18040] =	vst v6;
	v6 =	vsub.f32 v35, v45  }
0x68: {  	v49 =	vld [tilespmem:$0x18101];
	[tilespmem:$0x18200] =	vst v9  }
0x69: {  	v51 =	vld [tilespmem:$0x18110];
	v50 =	vmul.f32 v2, v10;
	v7 =	vsub.f32 v7, v44;
	[tilespmem:$0x18080] =	vst v6;
	v6 =	vsub.f32 v38, v47  }
0x6a: {  	v52 =	vld [tilespmem:$0x18111];
	[tilespmem:$0x18210] =	vst v13  }
0x6b: {  	v54 =	vld [tilespmem:$0x18120];
	v53 =	vmul.f32 v3, v7;
	v5 =	vsub.f32 v5, v46;
	[tilespmem:$0x18090] =	vst v6;
	v6 =	vsub.f32 v41, v50  }
0x6c: {  	v55 =	vld [tilespmem:$0x18121];
	[tilespmem:$0x18220] =	vst v10  }
0x6d: {  	v57 =	vld [tilespmem:$0x18130];
	v9 =	vsub.f32 v49, v48;
	v56 =	vmul.f32 v4, v5;
	[tilespmem:$0x180A0] =	vst v6;
	v6 =	vsub.f32 v44, v53  }
0x6e: {  	[tilespmem:$0x18230] =	vst v7;
	v7 =	vld [tilespmem:$0x18131]  }
0x6f: {  	v59 =	vld [tilespmem:$0x18140];
	v58 =	vmul.f32 v0, v9;
	v13 =	vsub.f32 v52, v51;
	[tilespmem:$0x180B0] =	vst v6;
	v6 =	vsub.f32 v46, v56  }
0x70: {  	[tilespmem:$0x18240] =	vst v5;
	v5 =	vld [tilespmem:$0x18141]  }
0x71: {  	v10 =	vsub.f32 v55, v54;
	v60 =	vmul.f32 v1, v13;
	[tilespmem:$0x180C0] =	vst v6;
	v6 =	vsub.f32 v48, v58  }
0x72: {  	[tilespmem:$0x18280] =	vst v9  }
0x73: {  	v61 =	vmul.f32 v2, v10;
	v7 =	vsub.f32 v7, v57;
	[tilespmem:$0x18100] =	vst v6;
	v6 =	vsub.f32 v51, v60  }
0x74: {  	[tilespmem:$0x18290] =	vst v13  }
0x75: {  	v62 =	vmul.f32 v3, v7;
	v5 =	vsub.f32 v5, v59;
	[tilespmem:$0x18110] =	vst v6;
	v6 =	vsub.f32 v54, v61  }
0x76: {  	[tilespmem:$0x182A0] =	vst v10  }
0x77: {  	v63 =	vmul.f32 v4, v5;
	[tilespmem:$0x18120] =	vst v6;
	v6 =	vsub.f32 v57, v62  }
0x78: {  	[tilespmem:$0x182B0] =	vst v7  }
0x79: {  	[tilespmem:$0x18130] =	vst v6;
	v6 =	vsub.f32 v59, v63  }
0x7a: {  	[tilespmem:$0x182C0] =	vst v5  }
0x7b: {  	s12 =	rddreg [dreg:$0x5];
	[tilespmem:$0x18140] =	vst v6  }
0x7c: {  	[tilespmem:s6], [sflag:$0x1] =	stream.linear.gather [hbm4b:s12+s6], $0x2000, $0x38;
	[tilespmem:$0x18300] =	vst v63  }
0x7d: {  	s14 =	simm.s32 $0x2000;
	s13 =	rddreg [dreg:$0x8]  }
0x7e: {  	[tilespmem:s14], [sflag:$0x1] =	stream.linear.gather [hbm4b:s13+s6], $0x2000, $0x38;
	[tilespmem:$0x18300] =	vst v63  }
0x7f: {  	s16 =	simm.s32 $0x4000;
	s15 =	rddreg [dreg:$0x9]  }
0x80: {  	[tilespmem:s16], [sflag:$0x1] =	stream.linear.gather [hbm4b:s15+s6], $0x2000, $0x38;
	[tilespmem:$0x18300] =	vst v63  }
0x81: {  	s19 =	simm.s32 $0x6000;
	s17 =	rddreg [dreg:$0xa]  }
0x82: {  	[tilespmem:s19], [sflag:$0x2] =	stream.linear.gather [hbm4b:s17+s6], $0x2000, $0x38;
	[tilespmem:$0x18300] =	vst v63  }
0x83: {  	s24 =	simm.s32 $0x8000;
	s22 =	rddreg [dreg:$0xb]  }
0x84: {  	[tilespmem:s24], [sflag:$0x2] =	stream.linear.gather [hbm4b:s22+s6], $0x2000, $0x38;
	[tilespmem:$0x18300] =	vst v63  }
0x85: {  	s26 =	simm.s32 $0xA000;
	s25 =	rddreg [dreg:$0xc];
	s13 =	simm.s32 $0x0  }
0x86: {  	[tilespmem:s26], [sflag:$0x2] =	stream.linear.gather [hbm4b:s25+s6], $0x2000, $0x38;
	[tilespmem:$0x18300] =	vst v63  }
.LBB2_2:
0x87: {  	_ =	swait.ge [sflag:s28], $0x2000  }
0x88: {  	[sflag:s28] =	ssyncset.done $0x0  }
0x89: {  	[sflag:s28] =	ssyncadd.s32 $0xFFFFE000  }
0x8a: {  	_ =	swait.ge [sflag:s28], $0x2000  }
0x8b: {  	[sflag:s28] =	ssyncset.done $0x0  }
0x8c: {  	[sflag:s28] =	ssyncadd.s32 $0xFFFFE000  }
0x8d: {  	_ =	swait.ge [sflag:s28], $0x2000  }
0x8e: {  	p0 =	seq.s32 s13, $0x0;
	[sflag:s28] =	ssyncset.done $0x0  }
0x8f: {  	s0 =	simm.s32 @!p0 $0x3;
	[sflag:s28] =	ssyncadd.s32 $0xFFFFE000  }
0x90: {  	_ =	swait.ge @!p0 [sflag:s0], $0x2000  }
0x91: {  	[sflag:s0] =	ssyncset.done @!p0 $0x0  }
0x92: {  	[sflag:s0] =	ssyncadd.s32 @!p0 $0xFFFFE000  }
0x93: {  	_ =	swait.ge @!p0 [sflag:s0], $0x2000  }
0x94: {  	[sflag:s0] =	ssyncset.done @!p0 $0x0  }
0x95: {  	[sflag:s0] =	ssyncadd.s32 @!p0 $0xFFFFE000  }
0x96: {  	_ =	swait.ge @!p0 [sflag:s0], $0x2000  }
0x97: {  	[sflag:s0] =	ssyncset.done @!p0 $0x0  }
0x98: {  	s25 =	simm.s32 $0x2030;
	[sflag:s0] =	ssyncadd.s32 @!p0 $0xFFFFE000  }
0x99: {  	s7 =	simm.s32 $0x4030;
	v5 =	vld [tilespmem:s25+$0x20]  }
0x9a: {  	v6 =	vld [tilespmem:s7+$0x20]  }
0x9b: {  	s19 =	simm.s32 $0x30;
	v7 =	vld [tilespmem:s25+$0xFFFFFFD0]  }
0x9c: {  	v8 =	vld [tilespmem:s19+$0x20]  }
0x9d: {  	v9 =	vld [tilespmem:s7+$0xFFFFFFD0]  }
0x9e: {  	v10 =	vld [tilespmem:s25+$0xFFFFFFE0]  }
0x9f: {  	v11 =	vld [tilespmem:s7+$0xFFFFFFE0]  }
0xa0: {  	v13 =	vld [tilespmem:s25+$0xFFFFFFF0]  }
0xa1: {  	v14 =	vld [tilespmem:s7+$0xFFFFFFF0]  }
0xa2: {  	v17 =	vld [tilespmem:s25+$0x0]  }
0xa3: {  	v20 =	vld [tilespmem:s7+$0x0]  }
0xa4: {  	v21 =	vld [tilespmem:s25+$0x10]  }
0xa5: {  	v22 =	vld [tilespmem:s7+$0x10]  }
0xa6: {  	v24 =	vld [tilespmem:s19+$0xFFFFFFE0]  }
0xa7: {  	v26 =	vld [tilespmem:s19+$0xFFFFFFF0]  }
0xa8: {  	v29 =	vld [tilespmem:s19+$0x0]  }
0xa9: {  	v31 =	vld [tilespmem:s19+$0x10];
	v12 =	vadd.f32 v6, v5  }
0xaa: {  	v48 =	vld [tilespmem:s19+$0xFFFFFFD0];
	v16 =	vadd.f32 v9, v7;
	v18 =	vsub.f32 v5, v6  }
0xab: {  	v15 =	vmul.f32 $3.346972270e+01, v8;
	v19 =	vsub.f32 v7, v9;
	v23 =	vsub.f32 v10, v11  }
0xac: {  	v25 =	vadd.f32 v14, v13;
	v27 =	vsub.f32 v13, v14;
	v5 =	vmax.f32 v8, v5  }
0xad: {  	v30 =	vadd.f32 v20, v17;
	v32 =	vadd.f32 v22, v21;
	v33 =	vmul.f32 $3.346972270e+01, v24  }
0xae: {  	v34 =	vsub.f32 v17, v20;
	v49 =	vmul.f32 $3.346972270e+01, v26;
	v37 =	vmul.f32 $3.346972270e+01, v29  }
0xaf: {  	v35 =	vsub.f32 v21, v22;
	v38 =	vmul.f32 $3.346972270e+01, v31;
	v40 =	vmul.f32 $3.346972270e+01, v48  }
0xb0: {  	v7 =	vmax.f32 v48, v7;
	v13 =	vmax.f32 v26, v13;
	v12 =	vmul.f32 $1.673486140e+01, v12  }
0xb1: {  	v17 =	vmax.f32 v29, v17;
	v21 =	vmax.f32 v31, v21;
	v5 =	vmax.f32 v5, v6  }
0xb2: {  	v18 =	vmul.f32 $2.898562810e+01, v18;
	v16 =	vmul.f32 $1.673486140e+01, v16;
	v12 =	vsub.f32 v15, v12  }
0xb3: {  	v19 =	vmul.f32 $2.898562810e+01, v19;
	v5 =	vmul.f32 $7.100000000e+01, v5;
	v15 =	vadd.f32 v11, v10  }
0xb4: {  	v25 =	vmul.f32 $1.673486140e+01, v25;
	v30 =	vmul.f32 $1.673486140e+01, v30;
	v12 =	vadd.f32 $3.550000000e+01, v12  }
0xb5: {  	v18 =	vadd.f32 $3.550000000e+01, v18;
	v36 =	vtrunc.f32 v5;
	v15 =	vmul.f32 $1.673486140e+01, v15  }
0xb6: {  	v16 =	vsub.f32 v40, v16;
	v36 =	vcvt.f32.s32 v36;
	v28 =	vtrunc.f32 v12  }
0xb7: {  	v47 =	vtrunc.f32 v18;
	v15 =	vsub.f32 v33, v15;
	v8 =	vcvt.f32.s32 v28  }
0xb8: {  	v32 =	vmul.f32 $1.673486140e+01, v32;
	v16 =	vadd.f32 $3.550000000e+01, v16;
	v6 =	vcvt.f32.s32 v47  }
0xb9: {  	v23 =	vmul.f32 $2.898562810e+01, v23;
	v27 =	vmul.f32 $2.898562810e+01, v27;
	v15 =	vadd.f32 $3.550000000e+01, v15  }
0xba: {  	v7 =	vmax.f32 v7, v9;
	v35 =	vmul.f32 $2.898562810e+01, v35;
	v41 =	vtrunc.f32 v16  }
0xbb: {  	v30 =	vsub.f32 v37, v30;
	v55 =	vcvt.f32.s32 v41;
	v51 =	vtrunc.f32 v15  }
0xbc: {  	v19 =	vadd.f32 $3.550000000e+01, v19;
	v25 =	vsub.f32 v49, v25;
	v53 =	vld.idx.msk [tilespmem:v36+s29+$0x0], $0xffff;
	v56 =	vcvt.f32.s32 v51  }
0xbd: {  	v34 =	vmul.f32 $2.898562810e+01, v34;
	v32 =	vsub.f32 v38, v32;
	v30 =	vadd.f32 $3.550000000e+01, v30;
	v39 =	vld.idx.msk [tilespmem:v8+s30+$0x0], $0xffff  }
0xbe: {  	v7 =	vmul.f32 $7.100000000e+01, v7;
	v27 =	vadd.f32 $3.550000000e+01, v27;
	v35 =	vadd.f32 $3.550000000e+01, v35;
	v50 =	vld.idx.msk [tilespmem:v6+s31+$0x0], $0xffff  }
0xbf: {  	v32 =	vadd.f32 $3.550000000e+01, v32;
	v60 =	vtrunc.f32 v19;
	v54 =	vtrunc.f32 v30;
	v8 =	vld.idx.msk [tilespmem:v8+s20+$0x0], $0xffff  }
0xc0: {  	v23 =	vadd.f32 $3.550000000e+01, v23;
	v63 =	vtrunc.f32 v27;
	v57 =	vcvt.f32.s32 v54;
	v6 =	vld.idx.msk [tilespmem:v6+s21+$0x0], $0xffff  }
0xc1: {  	v25 =	vadd.f32 $3.550000000e+01, v25;
	v44 =	vtrunc.f32 v35;
	v42 =	vtrunc.f32 v32;
	v62 =	vld.idx.msk [tilespmem:v55+s30+$0x0], $0xffff  }
0xc2: {  	v33 =	vadd.f32 $3.550000000e+01, v34;
	v59 =	vcvt.f32.s32 v42;
	v43 =	vld.idx.msk [tilespmem:v56+s30+$0x0], $0xffff;
	v12 =	vmul.f32 v39, v12  }
0xc3: {  	v10 =	vmax.f32 v24, v10;
	v52 =	vtrunc.f32 v25;
	v5 =	vmul.f32 v53, v5;
	v53 =	vld.idx.msk [tilespmem:v55+s20+$0x0], $0xffff  }
0xc4: {  	v54 =	vcvt.f32.s32 v63;
	v48 =	vtrunc.f32 v33;
	v9 =	vld.idx.msk [tilespmem:v56+s20+$0x0], $0xffff;
	v8 =	vadd.f32 v12, v8  }
0xc5: {  	v10 =	vmax.f32 v10, v11;
	v51 =	vcvt.f32.s32 v60;
	v12 =	vmul.f32 v50, v18;
	v18 =	vld.idx.msk [tilespmem:v36+s18+$0x0], $0xffff  }
0xc6: {  	v55 =	vcvt.f32.s32 v48;
	v16 =	vmul.f32 v62, v16;
	v50 =	vld.idx.msk [tilespmem:v57+s30+$0x0], $0xffff;
	v8 =	vmax.f32 v8, $-7.071067690e-01  }
0xc7: {  	v6 =	vadd.f32 v12, v6;
	v12 =	vcvt.f32.s32 v52;
	v15 =	vmul.f32 v43, v15  }
0xc8: {  	v56 =	vcvt.f32.s32 v44;
	v16 =	vadd.f32 v16, v53;
	v52 =	vld.idx.msk [tilespmem:v59+s30+$0x0], $0xffff;
	v8 =	vmin.f32 v8, $7.071067690e-01  }
0xc9: {  	v6 =	vmax.f32 v6, $-6.123724570e-01;
	v58 =	vmul.f32 $-5.000000000e-01, v8;
	v9 =	vadd.f32 v15, v9  }
0xca: {  	v6 =	vmin.f32 v6, $6.123724570e-01;
	v5 =	vadd.f32 v5, v18;
	v18 =	vtrunc.f32 v23  }
0xcb: {  	v30 =	vmul.f32 v50, v30;
	v61 =	vadd.f32 v6, v58;
	v6 =	vsub.f32 v58, v6  }
0xcc: {  	v18 =	vcvt.f32.s32 v18;
	v9 =	vmax.f32 v9, $-7.071067690e-01;
	v5 =	vmax.f32 v5, $0.0e+00  }
0xcd: {  	v15 =	vmul.f32 v52, v32;
	v45 =	vmax.f32 v61, v6;
	v49 =	vld.idx.msk [tilespmem:v12+s30+$0x0], $0xffff;
	v5 =	vmin.f32 v5, $1.000000000e+00  }
0xce: {  	v11 =	vld.idx.msk [tilespmem:v12+s20+$0x0], $0xffff;
	v12 =	vmax.f32 v13, v14;
	v13 =	vmax.f32 v17, v20;
	v20 =	vmul.f32 $7.100000000e+01, v10  }
0xcf: {  	v14 =	vld.idx.msk [tilespmem:v57+s20+$0x0], $0xffff;
	v17 =	vmax.f32 v21, v22;
	v57 =	vtrunc.f32 v7;
	v12 =	vmul.f32 $7.100000000e+01, v12  }
0xd0: {  	v10 =	vld.idx.msk [tilespmem:v59+s20+$0x0], $0xffff;
	v45 =	vmax.f32 v8, v45;
	v13 =	vmul.f32 $7.100000000e+01, v13;
	v17 =	vmul.f32 $7.100000000e+01, v17  }
0xd1: {  	v22 =	vld.idx.msk [tilespmem:v51+s31+$0x0], $0xffff;
	v37 =	vcvt.f32.s32 v57;
	v5 =	vsub.f32 v5, v45;
	v58 =	vtrunc.f32 v20  }
0xd2: {  	v63 =	vld.idx.msk [tilespmem:v56+s31+$0x0], $0xffff;
	v47 =	vmin.f32 v9, $7.071067690e-01;
	v60 =	vtrunc.f32 v12;
	v62 =	vtrunc.f32 v17  }
0xd3: {  	v29 =	vld.idx.msk [tilespmem:v51+s21+$0x0], $0xffff;
	v39 =	vcvt.f32.s32 v58;
	v21 =	vadd.f32 v5, v61;
	v61 =	vtrunc.f32 v13  }
0xd4: {  	v41 =	vld.idx.msk [tilespmem:v56+s21+$0x0], $0xffff;
	v8 =	vadd.f32 v5, v8;
	v42 =	vcvt.f32.s32 v60;
	v45 =	vcvt.f32.s32 v62  }
0xd5: {  	v59 =	vld.idx.msk [tilespmem:v18+s31+$0x0], $0xffff;
	v5 =	vadd.f32 v5, v6;
	v44 =	vcvt.f32.s32 v61;
	v24 =	vmul.f32 v49, v25  }
0xd6: {  	v6 =	vld.idx.msk [tilespmem:v54+s31+$0x0], $0xffff;
	v19 =	vmul.f32 v22, v19;
	v14 =	vadd.f32 v30, v14;
	v10 =	vadd.f32 v15, v10  }
0xd7: {  	v34 =	vld.idx.msk [tilespmem:v54+s21+$0x0], $0xffff;
	v15 =	vmax.f32 v16, $-7.071067690e-01;
	v16 =	vmul.f32 v63, v35;
	v8 =	vmax.f32 v8, $0.0e+00  }
0xd8: {  	v18 =	vld.idx.msk [tilespmem:v18+s21+$0x0], $0xffff;
	v21 =	vmax.f32 v21, $0.0e+00;
	v46 =	vmin.f32 v15, $7.071067690e-01;
	v5 =	vmax.f32 v5, $0.0e+00  }
0xd9: {  	v28 =	vmin.f32 v8, $1.000000000e+00;
	v21 =	vmin.f32 v21, $1.000000000e+00;
	v11 =	vadd.f32 v24, v11  }
0xda: {  	v8 =	vld.idx.msk [tilespmem:v55+s31+$0x0], $0xffff;
	v14 =	vmax.f32 v14, $-7.071067690e-01;
	v19 =	vadd.f32 v19, v29;
	v16 =	vadd.f32 v16, v41  }
0xdb: {  	v43 =	vld.idx.msk [tilespmem:v37+s29+$0x0], $0xffff;
	v23 =	vmul.f32 v59, v23;
	v6 =	vmul.f32 v6, v27;
	v11 =	vmax.f32 v11, $-7.071067690e-01  }
0xdc: {  	v22 =	vld.idx.msk [tilespmem:v55+s21+$0x0], $0xffff;
	v48 =	vmul.f32 $-5.000000000e-01, v46;
	v16 =	vmax.f32 v16, $-6.123724570e-01;
	v11 =	vmin.f32 v11, $7.071067690e-01  }
0xdd: {  	v53 =	vld.idx.msk [tilespmem:v37+s18+$0x0], $0xffff;
	v18 =	vadd.f32 v23, v18;
	v23 =	vmax.f32 v10, $-7.071067690e-01;
	v6 =	vadd.f32 v6, v34  }
0xde: {  	v15 =	vld.idx.msk [tilespmem:v39+s29+$0x0], $0xffff;
	v10 =	vmin.f32 v14, $7.071067690e-01;
	v14 =	vmax.f32 v19, $-6.123724570e-01;
	v19 =	vmul.f32 $-5.000000000e-01, v47  }
0xdf: {  	v50 =	vld.idx.msk [tilespmem:v45+s29+$0x0], $0xffff;
	v8 =	vmul.f32 v8, v33;
	v9 =	vmin.f32 v23, $7.071067690e-01;
	v23 =	vmul.f32 $-5.000000000e-01, v11  }
0xe0: {  	v51 =	vmul.f32 $-5.000000000e-01, v10;
	v7 =	vmul.f32 v43, v7;
	v14 =	vmin.f32 v14, $6.123724570e-01  }
0xe1: {  	v49 =	vld.idx.msk [tilespmem:v44+s29+$0x0], $0xffff;
	v18 =	vmax.f32 v18, $-6.123724570e-01;
	v52 =	vmul.f32 $-5.000000000e-01, v9;
	v55 =	vadd.f32 v14, v48  }
0xe2: {  	v6 =	vmax.f32 v6, $-6.123724570e-01;
	v24 =	vsub.f32 v48, v14;
	v8 =	vadd.f32 v8, v22  }
0xe3: {  	v20 =	vmul.f32 v15, v20;
	v15 =	vmin.f32 v18, $6.123724570e-01;
	v6 =	vmin.f32 v6, $6.123724570e-01  }
0xe4: {  	v7 =	vadd.f32 v7, v53;
	v30 =	vmul.f32 v50, v17;
	v57 =	vadd.f32 v15, v19  }
0xe5: {  	v56 =	vld.idx.msk [tilespmem:v44+s18+$0x0], $0xffff;
	v15 =	vsub.f32 v19, v15;
	v19 =	vmin.f32 v16, $6.123724570e-01;
	v17 =	vadd.f32 v6, v23  }
0xe6: {  	v22 =	vld.idx.msk [tilespmem:v42+s29+$0x0], $0xffff;
	v8 =	vmax.f32 v8, $-6.123724570e-01;
	v29 =	vmul.f32 v49, v13;
	v13 =	vsub.f32 v23, v6  }
0xe7: {  	v18 =	vld.idx.msk [tilespmem:v39+s18+$0x0], $0xffff;
	v23 =	vmax.f32 v55, v24;
	v7 =	vmax.f32 v7, $0.0e+00;
	v8 =	vmin.f32 v8, $6.123724570e-01  }
0xe8: {  	v54 =	vld.idx.msk [tilespmem:v42+s18+$0x0], $0xffff;
	v58 =	vmax.f32 v57, v15;
	v23 =	vmax.f32 v46, v23;
	v16 =	vadd.f32 v8, v51  }
0xe9: {  	v6 =	vld.idx.msk [tilespmem:v45+s18+$0x0], $0xffff;
	v7 =	vmin.f32 v7, $1.000000000e+00;
	v14 =	vsub.f32 v51, v8;
	v8 =	vsub.f32 v52, v19  }
0xea: {  	v59 =	vadd.f32 v29, v56;
	v61 =	vmax.f32 v47, v58;
	v63 =	vsub.f32 v7, v23  }
0xeb: {  	v22 =	vmul.f32 v22, v12;
	v12 =	vadd.f32 v19, v52;
	v19 =	vmax.f32 v17, v13  }
0xec: {  	v18 =	vadd.f32 v20, v18;
	v20 =	vmax.f32 v16, v14;
	v25 =	vmax.f32 v59, $0.0e+00  }
0xed: {  	v19 =	vmax.f32 v11, v19;
	v23 =	vadd.f32 v63, v55;
	v22 =	vadd.f32 v22, v54  }
0xee: {  	s14 =	sshll.u32 s13, $0xE;
	s16 =	simm.s32 $0xC030;
	v60 =	vmax.f32 v12, v8;
	v18 =	vmax.f32 v18, $0.0e+00;
	v6 =	vadd.f32 v30, v6  }
0xef: {  	s1 =	simm.s32 $0xE030;
	s4 =	simm.s32 $0x10030;
	s15 =	simm.s32 $0x0;
	v62 =	vmax.f32 v10, v20;
	v25 =	vmin.f32 v25, $1.000000000e+00;
	v29 =	vmax.f32 v9, v60  }
0xf0: {  	s12 =	simm.s32 $0x3FE0;
	s24 =	simm.s32 $0x1FE0;
	s2 =	simm.s32 $0x1FD0;
	v18 =	vmin.f32 v18, $1.000000000e+00;
	v22 =	vmax.f32 v22, $0.0e+00;
	v6 =	vmax.f32 v6, $0.0e+00  }
0xf1: {  	s22 =	simm.s32 $0xFFE0;
	s3 =	simm.s32 $0x2090;
	s6 =	simm.s32 $0x10030;
	v20 =	vsub.f32 v18, v61;
	v18 =	vsub.f32 v25, v62;
	v22 =	vmin.f32 v22, $1.000000000e+00  }
0xf2: {  	s9 =	simm.s32 $0xC030;
	s8 =	simm.s32 $0xE030;
	s26 =	rddreg [dreg:$0x3];
	[tilespmem:s16+$0x20] =	vst v28;
	v6 =	vmin.f32 v6, $1.000000000e+00;
	v19 =	vsub.f32 v22, v19;
	v22 =	vadd.f32 v63, v46  }
0xf3: {  	s17 =	sor.u32 s26, s14;
	s26 =	simm.s32 $0x5FE0;
	s0 =	simm.s32 $0x11FE0;
	v5 =	vmin.f32 v5, $1.000000000e+00;
	[tilespmem:s1+$0x20] =	vst v21;
	v7 =	vsub.f32 v6, v29;
	v6 =	vadd.f32 v63, v24  }
0xf4: {  	s11 =	sadd.s32 $0x40000, s17;
	s10 =	sadd.s32 $0x80000, s17;
	s25 =	simm.s32 $0xDFE0;
	[tilespmem:s4+$0x20] =	vst v5;
	v21 =	vadd.f32 v20, v47;
	v5 =	vadd.f32 v20, v57;
	v22 =	vmax.f32 v22, $0.0e+00  }
.LBB2_3:
0xf5: {  	v24 =	vld [tilespmem:s3+$0x20];
	v25 =	vmax.f32 v23, $0.0e+00;
	v20 =	vadd.f32 v20, v15;
	v11 =	vadd.f32 v19, v11;
	s7 =	sadd.s32 $0x60, s7  }
0xf6: {  	v15 =	vmax.f32 v6, $0.0e+00;
	v6 =	vadd.f32 v19, v17;
	v27 =	vadd.f32 v19, v13;
	v26 =	vld [tilespmem:s7+$0x20]  }
0xf7: {  	v10 =	vadd.f32 v18, v10;
	s19 =	sadd.s32 $0x60, s19;
	v13 =	vmax.f32 v21, $0.0e+00;
	v21 =	vadd.f32 v18, v16;
	v23 =	vld [tilespmem:s3+$0xFFFFFFD0]  }
0xf8: {  	s15 =	sadd.s32 $0x60, s15;
	v16 =	vmax.f32 v5, $0.0e+00;
	v5 =	vadd.f32 v18, v14;
	v18 =	vadd.f32 v7, v9;
	v28 =	vld [tilespmem:s19+$0x20]  }
0xf9: {  	v29 =	vadd.f32 v7, v12;
	v30 =	vadd.f32 v7, v8;
	p1 =	slt.u32 s15, $0x1F80;
	v17 =	vmax.f32 v20, $0.0e+00;
	v19 =	vld [tilespmem:s7+$0xFFFFFFD0]  }
0xfa: {  	v14 =	vmax.f32 v11, $0.0e+00;
	v12 =	vmax.f32 v6, $0.0e+00;
	v11 =	vmax.f32 v27, $0.0e+00;
	v32 =	vld [tilespmem:s3+$0xFFFFFFE0]  }
0xfb: {  	v10 =	vmax.f32 v10, $0.0e+00;
	v9 =	vmax.f32 v21, $0.0e+00;
	v20 =	vld [tilespmem:s7+$0xFFFFFFE0];
	v27 =	vadd.f32 v26, v24  }
0xfc: {  	v6 =	vmax.f32 v29, $0.0e+00;
	v8 =	vmax.f32 v5, $0.0e+00;
	v7 =	vmax.f32 v18, $0.0e+00;
	v34 =	vld [tilespmem:s3+$0xFFFFFFF0]  }
0xfd: {  	v5 =	vmax.f32 v30, $0.0e+00;
	v21 =	vld [tilespmem:s7+$0xFFFFFFF0];
	v18 =	vmul.f32 $3.346972270e+01, v28;
	v27 =	vmul.f32 $1.673486140e+01, v27  }
0xfe: {  	v31 =	vmin.f32 v22, $1.000000000e+00;
	v30 =	vsub.f32 v24, v26;
	v29 =	vadd.f32 v19, v23;
	v36 =	vld [tilespmem:s3+$0x0]  }
0xff: {  	v25 =	vmin.f32 v25, $1.000000000e+00;
	v33 =	vsub.f32 v23, v19;
	v22 =	vld [tilespmem:s7+$0x0];
	v18 =	vsub.f32 v18, v27;
	[tilespmem:s16+$0xFFFFFFD0] =	vst v31  }
0x100: {  	v30 =	vmul.f32 $2.898562810e+01, v30;
	v29 =	vmul.f32 $1.673486140e+01, v29;
	v31 =	vadd.f32 v20, v32;
	v37 =	vld [tilespmem:s3+$0x10];
	[tilespmem:s1+$0xFFFFFFD0] =	vst v25  }
0x101: {  	v25 =	vmul.f32 $2.898562810e+01, v33;
	v33 =	vsub.f32 v32, v20;
	v27 =	vld [tilespmem:s7+$0x10];
	v38 =	vadd.f32 $3.550000000e+01, v18  }
0x102: {  	v40 =	vadd.f32 $3.550000000e+01, v30;
	v39 =	vld [tilespmem:s19+$0xFFFFFFE0];
	v18 =	vmul.f32 $1.673486140e+01, v31;
	v31 =	vadd.f32 v21, v34  }
0x103: {  	v30 =	vmul.f32 $2.898562810e+01, v33;
	v33 =	vsub.f32 v34, v21;
	v41 =	vld [tilespmem:s19+$0xFFFFFFF0];
	v35 =	vtrunc.f32 v38  }
0x104: {  	v24 =	vmax.f32 v28, v24;
	v42 =	vld [tilespmem:s19+$0x0];
	v28 =	vcvt.f32.s32 v35;
	v35 =	vtrunc.f32 v40  }
0x105: {  	v24 =	vmax.f32 v24, v26;
	v43 =	vadd.f32 v22, v36;
	v44 =	vld [tilespmem:s19+$0x10];
	v35 =	vcvt.f32.s32 v35  }
0x106: {  	v46 =	vmul.f32 $7.100000000e+01, v24;
	v26 =	vmul.f32 $1.673486140e+01, v31;
	v45 =	vld [tilespmem:s19+$0xFFFFFFD0];
	v31 =	vadd.f32 v27, v37  }
0x107: {  	v47 =	vsub.f32 v36, v22;
	v43 =	vmul.f32 $1.673486140e+01, v43;
	v24 =	vmul.f32 $3.346972270e+01, v39  }
0x108: {  	v49 =	vtrunc.f32 v46;
	v48 =	vsub.f32 v37, v27;
	v31 =	vmul.f32 $1.673486140e+01, v31  }
0x109: {  	v49 =	vcvt.f32.s32 v49;
	v50 =	vmul.f32 $3.346972270e+01, v41;
	v24 =	vsub.f32 v24, v18  }
0x10a: {  	v18 =	vadd.f32 $3.550000000e+01, v25;
	v25 =	vmul.f32 $3.346972270e+01, v42;
	v51 =	vmul.f32 $3.346972270e+01, v44;
	v52 =	vld.idx.msk [tilespmem:v28+s30+$0x0], $0xffff  }
0x10b: {  	v26 =	vsub.f32 v50, v26;
	v53 =	vmul.f32 $3.346972270e+01, v45;
	v24 =	vadd.f32 $3.550000000e+01, v24;
	v50 =	vld.idx.msk [tilespmem:v35+s31+$0x0], $0xffff  }
0x10c: {  	v33 =	vmul.f32 $2.898562810e+01, v33;
	v25 =	vsub.f32 v25, v43;
	v43 =	vsub.f32 v51, v31;
	v51 =	vld.idx.msk [tilespmem:v28+s20+$0x0], $0xffff  }
0x10d: {  	v47 =	vmul.f32 $2.898562810e+01, v47;
	v28 =	vsub.f32 v53, v29;
	v29 =	vadd.f32 $3.550000000e+01, v26  }
0x10e: {  	v31 =	vadd.f32 $3.550000000e+01, v25;
	v26 =	vadd.f32 $3.550000000e+01, v43;
	v43 =	vmul.f32 $2.898562810e+01, v48;
	v48 =	vld.idx.msk [tilespmem:v35+s21+$0x0], $0xffff  }
0x10f: {  	v53 =	vtrunc.f32 v24;
	v35 =	vadd.f32 $3.550000000e+01, v28;
	v54 =	vtrunc.f32 v29;
	v55 =	vld.idx.msk [tilespmem:v49+s29+$0x0], $0xffff  }
0x110: {  	v25 =	vadd.f32 $3.550000000e+01, v30;
	v56 =	vtrunc.f32 v31;
	v38 =	vmul.f32 v52, v38  }
0x111: {  	v30 =	vadd.f32 $3.550000000e+01, v33;
	v57 =	vtrunc.f32 v26;
	v52 =	vtrunc.f32 v35;
	v49 =	vld.idx.msk [tilespmem:v49+s18+$0x0], $0xffff  }
0x112: {  	v28 =	vadd.f32 $3.550000000e+01, v47;
	v40 =	vmul.f32 v50, v40;
	v38 =	vadd.f32 v38, v51  }
0x113: {  	v50 =	vcvt.f32.s32 v53;
	v33 =	vadd.f32 $3.550000000e+01, v43;
	v47 =	vcvt.f32.s32 v52  }
0x114: {  	v43 =	vcvt.f32.s32 v54;
	v38 =	vmax.f32 v38, $-7.071067690e-01;
	v40 =	vadd.f32 v40, v48  }
0x115: {  	v48 =	vcvt.f32.s32 v56;
	v46 =	vmul.f32 v55, v46;
	v38 =	vmin.f32 v38, $7.071067690e-01  }
0x116: {  	v51 =	vcvt.f32.s32 v57;
	v40 =	vmax.f32 v40, $-6.123724570e-01;
	v52 =	vmul.f32 $-5.000000000e-01, v38  }
0x117: {  	v53 =	vtrunc.f32 v18;
	v46 =	vadd.f32 v46, v49;
	v40 =	vmin.f32 v40, $6.123724570e-01  }
0x118: {  	v49 =	vtrunc.f32 v25;
	v54 =	vadd.f32 v40, v52;
	v40 =	vsub.f32 v52, v40  }
0x119: {  	v23 =	vmax.f32 v45, v23;
	v55 =	vtrunc.f32 v28;
	v52 =	vtrunc.f32 v30;
	v45 =	vld.idx.msk [tilespmem:v47+s30+$0x0], $0xffff  }
0x11a: {  	v57 =	vtrunc.f32 v33;
	v46 =	vmax.f32 v46, $0.0e+00;
	v58 =	vmax.f32 v54, v40;
	v56 =	vld.idx.msk [tilespmem:v50+s30+$0x0], $0xffff  }
0x11b: {  	v32 =	vmax.f32 v39, v32;
	v46 =	vmin.f32 v46, $1.000000000e+00;
	v58 =	vmax.f32 v38, v58;
	v39 =	vld.idx.msk [tilespmem:v43+s30+$0x0], $0xffff  }
0x11c: {  	v34 =	vmax.f32 v41, v34;
	v36 =	vmax.f32 v42, v36;
	v42 =	vsub.f32 v46, v58;
	v41 =	vld.idx.msk [tilespmem:v48+s30+$0x0], $0xffff  }
0x11d: {  	v37 =	vmax.f32 v44, v37;
	v49 =	vcvt.f32.s32 v49;
	v46 =	vcvt.f32.s32 v53;
	v44 =	vld.idx.msk [tilespmem:v51+s30+$0x0], $0xffff  }
0x11e: {  	v52 =	vcvt.f32.s32 v52;
	v53 =	vcvt.f32.s32 v55;
	v38 =	vadd.f32 v42, v38;
	v47 =	vld.idx.msk [tilespmem:v47+s20+$0x0], $0xffff  }
0x11f: {  	v19 =	vmax.f32 v23, v19;
	v54 =	vadd.f32 v42, v54;
	v23 =	vld.idx.msk [tilespmem:v50+s20+$0x0], $0xffff;
	v50 =	vcvt.f32.s32 v57  }
0x120: {  	v20 =	vmax.f32 v32, v20;
	v40 =	vadd.f32 v42, v40;
	v38 =	vmax.f32 v38, $0.0e+00;
	v32 =	vld.idx.msk [tilespmem:v43+s20+$0x0], $0xffff  }
0x121: {  	s16 =	sadd.s32 $0x60, s16;
	v21 =	vmax.f32 v34, v21;
	v42 =	vmax.f32 v54, $0.0e+00;
	v38 =	vmin.f32 v38, $1.000000000e+00;
	v34 =	vld.idx.msk [tilespmem:v48+s20+$0x0], $0xffff  }
0x122: {  	s1 =	sadd.s32 $0x60, s1;
	v22 =	vmax.f32 v36, v22;
	v40 =	vmax.f32 v40, $0.0e+00;
	v36 =	vld.idx.msk [tilespmem:v51+s20+$0x0], $0xffff;
	[tilespmem:s16+$0x20] =	vst v38;
	v38 =	vmin.f32 v42, $1.000000000e+00  }
0x123: {  	s4 =	sadd.s32 $0x60, s4;
	v27 =	vmax.f32 v37, v27;
	v19 =	vmul.f32 $7.100000000e+01, v19;
	v37 =	vmin.f32 v40, $1.000000000e+00;
	v42 =	vld.idx.msk [tilespmem:v46+s31+$0x0], $0xffff;
	[tilespmem:s1+$0x20] =	vst v38  }
0x124: {  	v15 =	vmin.f32 v15, $1.000000000e+00;
	v20 =	vmul.f32 $7.100000000e+01, v20;
	v21 =	vmul.f32 $7.100000000e+01, v21;
	v38 =	vld.idx.msk [tilespmem:v49+s31+$0x0], $0xffff;
	[tilespmem:s4+$0x20] =	vst v37  }
0x125: {  	v13 =	vmin.f32 v13, $1.000000000e+00;
	v22 =	vmul.f32 $7.100000000e+01, v22;
	v27 =	vmul.f32 $7.100000000e+01, v27;
	v37 =	vld.idx.msk [tilespmem:v52+s31+$0x0], $0xffff;
	[tilespmem:s6+$0xFFFFFFD0] =	vst v15  }
0x126: {  	v40 =	vtrunc.f32 v20;
	v15 =	vtrunc.f32 v19;
	v43 =	vld.idx.msk [tilespmem:v53+s31+$0x0], $0xffff;
	[tilespmem:s9+$0xFFFFFFE0] =	vst v13;
	v13 =	vmin.f32 v16, $1.000000000e+00  }
0x127: {  	v48 =	vtrunc.f32 v22;
	v16 =	vtrunc.f32 v21;
	v51 =	vld.idx.msk [tilespmem:v50+s31+$0x0], $0xffff;
	[tilespmem:s8+$0xFFFFFFE0] =	vst v13;
	v13 =	vmin.f32 v17, $1.000000000e+00  }
0x128: {  	v15 =	vcvt.f32.s32 v15;
	v17 =	vld.idx.msk [tilespmem:v46+s21+$0x0], $0xffff;
	v46 =	vtrunc.f32 v27;
	[tilespmem:s6+$0xFFFFFFE0] =	vst v13;
	v13 =	vmin.f32 v14, $1.000000000e+00  }
0x129: {  	v12 =	vmin.f32 v12, $1.000000000e+00;
	v16 =	vcvt.f32.s32 v16;
	v14 =	vcvt.f32.s32 v40;
	v40 =	vld.idx.msk [tilespmem:v49+s21+$0x0], $0xffff;
	[tilespmem:s9+$0xFFFFFFF0] =	vst v13  }
0x12a: {  	v11 =	vmin.f32 v11, $1.000000000e+00;
	v48 =	vcvt.f32.s32 v48;
	v46 =	vcvt.f32.s32 v46;
	v13 =	vld.idx.msk [tilespmem:v52+s21+$0x0], $0xffff;
	[tilespmem:s8+$0xFFFFFFF0] =	vst v12  }
0x12b: {  	v10 =	vmin.f32 v10, $1.000000000e+00;
	v24 =	vmul.f32 v56, v24;
	v12 =	vmul.f32 v45, v35;
	v35 =	vld.idx.msk [tilespmem:v53+s21+$0x0], $0xffff;
	[tilespmem:s6+$0xFFFFFFF0] =	vst v11  }
0x12c: {  	v9 =	vmin.f32 v9, $1.000000000e+00;
	v11 =	vmul.f32 v39, v29;
	v29 =	vmul.f32 v41, v31;
	v31 =	vld.idx.msk [tilespmem:v50+s21+$0x0], $0xffff;
	[tilespmem:s9+$0x0] =	vst v10  }
0x12d: {  	v10 =	vadd.f32 v12, v47;
	v12 =	vadd.f32 v24, v23;
	v23 =	vmul.f32 v44, v26;
	[tilespmem:s8+$0x0] =	vst v9  }
0x12e: {  	v9 =	vmul.f32 v42, v18;
	v11 =	vadd.f32 v11, v32;
	v18 =	vadd.f32 v29, v34;
	v24 =	vld.idx.msk [tilespmem:v15+s29+$0x0], $0xffff  }
0x12f: {  	v25 =	vmul.f32 v38, v25;
	v29 =	vmul.f32 v37, v30;
	v23 =	vadd.f32 v23, v36;
	v26 =	vld.idx.msk [tilespmem:v14+s29+$0x0], $0xffff  }
0x130: {  	v28 =	vmul.f32 v43, v28;
	v32 =	vmul.f32 v51, v33;
	v10 =	vmax.f32 v10, $-7.071067690e-01;
	v30 =	vld.idx.msk [tilespmem:v16+s29+$0x0], $0xffff  }
0x131: {  	v12 =	vmax.f32 v12, $-7.071067690e-01;
	v11 =	vmax.f32 v11, $-7.071067690e-01;
	v18 =	vmax.f32 v18, $-7.071067690e-01;
	v33 =	vld.idx.msk [tilespmem:v48+s29+$0x0], $0xffff  }
0x132: {  	v25 =	vadd.f32 v25, v40;
	v17 =	vadd.f32 v9, v17;
	v9 =	vmax.f32 v23, $-7.071067690e-01;
	v34 =	vld.idx.msk [tilespmem:v46+s29+$0x0], $0xffff  }
0x133: {  	v36 =	vmin.f32 v10, $7.071067690e-01;
	v13 =	vadd.f32 v29, v13;
	v23 =	vld.idx.msk [tilespmem:v15+s18+$0x0], $0xffff;
	v15 =	vadd.f32 v28, v35  }
0x134: {  	v29 =	vmin.f32 v12, $7.071067690e-01;
	v11 =	vmin.f32 v11, $7.071067690e-01;
	v12 =	vadd.f32 v32, v31;
	v28 =	vld.idx.msk [tilespmem:v14+s18+$0x0], $0xffff  }
0x135: {  	v10 =	vmin.f32 v18, $7.071067690e-01;
	v9 =	vmin.f32 v9, $7.071067690e-01;
	v14 =	vmul.f32 $-5.000000000e-01, v36;
	v31 =	vld.idx.msk [tilespmem:v16+s18+$0x0], $0xffff  }
0x136: {  	v18 =	vmul.f32 $-5.000000000e-01, v11;
	v16 =	vmax.f32 v17, $-6.123724570e-01;
	v17 =	vmul.f32 $-5.000000000e-01, v29;
	v32 =	vld.idx.msk [tilespmem:v48+s18+$0x0], $0xffff  }
0x137: {  	v25 =	vmax.f32 v25, $-6.123724570e-01;
	v38 =	vmul.f32 $-5.000000000e-01, v9;
	v35 =	vmul.f32 $-5.000000000e-01, v10;
	v37 =	vld.idx.msk [tilespmem:v46+s18+$0x0], $0xffff  }
0x138: {  	v13 =	vmax.f32 v13, $-6.123724570e-01;
	v12 =	vmax.f32 v12, $-6.123724570e-01;
	v15 =	vmax.f32 v15, $-6.123724570e-01  }
0x139: {  	v19 =	vmul.f32 v24, v19;
	v20 =	vmul.f32 v26, v20;
	v16 =	vmin.f32 v16, $6.123724570e-01  }
0x13a: {  	v24 =	vmin.f32 v25, $6.123724570e-01;
	v21 =	vmul.f32 v30, v21;
	v22 =	vmul.f32 v33, v22  }
0x13b: {  	v13 =	vmin.f32 v13, $6.123724570e-01;
	v25 =	vmin.f32 v15, $6.123724570e-01;
	v26 =	vmul.f32 v34, v27  }
0x13c: {  	v33 =	vmin.f32 v12, $6.123724570e-01;
	v27 =	vadd.f32 v16, v14;
	v30 =	vsub.f32 v14, v16  }
0x13d: {  	v8 =	vmin.f32 v8, $1.000000000e+00;
	v34 =	vadd.f32 v24, v17;
	v15 =	vsub.f32 v17, v24  }
0x13e: {  	v17 =	vadd.f32 v13, v18;
	v13 =	vsub.f32 v18, v13;
	v24 =	vmax.f32 v27, v30;
	[tilespmem:s6+$0x0] =	vst v8  }
0x13f: {  	v16 =	vadd.f32 v25, v35;
	v14 =	vsub.f32 v35, v25;
	v18 =	vmax.f32 v34, v15  }
0x140: {  	v12 =	vadd.f32 v33, v38;
	v25 =	vmax.f32 v17, v13;
	v8 =	vsub.f32 v38, v33  }
0x141: {  	v19 =	vadd.f32 v19, v23;
	v20 =	vadd.f32 v20, v28;
	v23 =	vmax.f32 v16, v14  }
0x142: {  	v21 =	vadd.f32 v21, v31;
	v22 =	vadd.f32 v22, v32;
	v28 =	vmax.f32 v12, v8  }
0x143: {  	v19 =	vmax.f32 v19, $0.0e+00;
	v20 =	vmax.f32 v20, $0.0e+00;
	v26 =	vadd.f32 v26, v37  }
0x144: {  	v24 =	vmax.f32 v36, v24;
	v21 =	vmax.f32 v21, $0.0e+00;
	v22 =	vmax.f32 v22, $0.0e+00  }
0x145: {  	v18 =	vmax.f32 v29, v18;
	v25 =	vmax.f32 v11, v25;
	v26 =	vmax.f32 v26, $0.0e+00  }
0x146: {  	v23 =	vmax.f32 v10, v23;
	v19 =	vmin.f32 v19, $1.000000000e+00;
	v28 =	vmax.f32 v9, v28  }
0x147: {  	v20 =	vmin.f32 v20, $1.000000000e+00;
	v21 =	vmin.f32 v21, $1.000000000e+00;
	v22 =	vmin.f32 v22, $1.000000000e+00  }
.Ltmp2:
0x148: {  	v24 =	vsub.f32 v19, v24;
	v20 =	vsub.f32 v20, v18;
	v26 =	vmin.f32 v26, $1.000000000e+00;
	(pc) =	sbr.rel @p1 .LBB2_3-.Ltmp2, $4  }
0x149: {  	v19 =	vsub.f32 v21, v25;
	v21 =	vmin.f32 v7, $1.000000000e+00;
	v18 =	vsub.f32 v22, v23  }
0x14a: {  	v22 =	vadd.f32 v24, v36;
	v7 =	vsub.f32 v26, v28;
	[tilespmem:s9+$0x10] =	vst v21;
	v21 =	vmin.f32 v6, $1.000000000e+00;
	s9 =	smov.u32 s16  }
0x14b: {  	v23 =	vadd.f32 v24, v27;
	v6 =	vadd.f32 v24, v30;
	v24 =	vmin.f32 v5, $1.000000000e+00;
	[tilespmem:s8+$0x10] =	vst v21;
	s8 =	smov.u32 s1  }
0x14c: {  	s3 =	sadd.s32 $0x60, s3;
	v22 =	vmax.f32 v22, $0.0e+00;
	v5 =	vadd.f32 v20, v34;
	v21 =	vadd.f32 v20, v29;
	[tilespmem:s6+$0x10] =	vst v24;
	s6 =	smov.u32 s4  }
0x14d: {  	v23 =	vmax.f32 v23, $0.0e+00;
	v22 =	vmin.f32 v22, $1.000000000e+00  }
0x14e: {  	v6 =	vmax.f32 v6, $0.0e+00;
	[tilespmem:s16+$0xFFFFFFD0] =	vst v22;
	v55 =	vmin.f32 v23, $1.000000000e+00  }
0x14f: {  	v15 =	vadd.f32 v20, v15;
	v56 =	vmax.f32 v21, $0.0e+00;
	v6 =	vmin.f32 v6, $1.000000000e+00;
	[tilespmem:s1+$0xFFFFFFD0] =	vst v55  }
0x150: {  	v11 =	vadd.f32 v19, v11;
	v5 =	vmax.f32 v5, $0.0e+00;
	[tilespmem:s6+$0xFFFFFFD0] =	vst v6;
	v6 =	vmin.f32 v56, $1.000000000e+00  }
0x151: {  	v17 =	vadd.f32 v19, v17;
	v15 =	vmax.f32 v15, $0.0e+00;
	v5 =	vmin.f32 v5, $1.000000000e+00;
	[tilespmem:s9+$0xFFFFFFE0] =	vst v6  }
0x152: {  	v11 =	vmax.f32 v11, $0.0e+00;
	v6 =	vadd.f32 v19, v13;
	[tilespmem:s8+$0xFFFFFFE0] =	vst v5;
	v5 =	vmin.f32 v15, $1.000000000e+00  }
0x153: {  	v10 =	vadd.f32 v18, v10;
	v57 =	vmax.f32 v17, $0.0e+00;
	[tilespmem:s6+$0xFFFFFFE0] =	vst v5;
	v5 =	vmin.f32 v11, $1.000000000e+00  }
0x154: {  	v58 =	vadd.f32 v18, v16;
	v6 =	vmax.f32 v6, $0.0e+00;
	[tilespmem:s9+$0xFFFFFFF0] =	vst v5;
	v5 =	vmin.f32 v57, $1.000000000e+00  }
0x155: {  	v59 =	vadd.f32 v18, v14;
	v10 =	vmax.f32 v10, $0.0e+00;
	[tilespmem:s8+$0xFFFFFFF0] =	vst v5;
	v5 =	vmin.f32 v6, $1.000000000e+00  }
0x156: {  	v60 =	vmax.f32 v58, $0.0e+00;
	v6 =	vadd.f32 v7, v9;
	[tilespmem:s6+$0xFFFFFFF0] =	vst v5;
	v5 =	vmin.f32 v10, $1.000000000e+00  }
0x157: {  	v61 =	vadd.f32 v7, v12;
	v62 =	vmax.f32 v59, $0.0e+00;
	[tilespmem:s9+$0x0] =	vst v5;
	v5 =	vmin.f32 v60, $1.000000000e+00  }
0x158: {  	v7 =	vadd.f32 v7, v8;
	v6 =	vmax.f32 v6, $0.0e+00;
	[tilespmem:s8+$0x0] =	vst v5;
	v5 =	vmin.f32 v62, $1.000000000e+00  }
0x159: {  	v63 =	vmax.f32 v61, $0.0e+00;
	[tilespmem:s6+$0x0] =	vst v5;
	v5 =	vmin.f32 v6, $1.000000000e+00  }
0x15a: {  	v6 =	vmax.f32 v7, $0.0e+00;
	[tilespmem:s9+$0x10] =	vst v5;
	v5 =	vmin.f32 v63, $1.000000000e+00  }
0x15b: {  	[tilespmem:s8+$0x10] =	vst v5;
	v5 =	vmin.f32 v6, $1.000000000e+00  }
0x15c: {  	[tilespmem:s6+$0x10] =	vst v5  }
.LBB2_5:
0x15d: {  	v5 =	vld [tilespmem:s12+$0x0]  }
0x15e: {  	v6 =	vld [tilespmem:s26+$0x0];
	_ =	sdelay $0x1  }
0x15f: {  	v7 =	vld [tilespmem:s24+$0x0];
	_ =	sdelay $0x2  }
0x160: {  	v8 =	vadd.f32 v6, v5;
	_ =	sdelay $0x1  }
0x161: {  	v9 =	vmul.f32 $3.346972270e+01, v7;
	v8 =	vmul.f32 $-1.673486140e+01, v8;
	_ =	sdelay $0x1  }
0x162: {  	v57 =	vsub.f32 v5, v6;
	v8 =	vadd.f32 v8, v9;
	_ =	sdelay $0x1  }
0x163: {  	v9 =	vmul.f32 $2.898562810e+01, v57;
	v8 =	vadd.f32 $3.550000000e+01, v8;
	_ =	sdelay $0x1  }
0x164: {  	v9 =	vadd.f32 $3.550000000e+01, v9;
	v10 =	vtrunc.f32 v8  }
0x165: {  	v5 =	vmax.f32 v7, v5;
	v7 =	vcvt.f32.s32 v10  }
0x166: {  	v5 =	vmax.f32 v5, v6;
	v6 =	vtrunc.f32 v9  }
0x167: {  	v5 =	vmul.f32 $7.100000000e+01, v5;
	v6 =	vcvt.f32.s32 v6;
	_ =	sdelay $0x1  }
0x168: {  	v58 =	vtrunc.f32 v5  }
0x169: {  	v10 =	vcvt.f32.s32 v58  }
0x16a: {  	v11 =	vld.idx.msk [tilespmem:v7+s30+$0x0], $0xffff  }
0x16b: {  	v7 =	vld.idx.msk [tilespmem:v7+s20+$0x0], $0xffff  }
0x16c: {  	v12 =	vld.idx.msk [tilespmem:v6+s31+$0x0], $0xffff;
	_ =	sdelay $0x1  }
0x16d: {  	v6 =	vld.idx.msk [tilespmem:v6+s21+$0x0], $0xffff  }
0x16e: {  	v59 =	vld.idx.msk [tilespmem:v10+s29+$0x0], $0xffff;
	v8 =	vmul.f32 v11, v8;
	_ =	sdelay $0x1  }
0x16f: {  	v61 =	vld.idx.msk [tilespmem:v10+s18+$0x0], $0xffff;
	v60 =	vmul.f32 v12, v9;
	v7 =	vadd.f32 v8, v7;
	_ =	sdelay $0x1  }
0x170: {  	v6 =	vadd.f32 v60, v6;
	v7 =	vmax.f32 v7, $-7.071067690e-01  }
0x171: {  	v5 =	vmul.f32 v59, v5;
	v7 =	vmin.f32 v7, $7.071067690e-01  }
0x172: {  	v6 =	vmax.f32 v6, $-6.123724570e-01;
	v62 =	vmul.f32 $-5.000000000e-01, v7  }
0x173: {  	v5 =	vadd.f32 v5, v61;
	v6 =	vmin.f32 v6, $6.123724570e-01  }
0x174: {  	v63 =	vadd.f32 v6, v62;
	v6 =	vsub.f32 v62, v6;
	_ =	sdelay $0x1  }
0x175: {  	v5 =	vmax.f32 v5, $0.0e+00;
	v8 =	vmax.f32 v63, v6  }
0x176: {  	v5 =	vmin.f32 v5, $1.000000000e+00;
	v8 =	vmax.f32 v7, v8  }
0x177: {  	v5 =	vsub.f32 v5, v8;
	_ =	sdelay $0x1  }
0x178: {  	s2 =	sadd.s32 $0x10, s2;
	v7 =	vadd.f32 v5, v7  }
0x179: {  	p1 =	slt.u32 s2, $0x1FF0;
	v8 =	vadd.f32 v5, v63  }
.Ltmp3:
0x17a: {  	v5 =	vadd.f32 v5, v6;
	v7 =	vmax.f32 v7, $0.0e+00;
	(pc) =	sbr.rel @p1 .LBB2_5-.Ltmp3, $4  }
0x17b: {  	v6 =	vmin.f32 v7, $1.000000000e+00;
	v7 =	vmax.f32 v8, $0.0e+00  }
0x17c: {  	v5 =	vmax.f32 v5, $0.0e+00;
	[tilespmem:s25+$0x0] =	vst v6;
	v6 =	vmin.f32 v7, $1.000000000e+00  }
0x17d: {  	s26 =	sadd.s32 $0x10, s26;
	s12 =	sadd.s32 $0x10, s12;
	s24 =	sadd.s32 $0x10, s24;
	v5 =	vmin.f32 v5, $1.000000000e+00;
	[tilespmem:s22+$0x0] =	vst v6  }
0x17e: {  	s25 =	sadd.s32 $0x10, s25;
	s22 =	sadd.s32 $0x10, s22;
	[tilespmem:s0+$0x0] =	vst v5;
	s0 =	sadd.s32 $0x10, s0  }
0x17f: {  	s7 =	sshrl.u32 s17, $0x3;
	s1 =	simm.s32 $0x0  }
0x180: {  	s2 =	simm.s32 $0xC000;
	s19 =	sshrl.u32 s11, $0x3;
	s0 =	sadd.s32 s5, s7  }
0x181: {  	[hbm4b:s0+s1] =	stream.linear.scatter [tilespmem:s2], [sflag:$0x3], $0x2000, $0x38;
	[tilespmem:$0x18300] =	vst v63  }
0x182: {  	s22 =	simm.s32 $0xE000;
	s24 =	sshrl.u32 s10, $0x3;
	s0 =	sadd.s32 s5, s19  }
0x183: {  	[hbm4b:s0+s1] =	stream.linear.scatter [tilespmem:s22], [sflag:$0x3], $0x2000, $0x38;
	[tilespmem:$0x18300] =	vst v63  }
0x184: {  	s25 =	simm.s32 $0x10000;
	s0 =	sadd.s32 s5, s24  }
0x185: {  	[hbm4b:s0+s1] =	stream.linear.scatter [tilespmem:s25], [sflag:$0x3], $0x2000, $0x38;
	[tilespmem:$0x18300] =	vst v63  }
0x186: {  	p1 =	seq.s32 s13, $0xF;
	s0 =	rddreg [dreg:$0xd]  }
0x187: {  	s0 =	sadd.s32 @!p1 s14, s0  }
0x188: {  	s1 =	rddreg [dreg:$0x0];
	s0 =	sshrl.u32 @!p1 s0, $0x3  }
0x189: {  	s0 =	sadd.s32 @!p1 s1, s0;
	s1 =	simm.s32 @!p1 $0x0  }
0x18a: {  	[tilespmem:s1], [sflag:$0x1] =	stream.linear.gather @!p1 [hbm4b:s0+s1], $0x2000, $0x38;
	[tilespmem:$0x18300] =	vst v63  }
0x18b: {  	s3 =	simm.s32 @!p1 $0x2000;
	s2 =	sadd.s32 @!p1 $0x8000, s0  }
0x18c: {  	[tilespmem:s3], [sflag:$0x1] =	stream.linear.gather @!p1 [hbm4b:s2+s1], $0x2000, $0x38;
	[tilespmem:$0x18300] =	vst v63  }
0x18d: {  	s0 =	sadd.s32 @!p1 $0x10000, s0;
	s2 =	simm.s32 @!p1 $0x4000  }
0x18e: {  	[tilespmem:s2], [sflag:$0x1] =	stream.linear.gather @!p1 [hbm4b:s0+s1], $0x2000, $0x38;
	[tilespmem:$0x18300] =	vst v63  }
0x18f: {  	_ =	swait.ge [sflag:s23], $0x2000  }
0x190: {  	[sflag:s23] =	ssyncset.done $0x0  }
0x191: {  	[sflag:s23] =	ssyncadd.s32 $0xFFFFE000  }
0x192: {  	_ =	swait.ge [sflag:s23], $0x2000  }
0x193: {  	[sflag:s23] =	ssyncset.done $0x0  }
0x194: {  	[sflag:s23] =	ssyncadd.s32 $0xFFFFE000  }
0x195: {  	_ =	swait.ge [sflag:s23], $0x2000  }
0x196: {  	[sflag:s23] =	ssyncset.done $0x0  }
0x197: {  	s0 =	simm.s32 @!p0 $0x4;
	[sflag:s23] =	ssyncadd.s32 $0xFFFFE000  }
0x198: {  	_ =	swait.ge @!p0 [sflag:s0], $0x2000  }
0x199: {  	[sflag:s0] =	ssyncset.done @!p0 $0x0  }
0x19a: {  	[sflag:s0] =	ssyncadd.s32 @!p0 $0xFFFFE000  }
0x19b: {  	_ =	swait.ge @!p0 [sflag:s0], $0x2000  }
0x19c: {  	[sflag:s0] =	ssyncset.done @!p0 $0x0  }
0x19d: {  	[sflag:s0] =	ssyncadd.s32 @!p0 $0xFFFFE000  }
0x19e: {  	_ =	swait.ge @!p0 [sflag:s0], $0x2000  }
0x19f: {  	[sflag:s0] =	ssyncset.done @!p0 $0x0  }
0x1a0: {  	s26 =	simm.s32 $0x8030;
	[sflag:s0] =	ssyncadd.s32 @!p0 $0xFFFFE000  }
0x1a1: {  	s19 =	simm.s32 $0xA030;
	v5 =	vld [tilespmem:s26+$0x20]  }
0x1a2: {  	v6 =	vld [tilespmem:s19+$0x20]  }
0x1a3: {  	s10 =	simm.s32 $0x6030;
	v7 =	vld [tilespmem:s26+$0xFFFFFFD0]  }
0x1a4: {  	v8 =	vld [tilespmem:s10+$0x20]  }
0x1a5: {  	v9 =	vld [tilespmem:s19+$0xFFFFFFD0]  }
0x1a6: {  	v10 =	vld [tilespmem:s26+$0xFFFFFFE0]  }
0x1a7: {  	v11 =	vld [tilespmem:s19+$0xFFFFFFE0]  }
0x1a8: {  	v13 =	vld [tilespmem:s26+$0xFFFFFFF0]  }
0x1a9: {  	v14 =	vld [tilespmem:s19+$0xFFFFFFF0]  }
0x1aa: {  	v17 =	vld [tilespmem:s26+$0x0]  }
0x1ab: {  	v20 =	vld [tilespmem:s19+$0x0]  }
0x1ac: {  	v21 =	vld [tilespmem:s26+$0x10]  }
0x1ad: {  	v22 =	vld [tilespmem:s19+$0x10]  }
0x1ae: {  	v24 =	vld [tilespmem:s10+$0xFFFFFFE0]  }
0x1af: {  	v26 =	vld [tilespmem:s10+$0xFFFFFFF0]  }
0x1b0: {  	v29 =	vld [tilespmem:s10+$0x0]  }
0x1b1: {  	v31 =	vld [tilespmem:s10+$0x10];
	v12 =	vadd.f32 v6, v5  }
0x1b2: {  	v48 =	vld [tilespmem:s10+$0xFFFFFFD0];
	v16 =	vadd.f32 v9, v7;
	v18 =	vsub.f32 v5, v6  }
0x1b3: {  	v15 =	vmul.f32 $3.346972270e+01, v8;
	v19 =	vsub.f32 v7, v9;
	v23 =	vsub.f32 v10, v11  }
0x1b4: {  	v25 =	vadd.f32 v14, v13;
	v27 =	vsub.f32 v13, v14;
	v5 =	vmax.f32 v8, v5  }
0x1b5: {  	v30 =	vadd.f32 v20, v17;
	v32 =	vadd.f32 v22, v21;
	v33 =	vmul.f32 $3.346972270e+01, v24  }
0x1b6: {  	v34 =	vsub.f32 v17, v20;
	v49 =	vmul.f32 $3.346972270e+01, v26;
	v37 =	vmul.f32 $3.346972270e+01, v29  }
0x1b7: {  	v35 =	vsub.f32 v21, v22;
	v38 =	vmul.f32 $3.346972270e+01, v31;
	v40 =	vmul.f32 $3.346972270e+01, v48  }
0x1b8: {  	v7 =	vmax.f32 v48, v7;
	v13 =	vmax.f32 v26, v13;
	v12 =	vmul.f32 $1.673486140e+01, v12  }
0x1b9: {  	v17 =	vmax.f32 v29, v17;
	v21 =	vmax.f32 v31, v21;
	v5 =	vmax.f32 v5, v6  }
0x1ba: {  	v18 =	vmul.f32 $2.898562810e+01, v18;
	v16 =	vmul.f32 $1.673486140e+01, v16;
	v12 =	vsub.f32 v15, v12  }
0x1bb: {  	v19 =	vmul.f32 $2.898562810e+01, v19;
	v5 =	vmul.f32 $7.100000000e+01, v5;
	v15 =	vadd.f32 v11, v10  }
0x1bc: {  	v25 =	vmul.f32 $1.673486140e+01, v25;
	v30 =	vmul.f32 $1.673486140e+01, v30;
	v12 =	vadd.f32 $3.550000000e+01, v12  }
0x1bd: {  	v18 =	vadd.f32 $3.550000000e+01, v18;
	v36 =	vtrunc.f32 v5;
	v15 =	vmul.f32 $1.673486140e+01, v15  }
0x1be: {  	v16 =	vsub.f32 v40, v16;
	v36 =	vcvt.f32.s32 v36;
	v28 =	vtrunc.f32 v12  }
0x1bf: {  	v47 =	vtrunc.f32 v18;
	v15 =	vsub.f32 v33, v15;
	v8 =	vcvt.f32.s32 v28  }
0x1c0: {  	v32 =	vmul.f32 $1.673486140e+01, v32;
	v16 =	vadd.f32 $3.550000000e+01, v16;
	v6 =	vcvt.f32.s32 v47  }
0x1c1: {  	v23 =	vmul.f32 $2.898562810e+01, v23;
	v27 =	vmul.f32 $2.898562810e+01, v27;
	v15 =	vadd.f32 $3.550000000e+01, v15  }
0x1c2: {  	v7 =	vmax.f32 v7, v9;
	v35 =	vmul.f32 $2.898562810e+01, v35;
	v41 =	vtrunc.f32 v16  }
0x1c3: {  	v30 =	vsub.f32 v37, v30;
	v55 =	vcvt.f32.s32 v41;
	v51 =	vtrunc.f32 v15  }
0x1c4: {  	v19 =	vadd.f32 $3.550000000e+01, v19;
	v25 =	vsub.f32 v49, v25;
	v53 =	vld.idx.msk [tilespmem:v36+s29+$0x0], $0xffff;
	v56 =	vcvt.f32.s32 v51  }
0x1c5: {  	v34 =	vmul.f32 $2.898562810e+01, v34;
	v32 =	vsub.f32 v38, v32;
	v30 =	vadd.f32 $3.550000000e+01, v30;
	v39 =	vld.idx.msk [tilespmem:v8+s30+$0x0], $0xffff  }
0x1c6: {  	v7 =	vmul.f32 $7.100000000e+01, v7;
	v27 =	vadd.f32 $3.550000000e+01, v27;
	v35 =	vadd.f32 $3.550000000e+01, v35;
	v50 =	vld.idx.msk [tilespmem:v6+s31+$0x0], $0xffff  }
0x1c7: {  	v32 =	vadd.f32 $3.550000000e+01, v32;
	v60 =	vtrunc.f32 v19;
	v54 =	vtrunc.f32 v30;
	v8 =	vld.idx.msk [tilespmem:v8+s20+$0x0], $0xffff  }
0x1c8: {  	v23 =	vadd.f32 $3.550000000e+01, v23;
	v63 =	vtrunc.f32 v27;
	v57 =	vcvt.f32.s32 v54;
	v6 =	vld.idx.msk [tilespmem:v6+s21+$0x0], $0xffff  }
0x1c9: {  	v25 =	vadd.f32 $3.550000000e+01, v25;
	v44 =	vtrunc.f32 v35;
	v42 =	vtrunc.f32 v32;
	v62 =	vld.idx.msk [tilespmem:v55+s30+$0x0], $0xffff  }
0x1ca: {  	v33 =	vadd.f32 $3.550000000e+01, v34;
	v59 =	vcvt.f32.s32 v42;
	v43 =	vld.idx.msk [tilespmem:v56+s30+$0x0], $0xffff;
	v12 =	vmul.f32 v39, v12  }
0x1cb: {  	v10 =	vmax.f32 v24, v10;
	v52 =	vtrunc.f32 v25;
	v5 =	vmul.f32 v53, v5;
	v53 =	vld.idx.msk [tilespmem:v55+s20+$0x0], $0xffff  }
0x1cc: {  	v54 =	vcvt.f32.s32 v63;
	v48 =	vtrunc.f32 v33;
	v9 =	vld.idx.msk [tilespmem:v56+s20+$0x0], $0xffff;
	v8 =	vadd.f32 v12, v8  }
0x1cd: {  	v10 =	vmax.f32 v10, v11;
	v51 =	vcvt.f32.s32 v60;
	v12 =	vmul.f32 v50, v18;
	v18 =	vld.idx.msk [tilespmem:v36+s18+$0x0], $0xffff  }
0x1ce: {  	v55 =	vcvt.f32.s32 v48;
	v16 =	vmul.f32 v62, v16;
	v50 =	vld.idx.msk [tilespmem:v57+s30+$0x0], $0xffff;
	v8 =	vmax.f32 v8, $-7.071067690e-01  }
0x1cf: {  	v6 =	vadd.f32 v12, v6;
	v12 =	vcvt.f32.s32 v52;
	v15 =	vmul.f32 v43, v15  }
0x1d0: {  	v56 =	vcvt.f32.s32 v44;
	v16 =	vadd.f32 v16, v53;
	v52 =	vld.idx.msk [tilespmem:v59+s30+$0x0], $0xffff;
	v8 =	vmin.f32 v8, $7.071067690e-01  }
0x1d1: {  	v6 =	vmax.f32 v6, $-6.123724570e-01;
	v58 =	vmul.f32 $-5.000000000e-01, v8;
	v9 =	vadd.f32 v15, v9  }
0x1d2: {  	v6 =	vmin.f32 v6, $6.123724570e-01;
	v5 =	vadd.f32 v5, v18;
	v18 =	vtrunc.f32 v23  }
0x1d3: {  	v30 =	vmul.f32 v50, v30;
	v61 =	vadd.f32 v6, v58;
	v6 =	vsub.f32 v58, v6  }
0x1d4: {  	v18 =	vcvt.f32.s32 v18;
	v9 =	vmax.f32 v9, $-7.071067690e-01;
	v5 =	vmax.f32 v5, $0.0e+00  }
0x1d5: {  	v15 =	vmul.f32 v52, v32;
	v45 =	vmax.f32 v61, v6;
	v49 =	vld.idx.msk [tilespmem:v12+s30+$0x0], $0xffff;
	v5 =	vmin.f32 v5, $1.000000000e+00  }
0x1d6: {  	v11 =	vld.idx.msk [tilespmem:v12+s20+$0x0], $0xffff;
	v12 =	vmax.f32 v13, v14;
	v13 =	vmax.f32 v17, v20;
	v20 =	vmul.f32 $7.100000000e+01, v10  }
0x1d7: {  	v14 =	vld.idx.msk [tilespmem:v57+s20+$0x0], $0xffff;
	v17 =	vmax.f32 v21, v22;
	v57 =	vtrunc.f32 v7;
	v12 =	vmul.f32 $7.100000000e+01, v12  }
0x1d8: {  	v10 =	vld.idx.msk [tilespmem:v59+s20+$0x0], $0xffff;
	v45 =	vmax.f32 v8, v45;
	v13 =	vmul.f32 $7.100000000e+01, v13;
	v17 =	vmul.f32 $7.100000000e+01, v17  }
0x1d9: {  	v22 =	vld.idx.msk [tilespmem:v51+s31+$0x0], $0xffff;
	v37 =	vcvt.f32.s32 v57;
	v5 =	vsub.f32 v5, v45;
	v58 =	vtrunc.f32 v20  }
0x1da: {  	v63 =	vld.idx.msk [tilespmem:v56+s31+$0x0], $0xffff;
	v47 =	vmin.f32 v9, $7.071067690e-01;
	v60 =	vtrunc.f32 v12;
	v62 =	vtrunc.f32 v17  }
0x1db: {  	v29 =	vld.idx.msk [tilespmem:v51+s21+$0x0], $0xffff;
	v39 =	vcvt.f32.s32 v58;
	v21 =	vadd.f32 v5, v61;
	v61 =	vtrunc.f32 v13  }
0x1dc: {  	v41 =	vld.idx.msk [tilespmem:v56+s21+$0x0], $0xffff;
	v8 =	vadd.f32 v5, v8;
	v42 =	vcvt.f32.s32 v60;
	v45 =	vcvt.f32.s32 v62  }
0x1dd: {  	v59 =	vld.idx.msk [tilespmem:v18+s31+$0x0], $0xffff;
	v5 =	vadd.f32 v5, v6;
	v44 =	vcvt.f32.s32 v61;
	v24 =	vmul.f32 v49, v25  }
0x1de: {  	v6 =	vld.idx.msk [tilespmem:v54+s31+$0x0], $0xffff;
	v19 =	vmul.f32 v22, v19;
	v14 =	vadd.f32 v30, v14;
	v10 =	vadd.f32 v15, v10  }
0x1df: {  	v34 =	vld.idx.msk [tilespmem:v54+s21+$0x0], $0xffff;
	v15 =	vmax.f32 v16, $-7.071067690e-01;
	v16 =	vmul.f32 v63, v35;
	v8 =	vmax.f32 v8, $0.0e+00  }
0x1e0: {  	v18 =	vld.idx.msk [tilespmem:v18+s21+$0x0], $0xffff;
	v21 =	vmax.f32 v21, $0.0e+00;
	v46 =	vmin.f32 v15, $7.071067690e-01;
	v5 =	vmax.f32 v5, $0.0e+00  }
0x1e1: {  	v28 =	vmin.f32 v8, $1.000000000e+00;
	v21 =	vmin.f32 v21, $1.000000000e+00;
	v11 =	vadd.f32 v24, v11  }
0x1e2: {  	v8 =	vld.idx.msk [tilespmem:v55+s31+$0x0], $0xffff;
	v14 =	vmax.f32 v14, $-7.071067690e-01;
	v19 =	vadd.f32 v19, v29;
	v16 =	vadd.f32 v16, v41  }
0x1e3: {  	v43 =	vld.idx.msk [tilespmem:v37+s29+$0x0], $0xffff;
	v23 =	vmul.f32 v59, v23;
	v6 =	vmul.f32 v6, v27;
	v11 =	vmax.f32 v11, $-7.071067690e-01  }
0x1e4: {  	v22 =	vld.idx.msk [tilespmem:v55+s21+$0x0], $0xffff;
	v48 =	vmul.f32 $-5.000000000e-01, v46;
	v16 =	vmax.f32 v16, $-6.123724570e-01;
	v11 =	vmin.f32 v11, $7.071067690e-01  }
0x1e5: {  	v53 =	vld.idx.msk [tilespmem:v37+s18+$0x0], $0xffff;
	v18 =	vadd.f32 v23, v18;
	v23 =	vmax.f32 v10, $-7.071067690e-01;
	v6 =	vadd.f32 v6, v34  }
0x1e6: {  	v15 =	vld.idx.msk [tilespmem:v39+s29+$0x0], $0xffff;
	v10 =	vmin.f32 v14, $7.071067690e-01;
	v14 =	vmax.f32 v19, $-6.123724570e-01;
	v19 =	vmul.f32 $-5.000000000e-01, v47  }
0x1e7: {  	v50 =	vld.idx.msk [tilespmem:v45+s29+$0x0], $0xffff;
	v8 =	vmul.f32 v8, v33;
	v9 =	vmin.f32 v23, $7.071067690e-01;
	v23 =	vmul.f32 $-5.000000000e-01, v11  }
0x1e8: {  	v51 =	vmul.f32 $-5.000000000e-01, v10;
	v7 =	vmul.f32 v43, v7;
	v14 =	vmin.f32 v14, $6.123724570e-01  }
0x1e9: {  	v49 =	vld.idx.msk [tilespmem:v44+s29+$0x0], $0xffff;
	v18 =	vmax.f32 v18, $-6.123724570e-01;
	v52 =	vmul.f32 $-5.000000000e-01, v9;
	v55 =	vadd.f32 v14, v48  }
0x1ea: {  	v6 =	vmax.f32 v6, $-6.123724570e-01;
	v24 =	vsub.f32 v48, v14;
	v8 =	vadd.f32 v8, v22  }
0x1eb: {  	v20 =	vmul.f32 v15, v20;
	v15 =	vmin.f32 v18, $6.123724570e-01;
	v6 =	vmin.f32 v6, $6.123724570e-01  }
0x1ec: {  	v7 =	vadd.f32 v7, v53;
	v30 =	vmul.f32 v50, v17;
	v57 =	vadd.f32 v15, v19  }
0x1ed: {  	v56 =	vld.idx.msk [tilespmem:v44+s18+$0x0], $0xffff;
	v15 =	vsub.f32 v19, v15;
	v19 =	vmin.f32 v16, $6.123724570e-01;
	v17 =	vadd.f32 v6, v23  }
0x1ee: {  	v22 =	vld.idx.msk [tilespmem:v42+s29+$0x0], $0xffff;
	v8 =	vmax.f32 v8, $-6.123724570e-01;
	v29 =	vmul.f32 v49, v13;
	v13 =	vsub.f32 v23, v6  }
0x1ef: {  	v18 =	vld.idx.msk [tilespmem:v39+s18+$0x0], $0xffff;
	v23 =	vmax.f32 v55, v24;
	v7 =	vmax.f32 v7, $0.0e+00;
	v8 =	vmin.f32 v8, $6.123724570e-01  }
0x1f0: {  	v54 =	vld.idx.msk [tilespmem:v42+s18+$0x0], $0xffff;
	v58 =	vmax.f32 v57, v15;
	v23 =	vmax.f32 v46, v23;
	v16 =	vadd.f32 v8, v51  }
0x1f1: {  	v6 =	vld.idx.msk [tilespmem:v45+s18+$0x0], $0xffff;
	v7 =	vmin.f32 v7, $1.000000000e+00;
	v14 =	vsub.f32 v51, v8;
	v8 =	vsub.f32 v52, v19  }
0x1f2: {  	v59 =	vadd.f32 v29, v56;
	v61 =	vmax.f32 v47, v58;
	v63 =	vsub.f32 v7, v23  }
0x1f3: {  	v22 =	vmul.f32 v22, v12;
	v12 =	vadd.f32 v19, v52;
	v19 =	vmax.f32 v17, v13  }
0x1f4: {  	v18 =	vadd.f32 v20, v18;
	v20 =	vmax.f32 v16, v14;
	v25 =	vmax.f32 v59, $0.0e+00  }
0x1f5: {  	v19 =	vmax.f32 v11, v19;
	v23 =	vadd.f32 v63, v55;
	v22 =	vadd.f32 v22, v54  }
0x1f6: {  	v60 =	vmax.f32 v12, v8;
	v18 =	vmax.f32 v18, $0.0e+00;
	v6 =	vadd.f32 v30, v6  }
0x1f7: {  	s11 =	sadd.s32 $0x42000, s17;
	v62 =	vmax.f32 v10, v20;
	v25 =	vmin.f32 v25, $1.000000000e+00;
	v29 =	vmax.f32 v9, v60  }
0x1f8: {  	s17 =	sadd.s32 $0x82000, s17;
	s9 =	simm.s32 $0x12030;
	s4 =	simm.s32 $0x16030;
	v18 =	vmin.f32 v18, $1.000000000e+00;
	v22 =	vmax.f32 v22, $0.0e+00;
	v6 =	vmax.f32 v6, $0.0e+00  }
0x1f9: {  	s15 =	simm.s32 $0x0;
	s12 =	simm.s32 $0x9FE0;
	s16 =	simm.s32 $0x8090;
	v20 =	vsub.f32 v18, v61;
	v18 =	vsub.f32 v25, v62;
	v22 =	vmin.f32 v22, $1.000000000e+00  }
0x1fa: {  	s8 =	simm.s32 $0x12030;
	s6 =	simm.s32 $0x14030;
	s1 =	simm.s32 $0x14030;
	[tilespmem:s9+$0x20] =	vst v28;
	v6 =	vmin.f32 v6, $1.000000000e+00;
	v19 =	vsub.f32 v22, v19;
	v22 =	vadd.f32 v63, v46  }
0x1fb: {  	s24 =	simm.s32 $0x7FE0;
	s22 =	simm.s32 $0x16030;
	s25 =	simm.s32 $0x13FE0;
	v5 =	vmin.f32 v5, $1.000000000e+00;
	[tilespmem:s1+$0x20] =	vst v21;
	v7 =	vsub.f32 v6, v29;
	v6 =	vadd.f32 v63, v24  }
0x1fc: {  	s2 =	simm.s32 $0x17FE0;
	s0 =	simm.s32 $0x15FE0;
	s26 =	simm.s32 $0xBFE0;
	[tilespmem:s4+$0x20] =	vst v5;
	v21 =	vadd.f32 v20, v47;
	v5 =	vadd.f32 v20, v57;
	v22 =	vmax.f32 v22, $0.0e+00  }
.LBB2_7:
0x1fd: {  	v25 =	vld [tilespmem:s16+$0x20];
	v23 =	vmax.f32 v23, $0.0e+00;
	v20 =	vadd.f32 v20, v15;
	v11 =	vadd.f32 v19, v11;
	s19 =	sadd.s32 $0x60, s19  }
0x1fe: {  	v15 =	vmax.f32 v6, $0.0e+00;
	v6 =	vadd.f32 v19, v17;
	v27 =	vadd.f32 v19, v13;
	v26 =	vld [tilespmem:s19+$0x20]  }
0x1ff: {  	v10 =	vadd.f32 v18, v10;
	s10 =	sadd.s32 $0x60, s10;
	v13 =	vmax.f32 v21, $0.0e+00;
	v21 =	vadd.f32 v18, v16;
	v24 =	vld [tilespmem:s16+$0xFFFFFFD0]  }
0x200: {  	s15 =	sadd.s32 $0x60, s15;
	v16 =	vmax.f32 v5, $0.0e+00;
	v5 =	vadd.f32 v18, v14;
	v18 =	vadd.f32 v7, v9;
	v28 =	vld [tilespmem:s10+$0x20]  }
0x201: {  	v29 =	vadd.f32 v7, v12;
	v30 =	vadd.f32 v7, v8;
	p0 =	slt.u32 s15, $0x1F80;
	v17 =	vmax.f32 v20, $0.0e+00;
	v19 =	vld [tilespmem:s19+$0xFFFFFFD0]  }
0x202: {  	v14 =	vmax.f32 v11, $0.0e+00;
	v12 =	vmax.f32 v6, $0.0e+00;
	v11 =	vmax.f32 v27, $0.0e+00;
	v32 =	vld [tilespmem:s16+$0xFFFFFFE0]  }
0x203: {  	v10 =	vmax.f32 v10, $0.0e+00;
	v9 =	vmax.f32 v21, $0.0e+00;
	v20 =	vld [tilespmem:s19+$0xFFFFFFE0];
	v27 =	vadd.f32 v26, v25  }
0x204: {  	v6 =	vmax.f32 v29, $0.0e+00;
	v8 =	vmax.f32 v5, $0.0e+00;
	v7 =	vmax.f32 v18, $0.0e+00;
	v34 =	vld [tilespmem:s16+$0xFFFFFFF0]  }
0x205: {  	v5 =	vmax.f32 v30, $0.0e+00;
	v21 =	vld [tilespmem:s19+$0xFFFFFFF0];
	v18 =	vmul.f32 $3.346972270e+01, v28;
	v27 =	vmul.f32 $1.673486140e+01, v27  }
0x206: {  	v31 =	vmin.f32 v22, $1.000000000e+00;
	v30 =	vsub.f32 v25, v26;
	v29 =	vadd.f32 v19, v24;
	v36 =	vld [tilespmem:s16+$0x0]  }
0x207: {  	v23 =	vmin.f32 v23, $1.000000000e+00;
	v33 =	vsub.f32 v24, v19;
	v22 =	vld [tilespmem:s19+$0x0];
	v18 =	vsub.f32 v18, v27;
	[tilespmem:s9+$0xFFFFFFD0] =	vst v31  }
0x208: {  	v30 =	vmul.f32 $2.898562810e+01, v30;
	v29 =	vmul.f32 $1.673486140e+01, v29;
	v31 =	vadd.f32 v20, v32;
	v37 =	vld [tilespmem:s16+$0x10];
	[tilespmem:s1+$0xFFFFFFD0] =	vst v23  }
0x209: {  	v23 =	vmul.f32 $2.898562810e+01, v33;
	v33 =	vsub.f32 v32, v20;
	v27 =	vld [tilespmem:s19+$0x10];
	v38 =	vadd.f32 $3.550000000e+01, v18  }
0x20a: {  	v40 =	vadd.f32 $3.550000000e+01, v30;
	v39 =	vld [tilespmem:s10+$0xFFFFFFE0];
	v18 =	vmul.f32 $1.673486140e+01, v31;
	v31 =	vadd.f32 v21, v34  }
0x20b: {  	v30 =	vmul.f32 $2.898562810e+01, v33;
	v33 =	vsub.f32 v34, v21;
	v41 =	vld [tilespmem:s10+$0xFFFFFFF0];
	v35 =	vtrunc.f32 v38  }
0x20c: {  	v25 =	vmax.f32 v28, v25;
	v42 =	vld [tilespmem:s10+$0x0];
	v28 =	vcvt.f32.s32 v35;
	v35 =	vtrunc.f32 v40  }
0x20d: {  	v25 =	vmax.f32 v25, v26;
	v43 =	vadd.f32 v22, v36;
	v44 =	vld [tilespmem:s10+$0x10];
	v35 =	vcvt.f32.s32 v35  }
0x20e: {  	v46 =	vmul.f32 $7.100000000e+01, v25;
	v26 =	vmul.f32 $1.673486140e+01, v31;
	v45 =	vld [tilespmem:s10+$0xFFFFFFD0];
	v31 =	vadd.f32 v27, v37  }
0x20f: {  	v47 =	vsub.f32 v36, v22;
	v43 =	vmul.f32 $1.673486140e+01, v43;
	v25 =	vmul.f32 $3.346972270e+01, v39  }
0x210: {  	v49 =	vtrunc.f32 v46;
	v48 =	vsub.f32 v37, v27;
	v31 =	vmul.f32 $1.673486140e+01, v31  }
0x211: {  	v49 =	vcvt.f32.s32 v49;
	v50 =	vmul.f32 $3.346972270e+01, v41;
	v25 =	vsub.f32 v25, v18  }
0x212: {  	v18 =	vadd.f32 $3.550000000e+01, v23;
	v51 =	vmul.f32 $3.346972270e+01, v42;
	v52 =	vmul.f32 $3.346972270e+01, v44;
	v53 =	vld.idx.msk [tilespmem:v28+s30+$0x0], $0xffff  }
0x213: {  	v54 =	vmul.f32 $3.346972270e+01, v45;
	v23 =	vadd.f32 $3.550000000e+01, v25;
	v25 =	vsub.f32 v50, v26;
	v50 =	vld.idx.msk [tilespmem:v35+s31+$0x0], $0xffff  }
0x214: {  	v33 =	vmul.f32 $2.898562810e+01, v33;
	v26 =	vsub.f32 v51, v43;
	v43 =	vsub.f32 v52, v31;
	v51 =	vld.idx.msk [tilespmem:v28+s20+$0x0], $0xffff  }
0x215: {  	v47 =	vmul.f32 $2.898562810e+01, v47;
	v28 =	vsub.f32 v54, v29;
	v29 =	vadd.f32 $3.550000000e+01, v25  }
0x216: {  	v31 =	vadd.f32 $3.550000000e+01, v26;
	v26 =	vadd.f32 $3.550000000e+01, v43;
	v43 =	vmul.f32 $2.898562810e+01, v48;
	v48 =	vld.idx.msk [tilespmem:v35+s21+$0x0], $0xffff  }
0x217: {  	v52 =	vtrunc.f32 v23;
	v35 =	vadd.f32 $3.550000000e+01, v28;
	v54 =	vtrunc.f32 v29;
	v55 =	vld.idx.msk [tilespmem:v49+s29+$0x0], $0xffff  }
0x218: {  	v25 =	vadd.f32 $3.550000000e+01, v30;
	v56 =	vtrunc.f32 v31;
	v38 =	vmul.f32 v53, v38  }
0x219: {  	v30 =	vadd.f32 $3.550000000e+01, v33;
	v57 =	vtrunc.f32 v26;
	v53 =	vtrunc.f32 v35;
	v49 =	vld.idx.msk [tilespmem:v49+s18+$0x0], $0xffff  }
0x21a: {  	v28 =	vadd.f32 $3.550000000e+01, v47;
	v40 =	vmul.f32 v50, v40;
	v38 =	vadd.f32 v38, v51  }
0x21b: {  	v50 =	vcvt.f32.s32 v52;
	v33 =	vadd.f32 $3.550000000e+01, v43;
	v47 =	vcvt.f32.s32 v53  }
0x21c: {  	v43 =	vcvt.f32.s32 v54;
	v38 =	vmax.f32 v38, $-7.071067690e-01;
	v40 =	vadd.f32 v40, v48  }
0x21d: {  	v48 =	vcvt.f32.s32 v56;
	v46 =	vmul.f32 v55, v46;
	v38 =	vmin.f32 v38, $7.071067690e-01  }
0x21e: {  	v51 =	vcvt.f32.s32 v57;
	v40 =	vmax.f32 v40, $-6.123724570e-01;
	v52 =	vmul.f32 $-5.000000000e-01, v38  }
0x21f: {  	v53 =	vtrunc.f32 v18;
	v46 =	vadd.f32 v46, v49;
	v40 =	vmin.f32 v40, $6.123724570e-01  }
0x220: {  	v49 =	vtrunc.f32 v25;
	v54 =	vadd.f32 v40, v52;
	v40 =	vsub.f32 v52, v40  }
0x221: {  	v24 =	vmax.f32 v45, v24;
	v55 =	vtrunc.f32 v28;
	v52 =	vtrunc.f32 v30;
	v45 =	vld.idx.msk [tilespmem:v47+s30+$0x0], $0xffff  }
0x222: {  	v57 =	vtrunc.f32 v33;
	v46 =	vmax.f32 v46, $0.0e+00;
	v58 =	vmax.f32 v54, v40;
	v56 =	vld.idx.msk [tilespmem:v50+s30+$0x0], $0xffff  }
0x223: {  	v32 =	vmax.f32 v39, v32;
	v46 =	vmin.f32 v46, $1.000000000e+00;
	v58 =	vmax.f32 v38, v58;
	v39 =	vld.idx.msk [tilespmem:v43+s30+$0x0], $0xffff  }
0x224: {  	v34 =	vmax.f32 v41, v34;
	v36 =	vmax.f32 v42, v36;
	v42 =	vsub.f32 v46, v58;
	v41 =	vld.idx.msk [tilespmem:v48+s30+$0x0], $0xffff  }
0x225: {  	v37 =	vmax.f32 v44, v37;
	v49 =	vcvt.f32.s32 v49;
	v46 =	vcvt.f32.s32 v53;
	v44 =	vld.idx.msk [tilespmem:v51+s30+$0x0], $0xffff  }
0x226: {  	v52 =	vcvt.f32.s32 v52;
	v53 =	vcvt.f32.s32 v55;
	v38 =	vadd.f32 v42, v38;
	v47 =	vld.idx.msk [tilespmem:v47+s20+$0x0], $0xffff  }
0x227: {  	v19 =	vmax.f32 v24, v19;
	v54 =	vadd.f32 v42, v54;
	v24 =	vld.idx.msk [tilespmem:v50+s20+$0x0], $0xffff;
	v50 =	vcvt.f32.s32 v57  }
0x228: {  	v20 =	vmax.f32 v32, v20;
	v40 =	vadd.f32 v42, v40;
	v38 =	vmax.f32 v38, $0.0e+00;
	v32 =	vld.idx.msk [tilespmem:v43+s20+$0x0], $0xffff  }
0x229: {  	s9 =	sadd.s32 $0x60, s9;
	v21 =	vmax.f32 v34, v21;
	v42 =	vmax.f32 v54, $0.0e+00;
	v38 =	vmin.f32 v38, $1.000000000e+00;
	v34 =	vld.idx.msk [tilespmem:v48+s20+$0x0], $0xffff  }
0x22a: {  	s1 =	sadd.s32 $0x60, s1;
	v22 =	vmax.f32 v36, v22;
	v40 =	vmax.f32 v40, $0.0e+00;
	v36 =	vld.idx.msk [tilespmem:v51+s20+$0x0], $0xffff;
	[tilespmem:s9+$0x20] =	vst v38;
	v38 =	vmin.f32 v42, $1.000000000e+00  }
0x22b: {  	s4 =	sadd.s32 $0x60, s4;
	v27 =	vmax.f32 v37, v27;
	v19 =	vmul.f32 $7.100000000e+01, v19;
	v37 =	vmin.f32 v40, $1.000000000e+00;
	v42 =	vld.idx.msk [tilespmem:v46+s31+$0x0], $0xffff;
	[tilespmem:s1+$0x20] =	vst v38  }
0x22c: {  	s3 =	simm.s32 $0x1FD0;
	v15 =	vmin.f32 v15, $1.000000000e+00;
	v20 =	vmul.f32 $7.100000000e+01, v20;
	v21 =	vmul.f32 $7.100000000e+01, v21;
	v38 =	vld.idx.msk [tilespmem:v49+s31+$0x0], $0xffff;
	[tilespmem:s4+$0x20] =	vst v37  }
0x22d: {  	v13 =	vmin.f32 v13, $1.000000000e+00;
	v22 =	vmul.f32 $7.100000000e+01, v22;
	v27 =	vmul.f32 $7.100000000e+01, v27;
	v37 =	vld.idx.msk [tilespmem:v52+s31+$0x0], $0xffff;
	[tilespmem:s22+$0xFFFFFFD0] =	vst v15  }
0x22e: {  	v40 =	vtrunc.f32 v20;
	v15 =	vtrunc.f32 v19;
	v43 =	vld.idx.msk [tilespmem:v53+s31+$0x0], $0xffff;
	[tilespmem:s8+$0xFFFFFFE0] =	vst v13;
	v13 =	vmin.f32 v16, $1.000000000e+00  }
0x22f: {  	v48 =	vtrunc.f32 v22;
	v16 =	vtrunc.f32 v21;
	v51 =	vld.idx.msk [tilespmem:v50+s31+$0x0], $0xffff;
	[tilespmem:s6+$0xFFFFFFE0] =	vst v13;
	v13 =	vmin.f32 v17, $1.000000000e+00  }
0x230: {  	v15 =	vcvt.f32.s32 v15;
	v17 =	vld.idx.msk [tilespmem:v46+s21+$0x0], $0xffff;
	v46 =	vtrunc.f32 v27;
	[tilespmem:s22+$0xFFFFFFE0] =	vst v13;
	v13 =	vmin.f32 v14, $1.000000000e+00  }
0x231: {  	v12 =	vmin.f32 v12, $1.000000000e+00;
	v16 =	vcvt.f32.s32 v16;
	v14 =	vcvt.f32.s32 v40;
	v40 =	vld.idx.msk [tilespmem:v49+s21+$0x0], $0xffff;
	[tilespmem:s8+$0xFFFFFFF0] =	vst v13  }
0x232: {  	v11 =	vmin.f32 v11, $1.000000000e+00;
	v48 =	vcvt.f32.s32 v48;
	v46 =	vcvt.f32.s32 v46;
	v13 =	vld.idx.msk [tilespmem:v52+s21+$0x0], $0xffff;
	[tilespmem:s6+$0xFFFFFFF0] =	vst v12  }
0x233: {  	v10 =	vmin.f32 v10, $1.000000000e+00;
	v23 =	vmul.f32 v56, v23;
	v12 =	vmul.f32 v45, v35;
	v35 =	vld.idx.msk [tilespmem:v53+s21+$0x0], $0xffff;
	[tilespmem:s22+$0xFFFFFFF0] =	vst v11  }
0x234: {  	v9 =	vmin.f32 v9, $1.000000000e+00;
	v11 =	vmul.f32 v39, v29;
	v29 =	vmul.f32 v41, v31;
	v31 =	vld.idx.msk [tilespmem:v50+s21+$0x0], $0xffff;
	[tilespmem:s8+$0x0] =	vst v10  }
0x235: {  	v10 =	vadd.f32 v12, v47;
	v12 =	vadd.f32 v23, v24;
	v23 =	vmul.f32 v44, v26;
	[tilespmem:s6+$0x0] =	vst v9  }
0x236: {  	v9 =	vmul.f32 v42, v18;
	v11 =	vadd.f32 v11, v32;
	v18 =	vadd.f32 v29, v34;
	v24 =	vld.idx.msk [tilespmem:v15+s29+$0x0], $0xffff  }
0x237: {  	v25 =	vmul.f32 v38, v25;
	v29 =	vmul.f32 v37, v30;
	v23 =	vadd.f32 v23, v36;
	v26 =	vld.idx.msk [tilespmem:v14+s29+$0x0], $0xffff  }
0x238: {  	v28 =	vmul.f32 v43, v28;
	v32 =	vmul.f32 v51, v33;
	v10 =	vmax.f32 v10, $-7.071067690e-01;
	v30 =	vld.idx.msk [tilespmem:v16+s29+$0x0], $0xffff  }
0x239: {  	v12 =	vmax.f32 v12, $-7.071067690e-01;
	v11 =	vmax.f32 v11, $-7.071067690e-01;
	v18 =	vmax.f32 v18, $-7.071067690e-01;
	v33 =	vld.idx.msk [tilespmem:v48+s29+$0x0], $0xffff  }
0x23a: {  	v25 =	vadd.f32 v25, v40;
	v17 =	vadd.f32 v9, v17;
	v9 =	vmax.f32 v23, $-7.071067690e-01;
	v34 =	vld.idx.msk [tilespmem:v46+s29+$0x0], $0xffff  }
0x23b: {  	v36 =	vmin.f32 v10, $7.071067690e-01;
	v13 =	vadd.f32 v29, v13;
	v23 =	vld.idx.msk [tilespmem:v15+s18+$0x0], $0xffff;
	v15 =	vadd.f32 v28, v35  }
0x23c: {  	v29 =	vmin.f32 v12, $7.071067690e-01;
	v11 =	vmin.f32 v11, $7.071067690e-01;
	v12 =	vadd.f32 v32, v31;
	v28 =	vld.idx.msk [tilespmem:v14+s18+$0x0], $0xffff  }
0x23d: {  	v10 =	vmin.f32 v18, $7.071067690e-01;
	v9 =	vmin.f32 v9, $7.071067690e-01;
	v14 =	vmul.f32 $-5.000000000e-01, v36;
	v31 =	vld.idx.msk [tilespmem:v16+s18+$0x0], $0xffff  }
0x23e: {  	v18 =	vmul.f32 $-5.000000000e-01, v11;
	v16 =	vmax.f32 v17, $-6.123724570e-01;
	v17 =	vmul.f32 $-5.000000000e-01, v29;
	v32 =	vld.idx.msk [tilespmem:v48+s18+$0x0], $0xffff  }
0x23f: {  	v25 =	vmax.f32 v25, $-6.123724570e-01;
	v38 =	vmul.f32 $-5.000000000e-01, v9;
	v35 =	vmul.f32 $-5.000000000e-01, v10;
	v37 =	vld.idx.msk [tilespmem:v46+s18+$0x0], $0xffff  }
0x240: {  	v13 =	vmax.f32 v13, $-6.123724570e-01;
	v12 =	vmax.f32 v12, $-6.123724570e-01;
	v15 =	vmax.f32 v15, $-6.123724570e-01  }
0x241: {  	v19 =	vmul.f32 v24, v19;
	v20 =	vmul.f32 v26, v20;
	v16 =	vmin.f32 v16, $6.123724570e-01  }
0x242: {  	v24 =	vmin.f32 v25, $6.123724570e-01;
	v21 =	vmul.f32 v30, v21;
	v22 =	vmul.f32 v33, v22  }
0x243: {  	v13 =	vmin.f32 v13, $6.123724570e-01;
	v25 =	vmin.f32 v15, $6.123724570e-01;
	v26 =	vmul.f32 v34, v27  }
0x244: {  	v33 =	vmin.f32 v12, $6.123724570e-01;
	v27 =	vadd.f32 v16, v14;
	v30 =	vsub.f32 v14, v16  }
0x245: {  	v8 =	vmin.f32 v8, $1.000000000e+00;
	v34 =	vadd.f32 v24, v17;
	v15 =	vsub.f32 v17, v24  }
0x246: {  	v17 =	vadd.f32 v13, v18;
	v13 =	vsub.f32 v18, v13;
	v24 =	vmax.f32 v27, v30;
	[tilespmem:s22+$0x0] =	vst v8  }
0x247: {  	v16 =	vadd.f32 v25, v35;
	v14 =	vsub.f32 v35, v25;
	v18 =	vmax.f32 v34, v15  }
0x248: {  	v12 =	vadd.f32 v33, v38;
	v25 =	vmax.f32 v17, v13;
	v8 =	vsub.f32 v38, v33  }
0x249: {  	v19 =	vadd.f32 v19, v23;
	v20 =	vadd.f32 v20, v28;
	v23 =	vmax.f32 v16, v14  }
0x24a: {  	v21 =	vadd.f32 v21, v31;
	v22 =	vadd.f32 v22, v32;
	v28 =	vmax.f32 v12, v8  }
0x24b: {  	v19 =	vmax.f32 v19, $0.0e+00;
	v20 =	vmax.f32 v20, $0.0e+00;
	v26 =	vadd.f32 v26, v37  }
0x24c: {  	v24 =	vmax.f32 v36, v24;
	v21 =	vmax.f32 v21, $0.0e+00;
	v22 =	vmax.f32 v22, $0.0e+00  }
0x24d: {  	v18 =	vmax.f32 v29, v18;
	v25 =	vmax.f32 v11, v25;
	v26 =	vmax.f32 v26, $0.0e+00  }
0x24e: {  	v23 =	vmax.f32 v10, v23;
	v19 =	vmin.f32 v19, $1.000000000e+00;
	v28 =	vmax.f32 v9, v28  }
0x24f: {  	v20 =	vmin.f32 v20, $1.000000000e+00;
	v21 =	vmin.f32 v21, $1.000000000e+00;
	v22 =	vmin.f32 v22, $1.000000000e+00  }
.Ltmp4:
0x250: {  	v24 =	vsub.f32 v19, v24;
	v20 =	vsub.f32 v20, v18;
	v26 =	vmin.f32 v26, $1.000000000e+00;
	(pc) =	sbr.rel @p0 .LBB2_7-.Ltmp4, $4  }
0x251: {  	v19 =	vsub.f32 v21, v25;
	v21 =	vmin.f32 v7, $1.000000000e+00;
	v18 =	vsub.f32 v22, v23  }
0x252: {  	v22 =	vadd.f32 v24, v36;
	v7 =	vsub.f32 v26, v28;
	[tilespmem:s8+$0x10] =	vst v21;
	v21 =	vmin.f32 v6, $1.000000000e+00;
	s8 =	smov.u32 s9  }
0x253: {  	v23 =	vadd.f32 v24, v27;
	v6 =	vadd.f32 v24, v30;
	v24 =	vmin.f32 v5, $1.000000000e+00;
	[tilespmem:s6+$0x10] =	vst v21;
	s6 =	smov.u32 s1  }
0x254: {  	s16 =	sadd.s32 $0x60, s16;
	v22 =	vmax.f32 v22, $0.0e+00;
	v5 =	vadd.f32 v20, v34;
	v21 =	vadd.f32 v20, v29;
	[tilespmem:s22+$0x10] =	vst v24;
	s22 =	smov.u32 s4  }
0x255: {  	v23 =	vmax.f32 v23, $0.0e+00;
	v22 =	vmin.f32 v22, $1.000000000e+00  }
0x256: {  	v6 =	vmax.f32 v6, $0.0e+00;
	[tilespmem:s9+$0xFFFFFFD0] =	vst v22;
	v55 =	vmin.f32 v23, $1.000000000e+00  }
0x257: {  	v15 =	vadd.f32 v20, v15;
	v56 =	vmax.f32 v21, $0.0e+00;
	v6 =	vmin.f32 v6, $1.000000000e+00;
	[tilespmem:s1+$0xFFFFFFD0] =	vst v55  }
0x258: {  	v11 =	vadd.f32 v19, v11;
	v5 =	vmax.f32 v5, $0.0e+00;
	[tilespmem:s22+$0xFFFFFFD0] =	vst v6;
	v6 =	vmin.f32 v56, $1.000000000e+00  }
0x259: {  	v17 =	vadd.f32 v19, v17;
	v15 =	vmax.f32 v15, $0.0e+00;
	v5 =	vmin.f32 v5, $1.000000000e+00;
	[tilespmem:s8+$0xFFFFFFE0] =	vst v6  }
0x25a: {  	v11 =	vmax.f32 v11, $0.0e+00;
	v6 =	vadd.f32 v19, v13;
	[tilespmem:s6+$0xFFFFFFE0] =	vst v5;
	v5 =	vmin.f32 v15, $1.000000000e+00  }
0x25b: {  	v10 =	vadd.f32 v18, v10;
	v57 =	vmax.f32 v17, $0.0e+00;
	[tilespmem:s22+$0xFFFFFFE0] =	vst v5;
	v5 =	vmin.f32 v11, $1.000000000e+00  }
0x25c: {  	v58 =	vadd.f32 v18, v16;
	v6 =	vmax.f32 v6, $0.0e+00;
	[tilespmem:s8+$0xFFFFFFF0] =	vst v5;
	v5 =	vmin.f32 v57, $1.000000000e+00  }
0x25d: {  	v59 =	vadd.f32 v18, v14;
	v10 =	vmax.f32 v10, $0.0e+00;
	[tilespmem:s6+$0xFFFFFFF0] =	vst v5;
	v5 =	vmin.f32 v6, $1.000000000e+00  }
0x25e: {  	v60 =	vmax.f32 v58, $0.0e+00;
	v6 =	vadd.f32 v7, v9;
	[tilespmem:s22+$0xFFFFFFF0] =	vst v5;
	v5 =	vmin.f32 v10, $1.000000000e+00  }
0x25f: {  	v61 =	vadd.f32 v7, v12;
	v62 =	vmax.f32 v59, $0.0e+00;
	[tilespmem:s8+$0x0] =	vst v5;
	v5 =	vmin.f32 v60, $1.000000000e+00  }
0x260: {  	v7 =	vadd.f32 v7, v8;
	v6 =	vmax.f32 v6, $0.0e+00;
	[tilespmem:s6+$0x0] =	vst v5;
	v5 =	vmin.f32 v62, $1.000000000e+00  }
0x261: {  	v63 =	vmax.f32 v61, $0.0e+00;
	[tilespmem:s22+$0x0] =	vst v5;
	v5 =	vmin.f32 v6, $1.000000000e+00  }
0x262: {  	v6 =	vmax.f32 v7, $0.0e+00;
	[tilespmem:s8+$0x10] =	vst v5;
	v5 =	vmin.f32 v63, $1.000000000e+00  }
0x263: {  	[tilespmem:s6+$0x10] =	vst v5;
	v5 =	vmin.f32 v6, $1.000000000e+00  }
0x264: {  	[tilespmem:s22+$0x10] =	vst v5  }
.LBB2_9:
0x265: {  	v5 =	vld [tilespmem:s12+$0x0]  }
0x266: {  	v6 =	vld [tilespmem:s26+$0x0];
	_ =	sdelay $0x1  }
0x267: {  	v7 =	vld [tilespmem:s24+$0x0];
	_ =	sdelay $0x2  }
0x268: {  	v8 =	vadd.f32 v6, v5;
	_ =	sdelay $0x1  }
0x269: {  	v9 =	vmul.f32 $3.346972270e+01, v7;
	v8 =	vmul.f32 $-1.673486140e+01, v8;
	_ =	sdelay $0x1  }
0x26a: {  	v57 =	vsub.f32 v5, v6;
	v8 =	vadd.f32 v8, v9;
	_ =	sdelay $0x1  }
0x26b: {  	v9 =	vmul.f32 $2.898562810e+01, v57;
	v8 =	vadd.f32 $3.550000000e+01, v8;
	_ =	sdelay $0x1  }
0x26c: {  	v9 =	vadd.f32 $3.550000000e+01, v9;
	v10 =	vtrunc.f32 v8  }
0x26d: {  	v5 =	vmax.f32 v7, v5;
	v7 =	vcvt.f32.s32 v10  }
0x26e: {  	v5 =	vmax.f32 v5, v6;
	v6 =	vtrunc.f32 v9  }
0x26f: {  	v5 =	vmul.f32 $7.100000000e+01, v5;
	v6 =	vcvt.f32.s32 v6;
	_ =	sdelay $0x1  }
0x270: {  	v58 =	vtrunc.f32 v5  }
0x271: {  	v10 =	vcvt.f32.s32 v58  }
0x272: {  	v11 =	vld.idx.msk [tilespmem:v7+s30+$0x0], $0xffff  }
0x273: {  	v7 =	vld.idx.msk [tilespmem:v7+s20+$0x0], $0xffff  }
0x274: {  	v12 =	vld.idx.msk [tilespmem:v6+s31+$0x0], $0xffff;
	_ =	sdelay $0x1  }
0x275: {  	v6 =	vld.idx.msk [tilespmem:v6+s21+$0x0], $0xffff  }
0x276: {  	v59 =	vld.idx.msk [tilespmem:v10+s29+$0x0], $0xffff;
	v8 =	vmul.f32 v11, v8;
	_ =	sdelay $0x1  }
0x277: {  	v61 =	vld.idx.msk [tilespmem:v10+s18+$0x0], $0xffff;
	v60 =	vmul.f32 v12, v9;
	v7 =	vadd.f32 v8, v7;
	_ =	sdelay $0x1  }
0x278: {  	v6 =	vadd.f32 v60, v6;
	v7 =	vmax.f32 v7, $-7.071067690e-01  }
0x279: {  	v5 =	vmul.f32 v59, v5;
	v7 =	vmin.f32 v7, $7.071067690e-01  }
0x27a: {  	v6 =	vmax.f32 v6, $-6.123724570e-01;
	v62 =	vmul.f32 $-5.000000000e-01, v7  }
0x27b: {  	v5 =	vadd.f32 v5, v61;
	v6 =	vmin.f32 v6, $6.123724570e-01  }
0x27c: {  	v63 =	vadd.f32 v6, v62;
	v6 =	vsub.f32 v62, v6;
	_ =	sdelay $0x1  }
0x27d: {  	v5 =	vmax.f32 v5, $0.0e+00;
	v8 =	vmax.f32 v63, v6  }
0x27e: {  	v5 =	vmin.f32 v5, $1.000000000e+00;
	v8 =	vmax.f32 v7, v8  }
0x27f: {  	v5 =	vsub.f32 v5, v8;
	_ =	sdelay $0x1  }
0x280: {  	s3 =	sadd.s32 $0x10, s3;
	v7 =	vadd.f32 v5, v7  }
0x281: {  	p0 =	slt.u32 s3, $0x1FF0;
	v8 =	vadd.f32 v5, v63  }
.Ltmp5:
0x282: {  	v5 =	vadd.f32 v5, v6;
	v7 =	vmax.f32 v7, $0.0e+00;
	(pc) =	sbr.rel @p0 .LBB2_9-.Ltmp5, $4  }
0x283: {  	v6 =	vmin.f32 v7, $1.000000000e+00;
	v7 =	vmax.f32 v8, $0.0e+00  }
0x284: {  	v5 =	vmax.f32 v5, $0.0e+00;
	[tilespmem:s25+$0x0] =	vst v6;
	v6 =	vmin.f32 v7, $1.000000000e+00  }
0x285: {  	s26 =	sadd.s32 $0x10, s26;
	s12 =	sadd.s32 $0x10, s12;
	s24 =	sadd.s32 $0x10, s24;
	v5 =	vmin.f32 v5, $1.000000000e+00;
	[tilespmem:s0+$0x0] =	vst v6  }
0x286: {  	s25 =	sadd.s32 $0x10, s25;
	s0 =	sadd.s32 $0x10, s0;
	[tilespmem:s2+$0x0] =	vst v5;
	s2 =	sadd.s32 $0x10, s2  }
0x287: {  	s0 =	sadd.s32 s7, s5  }
0x288: {  	s6 =	simm.s32 $0x0;
	s1 =	simm.s32 $0x12000;
	s0 =	sadd.s32 $0x400, s0  }
0x289: {  	[hbm4b:s0+s6] =	stream.linear.scatter [tilespmem:s1], [sflag:$0x4], $0x2000, $0x38;
	[tilespmem:$0x18300] =	vst v63  }
.Ltmp6:
0x28a: {  	s22 =	sshrl.u32 s11, $0x3;
	(pc) =	sbr.rel @p1 .LBB2_12-.Ltmp6, $4  }
0x28b: {  	s24 =	simm.s32 $0x14000;
	s25 =	sshrl.u32 s17, $0x3;
	s0 =	sadd.s32 s5, s22  }
0x28c: {  	[hbm4b:s0+s6] =	stream.linear.scatter [tilespmem:s24], [sflag:$0x4], $0x2000, $0x38;
	[tilespmem:$0x18300] =	vst v63  }
0x28d: {  	s26 =	simm.s32 $0x16000;
	s0 =	sadd.s32 s5, s25  }
0x28e: {  	[hbm4b:s0+s6] =	stream.linear.scatter [tilespmem:s26], [sflag:$0x4], $0x2000, $0x38;
	[tilespmem:$0x18300] =	vst v63  }
0x28f: {  	s0 =	rddreg [dreg:$0xe]  }
0x290: {  	s0 =	sadd.s32 s14, s0  }
0x291: {  	s1 =	rddreg [dreg:$0x0];
	s0 =	sshrl.u32 s0, $0x3  }
0x292: {  	s24 =	simm.s32 $0x6000;
	s0 =	sadd.s32 s1, s0  }
0x293: {  	[tilespmem:s24], [sflag:$0x2] =	stream.linear.gather [hbm4b:s0+s6], $0x2000, $0x38;
	[tilespmem:$0x18300] =	vst v63  }
.Ltmp7:
0x294: {  	_ = 	snop;
	(pc) =	sbr.rel .LBB2_2-.Ltmp7, $4  }
0x295: {  	s2 =	simm.s32 $0x8000;
	s25 =	sadd.s32 $0x8000, s0  }
0x296: {  	[tilespmem:s2], [sflag:$0x2] =	stream.linear.gather [hbm4b:s25+s6], $0x2000, $0x38;
	[tilespmem:$0x18300] =	vst v63  }
0x297: {  	s26 =	simm.s32 $0xA000;
	s13 =	sadd.s32 $0x1, s13;
	s0 =	sadd.s32 $0x10000, s0  }
0x298: {  	[tilespmem:s26], [sflag:$0x2] =	stream.linear.gather [hbm4b:s0+s6], $0x2000, $0x38;
	[tilespmem:$0x18300] =	vst v63  }
.LBB2_13:
0x299: {  	_ =	sfence.sel $0x180000  }
0x29a: {  	[bflag:$0x0] =	sbarrier.arrive $0xFFFF  }
0x29b: {  	_ =	strace $0x9000004A  }
0x29c: {  	s0 =	stileid.u32;
	[bflag:$0x2] =	sbarrier.arrive $0xFFFF  }
0x29d: {  	p0 =	sne.s32 s0, $0x0;
	s0 =	rddreg [dreg:$0x2]  }
0x29e: {  	s0 =	sadd.s32 @!p0 $0x100000, s0  }
0x29f: {  	[sflag:s0] =	ssyncadd.tile.s32 @!p0 $0x1;
	_ =	shalt  }
.Lfunc_end2:
_tile_overlayer_lowered:
.L_overlay_start_2:
0x2a0: {  	(tag) =	ssettag $0x2  }
0x2a1: {  	s0 =	rddreg [dreg:$0x0];
	s2 =	stileid.u32  }
0x2a2: {  	s1 =	rddreg [dreg:$0x1];
	p0 =	sne.s32 s2, $0x0  }
0x2a3: {  	s3 =	rddreg [dreg:$0x2];
	[bflag:$0x3] =	sbarrier.arrive $0xFFFF;
	s2 =	simm.s32 @!p0 $0x1C05  }
0x2a4: {  	[timem:s3], [sflag:s2] =	dma.local @!p0 [hbm:s0], s1  }
0x2a5: {  	s0 =	simm.s32 @!p0 $0x5  }
0x2a6: {  	_ =	swait.ge @!p0 [sflag:s0], s1  }
0x2a7: {  	s1 =	ssub.s32 @!p0 $0x0, s1;
	[sflag:s0] =	ssyncset.done @!p0 $0x0  }
0x2a8: {  	[sflag:s0] =	ssyncadd.s32 @!p0 s1  }
0x2a9: {  	[bflag:$0x3] =	sbarrier.arrive $0xFFFF  }
0x2aa: {  	_ =	shalt  }

// kernel: sparse-core-data-format-call.cloned.1.call-start
scs
called_computation_lowered:
.L_overlay_start_0:
0x0: {  	s2 =	sld [smem:$0x3FD9]  }
0x1: {  	s3 =	sld [smem:$0x3FFE];
	_ =	sdelay $0x1  }
0x2: {  	s1 =	srdreg.scid  }
0x3: {  	s0 =	sand.u32 $0x1, s1  }
0x4: {  	s19 =	sshll.u32 s0, $0xA;
	s2 =	sadd.s32 s3, s2  }
0x5: {  	s2 =	sadd.s32 s2, s19  }
0x6: {  	[smem:$0x3FC6] =	sst s2  }
0x7: {  	_ = 	snop  }
0x8: {  	s2 =	sld [smem:$0x3FC9]  }
0x9: {  	s20 =	sld [smem:$0x3FD0];
	(tm) =	ssettm $0x1  }
0xa: {  	s4 =	sld [smem:$0x3FFB];
	_ =	sdelay $0x3  }
0xb: {  	_ =	strace s4  }
0xc: {  	s4 =	sld [smem:$0x3FFC];
	_ =	sdelay $0x3  }
0xd: {  	_ =	strace s4  }
0xe: {  	s4 =	sld [smem:$0x3FFD];
	_ =	sdelay $0x3  }
0xf: {  	_ =	strace s4  }
0x10: {  	_ =	strace $0x8FFFFFFF  }
0x11: {  	s21 =	sld [smem:$0x3FDB];
	_ =	sdelay $0x1  }
0x12: {  	s5 =	simm.s32 $_scs_section_size  }
0x13: {  	s6 =	simm.s32 $_size__tile_overlayer_lowered;
	s7 =	simm.s32 $_tile_overlayer_lowered  }
0x14: {  	s24 =	simm.s32 $0x1BFF;
	s23 =	sshll.u32 s7, $0x1;
	s4 =	sadd.s32 s5, s21  }
0x15: {  	s8 =	simm.s32 $0x0;
	s22 =	sshll.u32 s6, $0x1;
	s6 =	sadd.s32 s23, s4  }
0x16: {  	[timem:s8], [sflag:s24] =	dma.local [hbm:s6], s22  }
0x17: {  	_ =	swait.ge [sflag:s24], s22  }
0x18: {  	s5 =	ssub.s32 $0x0, s22;
	[sflag:s24] =	ssyncset.done $0x0  }
0x19: {  	[sflag:s24] =	ssyncadd.s32 s5;
	_ =	sdelay $0x1  }
0x1a: {  	s25 =	simm.s32 $0x1B8B  }
0x1b: {  	_ =	swait.ge [sflag:s25], $0x1  }
0x1c: {  	[sflag:s25] =	ssyncset.done $0x0  }
0x1d: {  	s26 =	simm.s32 $0x1B8E;
	[sflag:s25] =	ssyncadd.s32 $0xFFFFFFFF  }
0x1e: {  	s27 =	simm.s32 $execute0_lowered;
	[smem:$0x3FD2] =	sst s26  }
0x1f: {  	s5 =	sshll.u32 s27, $0x1;
	_ =	strace $0x80000046;
	[dreg:$0x1] =	wrdreg $0xFFFFFFFF  }
0x20: {  	s28 =	simm.s32 $_size_execute0_lowered;
	s4 =	sadd.s32 s4, s5;
	[dreg:$0x0] =	wrdreg $0x0  }
0x21: {  	s5 =	sshll.u32 s28, $0x1;
	[dreg:$0x2] =	wrdreg s4  }
0x22: {  	[dreg:$0x3] =	wrdreg s5  }
0x23: {  	[dreg:$0x4] =	wrdreg $0xC0  }
0x24: {  	_ =	task [dreg:s8], $0x5FFFF  }
0x25: {  	[dreg:$0x1] =	wrdreg $0xFFFFFFFF  }
0x26: {  	[dreg:$0x0] =	wrdreg $0x60  }
0x27: {  	[dreg:$0x2] =	wrdreg s2  }
0x28: {  	[dreg:$0x3] =	wrdreg s20  }
0x29: {  	[dreg:$0x4] =	wrdreg $0x9  }
0x2a: {  	_ =	task.clear_ibuf [dreg:s8], $0x5FFFF;
	_ =	strace $0x90000046  }
0x2b: {  	s29 =	simm.s32 $0x9;
	_ =	strace $0x80000048  }
0x2c: {  	_ =	swait.ge [sflag:s29], $0x1  }
0x2d: {  	[sflag:s29] =	ssyncadd.s32 $0xFFFFFFFF  }
0x2e: {  	_ =	strace $0x90000048  }
0x2f: {  	_ =	sfence  }
0x30: {  	s30 =	sld [smem:$0x0];
	_ =	sdelay $0x2  }
0x31: {  	s31 =	sshll.u32 s1, $0xD;
	s1 =	sshrl.u32 s1, $0x2  }
0x32: {  	s3 =	sand.u32 $0x4000, s31;
	s1 =	sadd.s32 s1, s30  }
0x33: {  	s0 =	sor.u32 s3, s0;
	s1 =	sshll.u32 s1, $0x11  }
0x34: {  	s0 =	sor.u32 s1, s0  }
0x35: {  	s0 =	sadd.s32 $0x8F2B, s0  }
0x36: {  	[sflag:s0] =	ssyncadd.remote.s32 $0x1  }
0x37: {  	_ =	sfence.sel $0xFFFF  }
0x38: {  	[dreg:$0x0] =	wrdreg $0xFFFFFFFF;
	(pc) =	sbr.abs _section_cstart, $3  }
0x39: {  	[dreg:$0x1] =	wrdreg $0xFFFFFFFF  }
0x3a: {  	_ =	task.clear_ibuf [dreg:s8], $0x2FFFF;
	_ =	strace $0x9FFFFFFF  }
0x3b: {  	(tm) =	ssettm $0x7FFFFFFF  }
tec
execute0_lowered:
.L_overlay_start_1:
0x0: {  	(tag) =	ssettag $0x1  }
0x1: {  	s0 =	srdreg.scid  }
0x2: {  	s1 =	sshll.u32 s0, $0x4  }
0x3: {  	s2 =	rddreg [dreg:$0x0];
	s0 =	stileid.u32;
	s1 =	sand.u32 $0x10, s1  }
0x4: {  	s4 =	rddreg [dreg:$0x1];
	s1 =	sor.u32 s0, s1  }
0x5: {  	s7 =	simm.s32 $0x1;
	s8 =	simm.s32 $0x2;
	s3 =	sshll.u32 s1, $0x2  }
0x6: {  	s9 =	simm.s32 $0x0;
	s12 =	simm.s32 $0x0;
	s6 =	ssub.s32 $0x1800, s3  }
.Ltmp0:
0x7: {  	s11 =	simm.s32 $0x0;
	s5 =	sand.u32 $0x7C, s6;
	(pc) =	sbr.rel .LBB1_1-.Ltmp0, $4  }
0x8: {  	s1 =	rddreg [dreg:$0x2];
	_ =	strace $0x80000047;
	p0 =	sne.s32 s5, $0x0  }
0x9: {  	s6 =	sshrl.u32 s6, $0x7;
	s5 =	simm.s32 $0x1;
	s7 =	simm.s32 @!p0 $0x0  }
0xa: {  	s10 =	smov.u32 s3;
	[sflag:s5] =	ssyncpa.u1 $0x0;
	s6 =	sadd.s32 s7, s6  }
0xb: {  	[sflag:s8] =	ssyncpa.u1 $0x0;
	s8 =	simm.s32 $0x0;
	s7 =	sadd.s32 $0x1, s6  }
.LBB1_9:
0xc: {  	s14 =	sadd.s32 $0x80, s10  }
0xd: {  	p1 =	sgt.s32 s14, $0x17FF  }
0xe: {  	s14 =	smov.u32 @p1 s3;
	p1 =	sne.s32 s11, s7  }
.Ltmp1:
0xf: {  	p0 =	slt.u32 s11, $0x2;
	(pc) =	sbr.rel @!p1 .LBB1_10-.Ltmp1, $4  }
0x10: {  	s13 =	simm.s32 @!p0 $0x2  }
0x11: {  	s15 =	sadd.s32 $0x1, s11;
	_ =	swait.ge @!p0 [sflag:s13], $0x4000  }
0x12: {  	s12 =	smov.u32 s10;
	s9 =	sadd.s32 $0x4000, s9;
	[sflag:s13] =	ssyncset.done @!p0 $0x0  }
0x13: {  	s11 =	smov.u32 s15;
	s10 =	smov.u32 s14;
	[sflag:s13] =	ssyncadd.s32 @!p0 $0xFFFFC000  }
.LBB1_1:
0x14: {  	p0 =	sge.u32 s11, s6  }
0x15: {  	s13 =	sxor.u32 @!p0 $0xFFFFFFFF, s11  }
0x16: {  	s31 =	sadd.s32 $0xFFFFFFFF, s11;
	s14 =	sshll.u32 @!p0 s10, $0x9;
	s13 =	sshll.u32 @!p0 s13, $0xE  }
0x17: {  	s15 =	simm.s32 @!p0 $0x0;
	s14 =	sadd.s32 @!p0 s2, s14;
	s13 =	sand.u32 @!p0 $0x4000, s13  }
0x18: {  	[tilespmem:s13], [sflag:$0x1] =	stream.linear.gather @!p0 [hbm4b:s14+s15], $0x4000, $0x38;
	[tilespmem:$0x10000] =	vst v63  }
0x19: {  	p0 =	sge.u32 s31, s6  }
.Ltmp2:
0x1a: {  	_ = 	snop;
	(pc) =	sbr.rel @p0 .LBB1_9-.Ltmp2, $1  }
0x1b: {  	_ =	sdelay $0x3  }
0x1c: {  	s14 =	sand.u32 $0x4000, s9  }
0x1d: {  	_ =	swait.ge [sflag:s5], $0x4000;
	s15 =	sshll.u32 s11, $0xE;
	s16 =	simm.s32 $0x0  }
0x1e: {  	s13 =	sor.u32 $0x40, s14;
	[sflag:s5] =	ssyncset.done $0x0;
	s15 =	sand.u32 $0x4000, s15  }
0x1f: {  	s14 =	sor.u32 $0x8040, s14;
	[sflag:s5] =	ssyncadd.s32 $0xFFFFC000;
	s15 =	sor.u32 $0x8000, s15  }
.LBB1_3:
0x20: {  	s17 =	smov.u32 s14;
	s18 =	smov.u32 s13;
	s19 =	simm.s32 $0x0  }
.LBB1_4:
0x21: {  	v0 =	vmov s17;
	v2 =	vld [tilespmem:s18+$0x30]  }
0x22: {  	v4 =	vld [tilespmem:s18+$0xFFFFFFD0]  }
0x23: {  	v6 =	vld [tilespmem:s18+$0xFFFFFFE0]  }
0x24: {  	v7 =	vld [tilespmem:s18+$0xFFFFFFF0]  }
0x25: {  	s20 =	simm.s32 $0x0;
	v1 =	vld [tilespmem:s18+$0x0]  }
0x26: {  	v3 =	vld [tilespmem:s18+$0x10];
	[tilespmem:v0+s20+$0x30 ss:$0x1] =	vst.idx.msk $0xffff, v2  }
0x27: {  	v5 =	vld [tilespmem:s18+$0x20];
	[tilespmem:v0+s20+$0xFFFFFFD0 ss:$0x1] =	vst.idx.msk $0xffff, v4  }
0x28: {  	s21 =	sadd.s32 $0x80, s18;
	v2 =	vld [tilespmem:s18+$0xFFFFFFC0];
	[tilespmem:v0+s20+$0xFFFFFFE0 ss:$0x1] =	vst.idx.msk $0xffff, v6  }
0x29: {  	s22 =	simm.s32 $0x800;
	s23 =	simm.s32 $0x1000;
	v4 =	vld [tilespmem:s21+$0x30];
	[tilespmem:v0+s20+$0xFFFFFFF0 ss:$0x1] =	vst.idx.msk $0xffff, v7  }
.LBB1_5:
0x2a: {  	p0 =	sne.s32 s23, $0x3800;
	v6 =	vld [tilespmem:s21+$0xFFFFFFD0];
	[tilespmem:v0+s20+$0x0 ss:$0x1] =	vst.idx.msk $0xffff, v1  }
0x2b: {  	v7 =	vld [tilespmem:s21+$0xFFFFFFE0];
	[tilespmem:v0+s20+$0x10 ss:$0x1] =	vst.idx.msk $0xffff, v3  }
0x2c: {  	v8 =	vld [tilespmem:s21+$0xFFFFFFF0];
	[tilespmem:v0+s20+$0x20 ss:$0x1] =	vst.idx.msk $0xffff, v5  }
.Ltmp3:
0x2d: {  	v1 =	vld [tilespmem:s21+$0x0];
	[tilespmem:v0+s20+$0xFFFFFFC0 ss:$0x1] =	vst.idx.msk $0xffff, v2;
	s20 =	sshra.s32 s22, $0x2;
	s22 =	smov.u32 s23;
	(pc) =	sbr.rel @p0 .LBB1_5-.Ltmp3, $4  }
0x2e: {  	v3 =	vld [tilespmem:s21+$0x10];
	[tilespmem:v0+s20+$0x30 ss:$0x1] =	vst.idx.msk $0xffff, v4  }
0x2f: {  	[tilespmem:v0+s20+$0xFFFFFFD0 ss:$0x1] =	vst.idx.msk $0xffff, v6;
	v5 =	vld [tilespmem:s21+$0x20]  }
0x30: {  	v2 =	vld [tilespmem:s21+$0xFFFFFFC0];
	[tilespmem:v0+s20+$0xFFFFFFE0 ss:$0x1] =	vst.idx.msk $0xffff, v7;
	s21 =	sadd.s32 $0x80, s21  }
0x31: {  	s23 =	sadd.s32 $0x800, s23;
	v4 =	vld [tilespmem:s21+$0x30];
	[tilespmem:v0+s20+$0xFFFFFFF0 ss:$0x1] =	vst.idx.msk $0xffff, v8  }
0x32: {  	_ =	sdelay $0x3  }
0x33: {  	v6 =	vld [tilespmem:s21+$0xFFFFFFD0];
	[tilespmem:v0+s20+$0x0 ss:$0x1] =	vst.idx.msk $0xffff, v1  }
0x34: {  	v58 =	vld [tilespmem:s21+$0xFFFFFFE0];
	[tilespmem:v0+s20+$0x10 ss:$0x1] =	vst.idx.msk $0xffff, v3  }
0x35: {  	v59 =	vld [tilespmem:s21+$0xFFFFFFF0];
	[tilespmem:v0+s20+$0x20 ss:$0x1] =	vst.idx.msk $0xffff, v5  }
0x36: {  	s22 =	sshra.s32 s22, $0x2;
	v60 =	vld [tilespmem:s21+$0x0];
	[tilespmem:v0+s20+$0xFFFFFFC0 ss:$0x1] =	vst.idx.msk $0xffff, v2  }
0x37: {  	v61 =	vld [tilespmem:s21+$0x10];
	[tilespmem:v0+s22+$0x30 ss:$0x1] =	vst.idx.msk $0xffff, v4  }
0x38: {  	v62 =	vld [tilespmem:s21+$0x20];
	s19 =	sadd.s32 $0x1, s19;
	[tilespmem:v0+s22+$0xFFFFFFD0 ss:$0x1] =	vst.idx.msk $0xffff, v6  }
0x39: {  	v63 =	vld [tilespmem:s21+$0xFFFFFFC0];
	p0 =	sne.s32 s19, $0x4;
	[tilespmem:v0+s22+$0xFFFFFFE0 ss:$0x1] =	vst.idx.msk $0xffff, v58  }
.Ltmp4:
0x3a: {  	[tilespmem:v0+s22+$0xFFFFFFF0 ss:$0x1] =	vst.idx.msk $0xffff, v59;
	(pc) =	sbr.rel @p0 .LBB1_4-.Ltmp4, $4  }
0x3b: {  	[tilespmem:v0+s22+$0x0 ss:$0x1] =	vst.idx.msk $0xffff, v60  }
0x3c: {  	[tilespmem:v0+s22+$0x10 ss:$0x1] =	vst.idx.msk $0xffff, v61  }
0x3d: {  	[tilespmem:v0+s22+$0x20 ss:$0x1] =	vst.idx.msk $0xffff, v62  }
0x3e: {  	s18 =	sadd.s32 $0x400, s18;
	s17 =	sadd.s32 $0x80, s17;
	[tilespmem:v0+s22+$0xFFFFFFC0 ss:$0x1] =	vst.idx.msk $0xffff, v63  }
0x3f: {  	s16 =	sadd.s32 $0x1, s16  }
0x40: {  	p0 =	sne.s32 s16, $0x4  }
.Ltmp5:
0x41: {  	_ = 	snop;
	(pc) =	sbr.rel @p0 .LBB1_3-.Ltmp5, $2  }
0x42: {  	_ =	sdelay $0x2  }
0x43: {  	s13 =	sadd.s32 $0x1000, s13;
	s14 =	sadd.s32 $0x1000, s14  }
.Ltmp6:
0x44: {  	(pc) =	sbr.rel .LBB1_9-.Ltmp6, $4  }
0x45: {  	_ = 	snop  }
0x46: {  	s12 =	sshll.u32 s12, $0x9  }
0x47: {  	s12 =	sadd.s32 s4, s12  }
0x48: {  	[hbm4b:s12+s8] =	stream.linear.scatter [tilespmem:s15], [sflag:$0x2], $0x4000, $0x38;
	[tilespmem:$0x10000] =	vst v63  }
.LBB1_10:
0x49: {  	_ =	sfence.sel $0x180000  }
0x4a: {  	s2 =	simm.s32 $0x1;
	[bflag:$0x0] =	sbarrier.arrive $0xFFFF  }
0x4b: {  	s31 =	simm.s32 $0x2;
	[sflag:s2] =	ssyncpa.u1 $0x1  }
0x4c: {  	[sflag:s31] =	ssyncpa.u1 $0x1  }
0x4d: {  	p0 =	sne.s32 s0, $0x0;
	_ =	strace $0x90000047  }
0x4e: {  	s0 =	sadd.s32 @!p0 $0x100000, s1;
	[bflag:$0x2] =	sbarrier.arrive $0xFFFF  }
0x4f: {  	[sflag:s0] =	ssyncadd.tile.s32 @!p0 $0x1;
	_ =	shalt  }
.Lfunc_end1:
_tile_overlayer_lowered:
.L_overlay_start_2:
0x50: {  	(tag) =	ssettag $0x2  }
0x51: {  	s0 =	rddreg [dreg:$0x0];
	s2 =	stileid.u32  }
0x52: {  	s1 =	rddreg [dreg:$0x1];
	p0 =	sne.s32 s2, $0x0  }
0x53: {  	s3 =	rddreg [dreg:$0x2];
	[bflag:$0x3] =	sbarrier.arrive $0xFFFF;
	s2 =	simm.s32 @!p0 $0x1C01  }
0x54: {  	[timem:s3], [sflag:s2] =	dma.local @!p0 [hbm:s0], s1  }
0x55: {  	s0 =	simm.s32 @!p0 $0x1  }
0x56: {  	_ =	swait.ge @!p0 [sflag:s0], s1  }
0x57: {  	s1 =	ssub.s32 @!p0 $0x0, s1;
	[sflag:s0] =	ssyncset.done @!p0 $0x0  }
0x58: {  	[sflag:s0] =	ssyncadd.s32 @!p0 s1  }
0x59: {  	[bflag:$0x3] =	sbarrier.arrive $0xFFFF  }
0x5a: {  	_ =	shalt  }

</sc_bundles>
